<compile_context>
chip_gen: v7x
topology: tpu7x:2x2x1
jax: 0.10.2.dev20260603
libtpu: 0.0.44.dev20260713+nightly
codegen_flags: <defaults>
</compile_context>

<pallas_src>
import functools

import jax
from jax import lax
import jax.numpy as jnp
from jax.experimental import pallas as pl
from jax.experimental.pallas import tpu as pltpu
from jax.experimental.pallas import tpu_sc as plsc

_B, _N, _J, _K, _DC, _W = 4, 8192, 1024, 5, 69, 256
_TILE = 1024
_INT_MAX = jnp.iinfo(jnp.int32).max
_NWORKERS = 32
_CHUNK = _B * _N // 2 // _NWORKERS
_LANES = 16



def _tm_body(nodesT_ref, cond_ref, ro_ref, trans_ref, scale_ref,
             w0aT_ref, w0bT_ref, b0T_ref, w1T_ref, b1T_ref, w2T_ref, b2T_ref,
             out_ref, a_ref):
    f32 = jnp.float32
    nodesT = nodesT_ref[...]
    h = jnp.dot(w0aT_ref[...], nodesT, preferred_element_type=f32)
    cond_c = jnp.dot(w0bT_ref[...], cond_ref[0], preferred_element_type=f32)
    h = jnp.maximum(h + cond_c + b0T_ref[...], 0.0)
    h = jnp.maximum(jnp.dot(w1T_ref[...], h, preferred_element_type=f32)
                    + b1T_ref[...], 0.0)
    tfT = jnp.dot(w2T_ref[...], h, preferred_element_type=f32) + b2T_ref[...]

    a0, a1, a2 = tfT[0:1, :], tfT[1:2, :], tfT[2:3, :]
    t0, t1, t2 = tfT[3:4, :], tfT[4:5, :], tfT[5:6, :]

    def rodrigues(a0, a1, a2):
        norm = jnp.sqrt((a0 + 1e-8) ** 2 + (a1 + 1e-8) ** 2 + (a2 + 1e-8) ** 2)
        half = norm * 0.5
        cw = jnp.cos(half)
        sw = jnp.sin(half)
        inv = sw / norm
        qw, qx, qy, qz = cw, a0 * inv, a1 * inv, a2 * inv
        qn = jax.lax.rsqrt(qw * qw + qx * qx + qy * qy + qz * qz)
        qw, qx, qy, qz = qw * qn, qx * qn, qy * qn, qz * qn
        w2, x2, y2, z2 = qw * qw, qx * qx, qy * qy, qz * qz
        wx, wy, wz = qw * qx, qw * qy, qw * qz
        xy, xz, yz = qx * qy, qx * qz, qy * qz
        r00 = w2 + x2 - y2 - z2
        r01 = 2 * xy - 2 * wz
        r02 = 2 * wy + 2 * xz
        r10 = 2 * wz + 2 * xy
        r11 = w2 - x2 + y2 - z2
        r12 = 2 * yz - 2 * wx
        r20 = 2 * xz - 2 * wy
        r21 = 2 * wx + 2 * yz
        r22 = w2 - x2 - y2 + z2
        return ((r00, r01, r02), (r10, r11, r12), (r20, r21, r22))

    r = rodrigues(a0, a1, a2)
    g = rodrigues(ro_ref[0, 0:1, 0:1], ro_ref[0, 0:1, 1:2], ro_ref[0, 0:1, 2:3])
    s = scale_ref[0, 0:1, 0:1]

    rows = []
    for i in range(3):
        gi0, gi1, gi2 = g[i][0], g[i][1], g[i][2]
        for j in range(3):
            rows.append((gi0 * r[0][j] + gi1 * r[1][j] + gi2 * r[2][j]) * s)
        tr_i = trans_ref[0, 0:1, i:i + 1]
        rows.append((gi0 * t0 + gi1 * t1 + gi2 * t2) * s + tr_i * s)
    zero = jnp.zeros_like(a0)
    one = zero + 1.0
    rows.extend([zero, zero, zero, one])
    out_ref[0] = jnp.concatenate(rows, axis=0).T

    nn = (nodesT[0:1] * nodesT[0:1] + nodesT[1:2] * nodesT[1:2]
          + nodesT[2:3] * nodesT[2:3])
    aT = jnp.concatenate(
        [nodesT * -2.0, nn, one, zero, zero, zero], axis=0)
    a_ref[0] = aT.T


def _knn_body(xT_ref, a_ref, idx_ref, w_ref, tiles_per_batch, tile_offset):
    f32 = jnp.float32
    xT = xT_ref[...]
    x0, x1, x2 = xT[0:1, :], xT[1:2, :], xT[2:3, :]
    xx = x0 * x0 + x1 * x1 + x2 * x2
    one = jnp.ones_like(xx)
    zero = jnp.zeros_like(xx)
    R = jnp.concatenate([xT, one, xx, zero, zero, zero], axis=0)
    d2 = jnp.dot(a_ref[0], R, preferred_element_type=f32)

    ibits = jax.lax.bitcast_convert_type(d2, jnp.int32)
    iota = jax.lax.broadcasted_iota(jnp.int32, d2.shape, 0)
    key = jnp.bitwise_or(jnp.bitwise_and(ibits, -1024), iota)

    base = ((pl.program_id(0) + tile_offset) // tiles_per_batch) * _J
    kA = jnp.minimum(key[:_J // 2], key[_J // 2:])
    kB = jnp.maximum(key[:_J // 2], key[_J // 2:])
    idxs = []
    ws = []
    for k in range(_K):
        m = jnp.min(kA, axis=0, keepdims=True)
        d2k = jax.lax.bitcast_convert_type(jnp.bitwise_and(m, -1024), f32)
        dk = jnp.minimum(jnp.sqrt(jnp.maximum(d2k, 1e-12)), 1.0)
        ws.append(-jnp.log(dk - 1e-6))
        idxs.append(jnp.bitwise_and(m, 1023) + base)
        if k + 1 < _K:
            sel = kA == m
            kA = jnp.where(sel, kB, kA)
            kB = jnp.where(sel, _INT_MAX, kB)

    wmat = jnp.concatenate(ws, axis=0)
    wsum = ws[0] + ws[1] + ws[2] + ws[3] + ws[4]
    idx_ref[...] = jnp.concatenate(idxs, axis=0)
    w_ref[...] = wmat / wsum


def _sc_apply_body(table_hbm, idx_hbm, w_hbm, xT_hbm, out_hbm,
                   tab_v, idx_v, w_v, x_v, o_v):
    f32 = jnp.float32
    wid = lax.axis_index("s") * 2 + lax.axis_index("c")
    base = wid * _CHUNK
    pltpu.sync_copy(table_hbm, tab_v)
    pltpu.sync_copy(idx_hbm.at[:, pl.ds(base, _CHUNK)], idx_v)
    pltpu.sync_copy(w_hbm.at[:, pl.ds(base, _CHUNK)], w_v)
    pltpu.sync_copy(xT_hbm.at[:, pl.ds(base, _CHUNK)], x_v)

    def body(g, carry):
        sl = pl.ds(g * _LANES, _LANES)
        acc = None
        for k in range(_K):
            fbase = idx_v[k, sl] * 16
            wv = w_v[k, sl]
            vals = [plsc.load_gather(tab_v, [fbase + c]) for c in range(12)]
            if acc is None:
                acc = [wv * v for v in vals]
            else:
                acc = [a + wv * v for a, v in zip(acc, vals)]
        x0 = x_v[0, sl]
        x1 = x_v[1, sl]
        x2 = x_v[2, sl]
        o_v[0, sl] = acc[0] * x0 + acc[1] * x1 + acc[2] * x2 + acc[3]
        o_v[1, sl] = acc[4] * x0 + acc[5] * x1 + acc[6] * x2 + acc[7]
        o_v[2, sl] = acc[8] * x0 + acc[9] * x1 + acc[10] * x2 + acc[11]
        return carry

    lax.fori_loop(0, _CHUNK // _LANES, body, 0)
    pltpu.sync_copy(o_v, out_hbm.at[:, pl.ds(base, _CHUNK)])


def kernel(x, nodes, cond_smpl, smpl_root_orient, smpl_trans, scale,
           W0, b0, W1, b1, W2, b2):
    B, N, _ = x.shape
    J = nodes.shape[0]
    W = W1.shape[0]
    f32 = jnp.float32

    nodesT = nodes.T
    w0aT = W0[:3].T
    w0bT = W0[3:].T
    w1T = W1.T
    w2T = jnp.pad(W2, ((0, 0), (0, 2))).T
    b0T = b0.reshape(W, 1)
    b1T = b1.reshape(W, 1)
    b2T = jnp.pad(b2, (0, 2)).reshape(8, 1)

    tm, a_mat = pl.pallas_call(
        _tm_body,
        grid=(B,),
        in_specs=[
            pl.BlockSpec((3, J), lambda b: (0, 0)),
            pl.BlockSpec((1, _DC, 1), lambda b: (b, 0, 0)),
            pl.BlockSpec((1, 1, 3), lambda b: (b, 0, 0)),
            pl.BlockSpec((1, 1, 3), lambda b: (b, 0, 0)),
            pl.BlockSpec((1, 1, 1), lambda b: (b, 0, 0)),
            pl.BlockSpec((W, 3), lambda b: (0, 0)),
            pl.BlockSpec((W, _DC), lambda b: (0, 0)),
            pl.BlockSpec((W, 1), lambda b: (0, 0)),
            pl.BlockSpec((W, W), lambda b: (0, 0)),
            pl.BlockSpec((W, 1), lambda b: (0, 0)),
            pl.BlockSpec((8, W), lambda b: (0, 0)),
            pl.BlockSpec((8, 1), lambda b: (0, 0)),
        ],
        out_specs=[
            pl.BlockSpec((1, J, 16), lambda b: (b, 0, 0)),
            pl.BlockSpec((1, J, 8), lambda b: (0, 0, 0)),
        ],
        out_shape=[
            jax.ShapeDtypeStruct((B, J, 16), f32),
            jax.ShapeDtypeStruct((1, J, 8), f32),
        ],
    )(nodesT, cond_smpl.reshape(B, _DC, 1), smpl_root_orient.reshape(B, 1, 3),
      smpl_trans.reshape(B, 1, 3), scale.reshape(B, 1, 1),
      w0aT, w0bT, b0T, w1T, b1T, w2T, b2T)

    BN = B * N
    half = BN // 2
    xT2d = x.reshape(BN, 3).T
    tiles_per_batch = N // _TILE
    table = tm.reshape(B * J * 16)

    mesh = plsc.VectorSubcoreMesh(core_axis_name="c", subcore_axis_name="s")
    sc_apply = functools.partial(
        pl.kernel,
        mesh=mesh,
        compiler_params=pltpu.CompilerParams(needs_layout_passes=False),
        out_type=jax.ShapeDtypeStruct((3, half), f32),
        scratch_types=[
            pltpu.VMEM((B * J * 16,), f32),
            pltpu.VMEM((_K, _CHUNK), jnp.int32),
            pltpu.VMEM((_K, _CHUNK), f32),
            pltpu.VMEM((3, _CHUNK), f32),
            pltpu.VMEM((3, _CHUNK), f32),
        ],
    )(_sc_apply_body)

    xcT_halves = []
    for h in range(2):
        xT_h = jax.lax.slice(xT2d, (0, h * half), (3, (h + 1) * half))
        idx_h, w_h = pl.pallas_call(
            functools.partial(_knn_body, tiles_per_batch=tiles_per_batch,
                              tile_offset=h * (half // _TILE)),
            grid=(half // _TILE,),
            in_specs=[
                pl.BlockSpec((3, _TILE), lambda i: (0, i)),
                pl.BlockSpec((1, J, 8), lambda i: (0, 0, 0)),
            ],
            out_specs=[
                pl.BlockSpec((_K, _TILE), lambda i: (0, i)),
                pl.BlockSpec((_K, _TILE), lambda i: (0, i)),
            ],
            out_shape=[
                jax.ShapeDtypeStruct((_K, half), jnp.int32),
                jax.ShapeDtypeStruct((_K, half), f32),
            ],
        )(xT_h, a_mat)
        xcT_halves.append(sc_apply(table, idx_h, w_h, xT_h))

    xcT = jnp.concatenate(xcT_halves, axis=1)
    return xcT.T.reshape(B, N, 3)

# --- scband reference (transcript-rebuilt; emitter-appended) ---
"""Pipeline reference for scband-deformation-graph-7567732376324 (READ-ONLY COPY).

The authoritative reference and input builder live on the scoring server;
editing this copy changes nothing except your own understanding.
"""

import jax, jax.numpy as jnp
import numpy as np

B, N, J, K, DC, W = 4, 8192, 1024, 5, 69, 256


def quat2mat(quat):
    nq = quat / jnp.linalg.norm(quat, axis=1, keepdims=True)
    w, x, y, z = nq[:, 0], nq[:, 1], nq[:, 2], nq[:, 3]
    w2, x2, y2, z2 = w * w, x * x, y * y, z * z
    wx, wy, wz = w * x, w * y, w * z
    xy, xz, yz = x * y, x * z, y * z
    rot = jnp.stack([
        w2 + x2 - y2 - z2, 2 * xy - 2 * wz, 2 * wy + 2 * xz,
        2 * wz + 2 * xy, w2 - x2 + y2 - z2, 2 * yz - 2 * wx,
        2 * xz - 2 * wy, 2 * wx + 2 * yz, w2 - x2 - y2 + z2
    ], axis=1)
    return rot.reshape(-1, 3, 3)


def batch_rodrigues(axisang):
    norm = jnp.linalg.norm(axisang + 1e-8, axis=1)
    angle = norm[:, None]
    normalized = axisang / angle
    half = angle * 0.5
    quat = jnp.concatenate([jnp.cos(half), jnp.sin(half) * normalized], axis=1)
    return quat2mat(quat)


def to_transform_mat(R, t):
    Rp = jnp.pad(R, ((0, 0), (0, 1), (0, 0)))
    tp = jnp.pad(t, ((0, 0), (0, 1), (0, 0)), constant_values=1.0)
    return jnp.concatenate([Rp, tp], axis=2)


def setup_inputs(seed: int = 0):
    key = jax.random.key(seed)
    ks = jax.random.split(key, 12)
    x = jax.random.normal(ks[0], (B, N, 3), jnp.float32)
    nodes = jax.random.normal(ks[1], (J, 3), jnp.float32)
    cond_smpl = jax.random.normal(ks[2], (B, DC), jnp.float32)
    smpl_root_orient = jax.random.normal(ks[3], (B, 3), jnp.float32)
    smpl_trans = jax.random.normal(ks[4], (B, 3), jnp.float32)
    scale = jax.random.uniform(ks[5], (B, 1), jnp.float32, 0.5, 1.5)
    W0 = jax.random.normal(ks[6], (3 + DC, W), jnp.float32) * 0.05
    b0 = jnp.zeros((W,), jnp.float32)
    W1 = jax.random.normal(ks[7], (W, W), jnp.float32) * 0.05
    b1 = jnp.zeros((W,), jnp.float32)
    W2 = jax.random.normal(ks[8], (W, 6), jnp.float32) * 0.05
    b2 = jnp.zeros((6,), jnp.float32)
    return {"x": x, "nodes": nodes, "cond_smpl": cond_smpl,
            "smpl_root_orient": smpl_root_orient, "smpl_trans": smpl_trans,
            "scale": scale, "W0": W0, "b0": b0, "W1": W1, "b1": b1,
            "W2": W2, "b2": b2}


def reference(x, nodes, cond_smpl, smpl_root_orient, smpl_trans, scale,
              W0, b0, W1, b1, W2, b2):
    Bv, Nv, _ = x.shape
    Jv = nodes.shape[0]
    # --- get_transformation: ImplicitNet(nodes, cond) -> per-node axis-angle + trans ---
    nodes_b = jnp.broadcast_to(nodes[None], (Bv, Jv, 3))
    cond_b = jnp.broadcast_to(cond_smpl[:, None, :], (Bv, Jv, cond_smpl.shape[-1]))
    inp = jnp.concatenate([nodes_b, cond_b], axis=-1)
    h = jax.nn.relu(inp @ W0 + b0)
    h = jax.nn.relu(h @ W1 + b1)
    tf = h @ W2 + b2  # [B, J, 6]
    rot = tf[..., :3].reshape(Bv * Jv, 3)
    trans = tf[..., 3:].reshape(Bv * Jv, 3, 1)
    tm = to_transform_mat(batch_rodrigues(rot), trans).reshape(Bv, Jv, 4, 4)
    # --- lbs=True: compose with root orient, scale, translation ---
    root_T = to_transform_mat(batch_rodrigues(smpl_root_orient),
                              jnp.zeros((Bv, 3, 1), x.dtype))[:, None]
    tm = jnp.matmul(jnp.broadcast_to(root_T, tm.shape), tm)
    s = scale[:, None, None]  # [B,1,1,1]
    tm = tm.at[:, :, :3, :].set(tm[:, :, :3, :] * s)
    tm = tm.at[:, :, :3, 3].set(tm[:, :, :3, 3] + smpl_trans[:, None, :] * scale[:, None, :])
    # --- KNN (inverse=False): brute-force distances + top_k (pytorch3d knn_points) ---
    xq = x.reshape(Bv * Nv, 3)
    d2 = (jnp.sum(xq * xq, axis=1, keepdims=True)
          - 2.0 * (xq @ nodes.T)
          + jnp.sum(nodes * nodes, axis=1)[None, :])  # [B*N, J]
    neg_vals, nn_index = jax.lax.top_k(-d2, K)
    distance = jnp.sqrt(jnp.maximum(-neg_vals, 1e-12))
    distance = jnp.minimum(distance, 1.0)
    weights = -jnp.log(distance - 1e-6)
    weights = weights / jnp.sum(weights, axis=-1, keepdims=True)
    BN = Bv * Nv
    sw = jnp.zeros((BN, Jv), x.dtype).at[jnp.arange(BN)[:, None], nn_index].set(weights)
    sw = sw.reshape(Bv, Nv, Jv)
    # --- linear blend skinning ---
    x_h = jnp.concatenate([x, jnp.ones((Bv, Nv, 1), x.dtype)], axis=-1)
    T = jnp.einsum('bpn,bnij->bpij', sw, tm)
    xc = jnp.einsum('bpij,bpj->bpi', T, x_h)[:, :, :3]
    return xc

if __name__ == "__main__":
    import jax
    _d = setup_inputs()
    print(jax.jit(kernel)(*tuple(_d.values())))

</pallas_src>

<mosaic_0001>
#map = affine_map<(d0, d1) -> (0)>
#map1 = affine_map<(d0, d1) -> (0, 0)>
module attributes {stable_mosaic.version = 14 : i64} {
  func.func @_sc_apply_body(%arg0: i32, %arg1: i32, %arg2: memref<65536xf32, #tpu.memory_space<hbm>>, %arg3: memref<5x16384xi32, #tpu.memory_space<hbm>>, %arg4: memref<5x16384xf32, #tpu.memory_space<hbm>>, %arg5: memref<3x16384xf32, #tpu.memory_space<hbm>>, %arg6: memref<3x16384xf32, #tpu.memory_space<hbm>>, %arg7: memref<65536xf32, #tpu.memory_space<vmem>>, %arg8: memref<5x512xi32, #tpu.memory_space<vmem>>, %arg9: memref<5x512xf32, #tpu.memory_space<vmem>>, %arg10: memref<3x512xf32, #tpu.memory_space<vmem>>, %arg11: memref<3x512xf32, #tpu.memory_space<vmem>>) attributes {dimension_semantics = [#tpu.dimension_semantics<core_parallel>, #tpu.dimension_semantics<subcore_parallel>], iteration_bounds = array<i64: 2, 16>, scalar_prefetch = 0 : i64, scratch_operands = 5 : i64, tpu.core_type = #tpu.core_type<sc_vector_subcore>, window_params = [{transform_indices = #map}, {transform_indices = #map1}, {transform_indices = #map1}, {transform_indices = #map1}, {transform_indices = #map1}]} {
    %mul3A = arith.constant 2 : i32
    %mul3A_0 = arith.muli %arg1, %mul3A : i32
    %add3A = arith.addi %mul3A_0, %arg0 : i32
    %mul3A_1 = arith.constant 512 : i32
    %mul3A_2 = arith.muli %add3A, %mul3A_1 : i32
    "tpu.region"() ({
      %run_scoped3A = tpu.sem_alloc : memref<!tpu.dma_semaphore, #tpu.memory_space<semaphore_mem>>
      tpu.enqueue_dma source(%arg2 : memref<65536xf32, #tpu.memory_space<hbm>>) target(%arg7 : memref<65536xf32, #tpu.memory_space<vmem>>) target_semaphore(%run_scoped3A : memref<!tpu.dma_semaphore, #tpu.memory_space<semaphore_mem>>)
      tpu.wait_dma2 semaphore(%run_scoped3A : memref<!tpu.dma_semaphore, #tpu.memory_space<semaphore_mem>>) src(%arg2 : memref<65536xf32, #tpu.memory_space<hbm>>) dst(%arg7 : memref<65536xf32, #tpu.memory_space<vmem>>)
      tpu.yield
    }) : () -> ()
    "tpu.region"() ({
      %run_scoped3A = tpu.sem_alloc : memref<!tpu.dma_semaphore, #tpu.memory_space<semaphore_mem>>
      %dma_start3A = arith.constant 0 : i32
      %dma_start3A_8 = tpu.memref_slice %arg3[%dma_start3A, %mul3A_2] : memref<5x16384xi32, #tpu.memory_space<hbm>> -> memref<5x512xi32, #tpu.memory_space<hbm>>
      %dma_start3A_9 = arith.constant 0 : i32
      %dma_start3A_10 = tpu.memref_slice %arg3[%dma_start3A_9, %mul3A_2] : memref<5x16384xi32, #tpu.memory_space<hbm>> -> memref<5x512xi32, #tpu.memory_space<hbm>>
      tpu.enqueue_dma source(%dma_start3A_10 : memref<5x512xi32, #tpu.memory_space<hbm>>) target(%arg8 : memref<5x512xi32, #tpu.memory_space<vmem>>) target_semaphore(%run_scoped3A : memref<!tpu.dma_semaphore, #tpu.memory_space<semaphore_mem>>)
      %dma_wait3A = arith.constant 0 : i32
      %dma_wait3A_11 = tpu.memref_slice %arg3[%dma_wait3A, %mul3A_2] : memref<5x16384xi32, #tpu.memory_space<hbm>> -> memref<5x512xi32, #tpu.memory_space<hbm>>
      %dma_wait3A_12 = arith.constant 0 : i32
      %dma_wait3A_13 = tpu.memref_slice %arg3[%dma_wait3A_12, %mul3A_2] : memref<5x16384xi32, #tpu.memory_space<hbm>> -> memref<5x512xi32, #tpu.memory_space<hbm>>
      tpu.wait_dma2 semaphore(%run_scoped3A : memref<!tpu.dma_semaphore, #tpu.memory_space<semaphore_mem>>) src(%dma_wait3A_13 : memref<5x512xi32, #tpu.memory_space<hbm>>) dst(%arg8 : memref<5x512xi32, #tpu.memory_space<vmem>>)
      tpu.yield
    }) : () -> ()
    "tpu.region"() ({
      %run_scoped3A = tpu.sem_alloc : memref<!tpu.dma_semaphore, #tpu.memory_space<semaphore_mem>>
      %dma_start3A = arith.constant 0 : i32
      %dma_start3A_8 = tpu.memref_slice %arg4[%dma_start3A, %mul3A_2] : memref<5x16384xf32, #tpu.memory_space<hbm>> -> memref<5x512xf32, #tpu.memory_space<hbm>>
      %dma_start3A_9 = arith.constant 0 : i32
      %dma_start3A_10 = tpu.memref_slice %arg4[%dma_start3A_9, %mul3A_2] : memref<5x16384xf32, #tpu.memory_space<hbm>> -> memref<5x512xf32, #tpu.memory_space<hbm>>
      tpu.enqueue_dma source(%dma_start3A_10 : memref<5x512xf32, #tpu.memory_space<hbm>>) target(%arg9 : memref<5x512xf32, #tpu.memory_space<vmem>>) target_semaphore(%run_scoped3A : memref<!tpu.dma_semaphore, #tpu.memory_space<semaphore_mem>>)
      %dma_wait3A = arith.constant 0 : i32
      %dma_wait3A_11 = tpu.memref_slice %arg4[%dma_wait3A, %mul3A_2] : memref<5x16384xf32, #tpu.memory_space<hbm>> -> memref<5x512xf32, #tpu.memory_space<hbm>>
      %dma_wait3A_12 = arith.constant 0 : i32
      %dma_wait3A_13 = tpu.memref_slice %arg4[%dma_wait3A_12, %mul3A_2] : memref<5x16384xf32, #tpu.memory_space<hbm>> -> memref<5x512xf32, #tpu.memory_space<hbm>>
      tpu.wait_dma2 semaphore(%run_scoped3A : memref<!tpu.dma_semaphore, #tpu.memory_space<semaphore_mem>>) src(%dma_wait3A_13 : memref<5x512xf32, #tpu.memory_space<hbm>>) dst(%arg9 : memref<5x512xf32, #tpu.memory_space<vmem>>)
      tpu.yield
    }) : () -> ()
    "tpu.region"() ({
      %run_scoped3A = tpu.sem_alloc : memref<!tpu.dma_semaphore, #tpu.memory_space<semaphore_mem>>
      %dma_start3A = arith.constant 0 : i32
      %dma_start3A_8 = tpu.memref_slice %arg5[%dma_start3A, %mul3A_2] : memref<3x16384xf32, #tpu.memory_space<hbm>> -> memref<3x512xf32, #tpu.memory_space<hbm>>
      %dma_start3A_9 = arith.constant 0 : i32
      %dma_start3A_10 = tpu.memref_slice %arg5[%dma_start3A_9, %mul3A_2] : memref<3x16384xf32, #tpu.memory_space<hbm>> -> memref<3x512xf32, #tpu.memory_space<hbm>>
      tpu.enqueue_dma source(%dma_start3A_10 : memref<3x512xf32, #tpu.memory_space<hbm>>) target(%arg10 : memref<3x512xf32, #tpu.memory_space<vmem>>) target_semaphore(%run_scoped3A : memref<!tpu.dma_semaphore, #tpu.memory_space<semaphore_mem>>)
      %dma_wait3A = arith.constant 0 : i32
      %dma_wait3A_11 = tpu.memref_slice %arg5[%dma_wait3A, %mul3A_2] : memref<3x16384xf32, #tpu.memory_space<hbm>> -> memref<3x512xf32, #tpu.memory_space<hbm>>
      %dma_wait3A_12 = arith.constant 0 : i32
      %dma_wait3A_13 = tpu.memref_slice %arg5[%dma_wait3A_12, %mul3A_2] : memref<3x16384xf32, #tpu.memory_space<hbm>> -> memref<3x512xf32, #tpu.memory_space<hbm>>
      tpu.wait_dma2 semaphore(%run_scoped3A : memref<!tpu.dma_semaphore, #tpu.memory_space<semaphore_mem>>) src(%dma_wait3A_13 : memref<3x512xf32, #tpu.memory_space<hbm>>) dst(%arg10 : memref<3x512xf32, #tpu.memory_space<vmem>>)
      tpu.yield
    }) : () -> ()
    %scan3A = arith.constant 0 : i32
    %scan3A_3 = arith.constant 0 : i32
    %scan3A_4 = arith.constant 32 : i32
    %scan3A_5 = arith.addi %scan3A_3, %scan3A_4 : i32
    %scan3A_6 = arith.constant 1 : i32
    scf.for %scan3A_8 = %scan3A_3 to %scan3A_5 step %scan3A_6  : i32 {
      %mul3A_9 = arith.constant 16 : i32
      %mul3A_10 = arith.muli %scan3A_8, %mul3A_9 : i32
      %get3A = arith.constant 0 : i32
      %get3A_11 = arith.index_cast %get3A : i32 to index
      %get3A_12 = arith.index_cast %mul3A_10 : i32 to index
      %get3A_13 = tpu.vector_load %arg8[%get3A_11, %get3A_12] {strides = array<i32>} : memref<5x512xi32, #tpu.memory_space<vmem>>, vector<16xi32>,
      %mul3A_14 = arith.constant 16 : i32
      %mul3A_15 = vector.broadcast %mul3A_14 : i32 to vector<16xi32>
      %mul3A_16 = arith.muli %get3A_13, %mul3A_15 : vector<16xi32>
      %get3A_17 = arith.constant 0 : i32
      %get3A_18 = arith.index_cast %get3A_17 : i32 to index
      %get3A_19 = arith.index_cast %mul3A_10 : i32 to index
      %get3A_20 = tpu.vector_load %arg9[%get3A_18, %get3A_19] {strides = array<i32>} : memref<5x512xf32, #tpu.memory_space<vmem>>, vector<16xf32>,
      %add3A_21 = arith.constant 0 : i32
      %add3A_22 = vector.broadcast %add3A_21 : i32 to vector<16xi32>
      %add3A_23 = arith.addi %mul3A_16, %add3A_22 : vector<16xi32>
      %gather3A = tpu.vector_load_idx %arg7[%add3A_23] : memref<65536xf32, #tpu.memory_space<vmem>>[vector<16xi32>], vector<16xf32>,
      %add3A_24 = arith.constant 1 : i32
      %add3A_25 = vector.broadcast %add3A_24 : i32 to vector<16xi32>
      %add3A_26 = arith.addi %mul3A_16, %add3A_25 : vector<16xi32>
      %gather3A_27 = tpu.vector_load_idx %arg7[%add3A_26] : memref<65536xf32, #tpu.memory_space<vmem>>[vector<16xi32>], vector<16xf32>,
      %add3A_28 = arith.constant 2 : i32
      %add3A_29 = vector.broadcast %add3A_28 : i32 to vector<16xi32>
      %add3A_30 = arith.addi %mul3A_16, %add3A_29 : vector<16xi32>
      %gather3A_31 = tpu.vector_load_idx %arg7[%add3A_30] : memref<65536xf32, #tpu.memory_space<vmem>>[vector<16xi32>], vector<16xf32>,
      %add3A_32 = arith.constant 3 : i32
      %add3A_33 = vector.broadcast %add3A_32 : i32 to vector<16xi32>
      %add3A_34 = arith.addi %mul3A_16, %add3A_33 : vector<16xi32>
      %gather3A_35 = tpu.vector_load_idx %arg7[%add3A_34] : memref<65536xf32, #tpu.memory_space<vmem>>[vector<16xi32>], vector<16xf32>,
      %add3A_36 = arith.constant 4 : i32
      %add3A_37 = vector.broadcast %add3A_36 : i32 to vector<16xi32>
      %add3A_38 = arith.addi %mul3A_16, %add3A_37 : vector<16xi32>
      %gather3A_39 = tpu.vector_load_idx %arg7[%add3A_38] : memref<65536xf32, #tpu.memory_space<vmem>>[vector<16xi32>], vector<16xf32>,
      %add3A_40 = arith.constant 5 : i32
      %add3A_41 = vector.broadcast %add3A_40 : i32 to vector<16xi32>
      %add3A_42 = arith.addi %mul3A_16, %add3A_41 : vector<16xi32>
      %gather3A_43 = tpu.vector_load_idx %arg7[%add3A_42] : memref<65536xf32, #tpu.memory_space<vmem>>[vector<16xi32>], vector<16xf32>,
      %add3A_44 = arith.constant 6 : i32
      %add3A_45 = vector.broadcast %add3A_44 : i32 to vector<16xi32>
      %add3A_46 = arith.addi %mul3A_16, %add3A_45 : vector<16xi32>
      %gather3A_47 = tpu.vector_load_idx %arg7[%add3A_46] : memref<65536xf32, #tpu.memory_space<vmem>>[vector<16xi32>], vector<16xf32>,
      %add3A_48 = arith.constant 7 : i32
      %add3A_49 = vector.broadcast %add3A_48 : i32 to vector<16xi32>
      %add3A_50 = arith.addi %mul3A_16, %add3A_49 : vector<16xi32>
      %gather3A_51 = tpu.vector_load_idx %arg7[%add3A_50] : memref<65536xf32, #tpu.memory_space<vmem>>[vector<16xi32>], vector<16xf32>,
      %add3A_52 = arith.constant 8 : i32
      %add3A_53 = vector.broadcast %add3A_52 : i32 to vector<16xi32>
      %add3A_54 = arith.addi %mul3A_16, %add3A_53 : vector<16xi32>
      %gather3A_55 = tpu.vector_load_idx %arg7[%add3A_54] : memref<65536xf32, #tpu.memory_space<vmem>>[vector<16xi32>], vector<16xf32>,
      %add3A_56 = arith.constant 9 : i32
      %add3A_57 = vector.broadcast %add3A_56 : i32 to vector<16xi32>
      %add3A_58 = arith.addi %mul3A_16, %add3A_57 : vector<16xi32>
      %gather3A_59 = tpu.vector_load_idx %arg7[%add3A_58] : memref<65536xf32, #tpu.memory_space<vmem>>[vector<16xi32>], vector<16xf32>,
      %add3A_60 = arith.constant 10 : i32
      %add3A_61 = vector.broadcast %add3A_60 : i32 to vector<16xi32>
      %add3A_62 = arith.addi %mul3A_16, %add3A_61 : vector<16xi32>
      %gather3A_63 = tpu.vector_load_idx %arg7[%add3A_62] : memref<65536xf32, #tpu.memory_space<vmem>>[vector<16xi32>], vector<16xf32>,
      %add3A_64 = arith.constant 11 : i32
      %add3A_65 = vector.broadcast %add3A_64 : i32 to vector<16xi32>
      %add3A_66 = arith.addi %mul3A_16, %add3A_65 : vector<16xi32>
      %gather3A_67 = tpu.vector_load_idx %arg7[%add3A_66] : memref<65536xf32, #tpu.memory_space<vmem>>[vector<16xi32>], vector<16xf32>,
      %mul3A_68 = arith.mulf %get3A_20, %gather3A : vector<16xf32>
      %mul3A_69 = arith.mulf %get3A_20, %gather3A_27 : vector<16xf32>
      %mul3A_70 = arith.mulf %get3A_20, %gather3A_31 : vector<16xf32>
      %mul3A_71 = arith.mulf %get3A_20, %gather3A_35 : vector<16xf32>
      %mul3A_72 = arith.mulf %get3A_20, %gather3A_39 : vector<16xf32>
      %mul3A_73 = arith.mulf %get3A_20, %gather3A_43 : vector<16xf32>
      %mul3A_74 = arith.mulf %get3A_20, %gather3A_47 : vector<16xf32>
      %mul3A_75 = arith.mulf %get3A_20, %gather3A_51 : vector<16xf32>
      %mul3A_76 = arith.mulf %get3A_20, %gather3A_55 : vector<16xf32>
      %mul3A_77 = arith.mulf %get3A_20, %gather3A_59 : vector<16xf32>
      %mul3A_78 = arith.mulf %get3A_20, %gather3A_63 : vector<16xf32>
      %mul3A_79 = arith.mulf %get3A_20, %gather3A_67 : vector<16xf32>
      %get3A_80 = arith.constant 1 : i32
      %get3A_81 = arith.index_cast %get3A_80 : i32 to index
      %get3A_82 = arith.index_cast %mul3A_10 : i32 to index
      %get3A_83 = tpu.vector_load %arg8[%get3A_81, %get3A_82] {strides = array<i32>} : memref<5x512xi32, #tpu.memory_space<vmem>>, vector<16xi32>,
      %mul3A_84 = arith.constant 16 : i32
      %mul3A_85 = vector.broadcast %mul3A_84 : i32 to vector<16xi32>
      %mul3A_86 = arith.muli %get3A_83, %mul3A_85 : vector<16xi32>
      %get3A_87 = arith.constant 1 : i32
      %get3A_88 = arith.index_cast %get3A_87 : i32 to index
      %get3A_89 = arith.index_cast %mul3A_10 : i32 to index
      %get3A_90 = tpu.vector_load %arg9[%get3A_88, %get3A_89] {strides = array<i32>} : memref<5x512xf32, #tpu.memory_space<vmem>>, vector<16xf32>,
      %add3A_91 = arith.constant 0 : i32
      %add3A_92 = vector.broadcast %add3A_91 : i32 to vector<16xi32>
      %add3A_93 = arith.addi %mul3A_86, %add3A_92 : vector<16xi32>
      %gather3A_94 = tpu.vector_load_idx %arg7[%add3A_93] : memref<65536xf32, #tpu.memory_space<vmem>>[vector<16xi32>], vector<16xf32>,
      %add3A_95 = arith.constant 1 : i32
      %add3A_96 = vector.broadcast %add3A_95 : i32 to vector<16xi32>
      %add3A_97 = arith.addi %mul3A_86, %add3A_96 : vector<16xi32>
      %gather3A_98 = tpu.vector_load_idx %arg7[%add3A_97] : memref<65536xf32, #tpu.memory_space<vmem>>[vector<16xi32>], vector<16xf32>,
      %add3A_99 = arith.constant 2 : i32
      %add3A_100 = vector.broadcast %add3A_99 : i32 to vector<16xi32>
      %add3A_101 = arith.addi %mul3A_86, %add3A_100 : vector<16xi32>
      %gather3A_102 = tpu.vector_load_idx %arg7[%add3A_101] : memref<65536xf32, #tpu.memory_space<vmem>>[vector<16xi32>], vector<16xf32>,
      %add3A_103 = arith.constant 3 : i32
      %add3A_104 = vector.broadcast %add3A_103 : i32 to vector<16xi32>
      %add3A_105 = arith.addi %mul3A_86, %add3A_104 : vector<16xi32>
      %gather3A_106 = tpu.vector_load_idx %arg7[%add3A_105] : memref<65536xf32, #tpu.memory_space<vmem>>[vector<16xi32>], vector<16xf32>,
      %add3A_107 = arith.constant 4 : i32
      %add3A_108 = vector.broadcast %add3A_107 : i32 to vector<16xi32>
      %add3A_109 = arith.addi %mul3A_86, %add3A_108 : vector<16xi32>
      %gather3A_110 = tpu.vector_load_idx %arg7[%add3A_109] : memref<65536xf32, #tpu.memory_space<vmem>>[vector<16xi32>], vector<16xf32>,
      %add3A_111 = arith.constant 5 : i32
      %add3A_112 = vector.broadcast %add3A_111 : i32 to vector<16xi32>
      %add3A_113 = arith.addi %mul3A_86, %add3A_112 : vector<16xi32>
      %gather3A_114 = tpu.vector_load_idx %arg7[%add3A_113] : memref<65536xf32, #tpu.memory_space<vmem>>[vector<16xi32>], vector<16xf32>,
      %add3A_115 = arith.constant 6 : i32
      %add3A_116 = vector.broadcast %add3A_115 : i32 to vector<16xi32>
      %add3A_117 = arith.addi %mul3A_86, %add3A_116 : vector<16xi32>
      %gather3A_118 = tpu.vector_load_idx %arg7[%add3A_117] : memref<65536xf32, #tpu.memory_space<vmem>>[vector<16xi32>], vector<16xf32>,
      %add3A_119 = arith.constant 7 : i32
      %add3A_120 = vector.broadcast %add3A_119 : i32 to vector<16xi32>
      %add3A_121 = arith.addi %mul3A_86, %add3A_120 : vector<16xi32>
      %gather3A_122 = tpu.vector_load_idx %arg7[%add3A_121] : memref<65536xf32, #tpu.memory_space<vmem>>[vector<16xi32>], vector<16xf32>,
      %add3A_123 = arith.constant 8 : i32
      %add3A_124 = vector.broadcast %add3A_123 : i32 to vector<16xi32>
      %add3A_125 = arith.addi %mul3A_86, %add3A_124 : vector<16xi32>
      %gather3A_126 = tpu.vector_load_idx %arg7[%add3A_125] : memref<65536xf32, #tpu.memory_space<vmem>>[vector<16xi32>], vector<16xf32>,
      %add3A_127 = arith.constant 9 : i32
      %add3A_128 = vector.broadcast %add3A_127 : i32 to vector<16xi32>
      %add3A_129 = arith.addi %mul3A_86, %add3A_128 : vector<16xi32>
      %gather3A_130 = tpu.vector_load_idx %arg7[%add3A_129] : memref<65536xf32, #tpu.memory_space<vmem>>[vector<16xi32>], vector<16xf32>,
      %add3A_131 = arith.constant 10 : i32
      %add3A_132 = vector.broadcast %add3A_131 : i32 to vector<16xi32>
      %add3A_133 = arith.addi %mul3A_86, %add3A_132 : vector<16xi32>
      %gather3A_134 = tpu.vector_load_idx %arg7[%add3A_133] : memref<65536xf32, #tpu.memory_space<vmem>>[vector<16xi32>], vector<16xf32>,
      %add3A_135 = arith.constant 11 : i32
      %add3A_136 = vector.broadcast %add3A_135 : i32 to vector<16xi32>
      %add3A_137 = arith.addi %mul3A_86, %add3A_136 : vector<16xi32>
      %gather3A_138 = tpu.vector_load_idx %arg7[%add3A_137] : memref<65536xf32, #tpu.memory_space<vmem>>[vector<16xi32>], vector<16xf32>,
      %mul3A_139 = arith.mulf %get3A_90, %gather3A_94 : vector<16xf32>
      %add3A_140 = arith.addf %mul3A_68, %mul3A_139 : vector<16xf32>
      %mul3A_141 = arith.mulf %get3A_90, %gather3A_98 : vector<16xf32>
      %add3A_142 = arith.addf %mul3A_69, %mul3A_141 : vector<16xf32>
      %mul3A_143 = arith.mulf %get3A_90, %gather3A_102 : vector<16xf32>
      %add3A_144 = arith.addf %mul3A_70, %mul3A_143 : vector<16xf32>
      %mul3A_145 = arith.mulf %get3A_90, %gather3A_106 : vector<16xf32>
      %add3A_146 = arith.addf %mul3A_71, %mul3A_145 : vector<16xf32>
      %mul3A_147 = arith.mulf %get3A_90, %gather3A_110 : vector<16xf32>
      %add3A_148 = arith.addf %mul3A_72, %mul3A_147 : vector<16xf32>
      %mul3A_149 = arith.mulf %get3A_90, %gather3A_114 : vector<16xf32>
      %add3A_150 = arith.addf %mul3A_73, %mul3A_149 : vector<16xf32>
      %mul3A_151 = arith.mulf %get3A_90, %gather3A_118 : vector<16xf32>
      %add3A_152 = arith.addf %mul3A_74, %mul3A_151 : vector<16xf32>
      %mul3A_153 = arith.mulf %get3A_90, %gather3A_122 : vector<16xf32>
      %add3A_154 = arith.addf %mul3A_75, %mul3A_153 : vector<16xf32>
      %mul3A_155 = arith.mulf %get3A_90, %gather3A_126 : vector<16xf32>
      %add3A_156 = arith.addf %mul3A_76, %mul3A_155 : vector<16xf32>
      %mul3A_157 = arith.mulf %get3A_90, %gather3A_130 : vector<16xf32>
      %add3A_158 = arith.addf %mul3A_77, %mul3A_157 : vector<16xf32>
      %mul3A_159 = arith.mulf %get3A_90, %gather3A_134 : vector<16xf32>
      %add3A_160 = arith.addf %mul3A_78, %mul3A_159 : vector<16xf32>
      %mul3A_161 = arith.mulf %get3A_90, %gather3A_138 : vector<16xf32>
      %add3A_162 = arith.addf %mul3A_79, %mul3A_161 : vector<16xf32>
      %get3A_163 = arith.constant 2 : i32
      %get3A_164 = arith.index_cast %get3A_163 : i32 to index
      %get3A_165 = arith.index_cast %mul3A_10 : i32 to index
      %get3A_166 = tpu.vector_load %arg8[%get3A_164, %get3A_165] {strides = array<i32>} : memref<5x512xi32, #tpu.memory_space<vmem>>, vector<16xi32>,
      %mul3A_167 = arith.constant 16 : i32
      %mul3A_168 = vector.broadcast %mul3A_167 : i32 to vector<16xi32>
      %mul3A_169 = arith.muli %get3A_166, %mul3A_168 : vector<16xi32>
      %get3A_170 = arith.constant 2 : i32
      %get3A_171 = arith.index_cast %get3A_170 : i32 to index
      %get3A_172 = arith.index_cast %mul3A_10 : i32 to index
      %get3A_173 = tpu.vector_load %arg9[%get3A_171, %get3A_172] {strides = array<i32>} : memref<5x512xf32, #tpu.memory_space<vmem>>, vector<16xf32>,
      %add3A_174 = arith.constant 0 : i32
      %add3A_175 = vector.broadcast %add3A_174 : i32 to vector<16xi32>
      %add3A_176 = arith.addi %mul3A_169, %add3A_175 : vector<16xi32>
      %gather3A_177 = tpu.vector_load_idx %arg7[%add3A_176] : memref<65536xf32, #tpu.memory_space<vmem>>[vector<16xi32>], vector<16xf32>,
      %add3A_178 = arith.constant 1 : i32
      %add3A_179 = vector.broadcast %add3A_178 : i32 to vector<16xi32>
      %add3A_180 = arith.addi %mul3A_169, %add3A_179 : vector<16xi32>
      %gather3A_181 = tpu.vector_load_idx %arg7[%add3A_180] : memref<65536xf32, #tpu.memory_space<vmem>>[vector<16xi32>], vector<16xf32>,
      %add3A_182 = arith.constant 2 : i32
      %add3A_183 = vector.broadcast %add3A_182 : i32 to vector<16xi32>
      %add3A_184 = arith.addi %mul3A_169, %add3A_183 : vector<16xi32>
      %gather3A_185 = tpu.vector_load_idx %arg7[%add3A_184] : memref<65536xf32, #tpu.memory_space<vmem>>[vector<16xi32>], vector<16xf32>,
      %add3A_186 = arith.constant 3 : i32
      %add3A_187 = vector.broadcast %add3A_186 : i32 to vector<16xi32>
      %add3A_188 = arith.addi %mul3A_169, %add3A_187 : vector<16xi32>
      %gather3A_189 = tpu.vector_load_idx %arg7[%add3A_188] : memref<65536xf32, #tpu.memory_space<vmem>>[vector<16xi32>], vector<16xf32>,
      %add3A_190 = arith.constant 4 : i32
      %add3A_191 = vector.broadcast %add3A_190 : i32 to vector<16xi32>
      %add3A_192 = arith.addi %mul3A_169, %add3A_191 : vector<16xi32>
      %gather3A_193 = tpu.vector_load_idx %arg7[%add3A_192] : memref<65536xf32, #tpu.memory_space<vmem>>[vector<16xi32>], vector<16xf32>,
      %add3A_194 = arith.constant 5 : i32
      %add3A_195 = vector.broadcast %add3A_194 : i32 to vector<16xi32>
      %add3A_196 = arith.addi %mul3A_169, %add3A_195 : vector<16xi32>
      %gather3A_197 = tpu.vector_load_idx %arg7[%add3A_196] : memref<65536xf32, #tpu.memory_space<vmem>>[vector<16xi32>], vector<16xf32>,
      %add3A_198 = arith.constant 6 : i32
      %add3A_199 = vector.broadcast %add3A_198 : i32 to vector<16xi32>
      %add3A_200 = arith.addi %mul3A_169, %add3A_199 : vector<16xi32>
      %gather3A_201 = tpu.vector_load_idx %arg7[%add3A_200] : memref<65536xf32, #tpu.memory_space<vmem>>[vector<16xi32>], vector<16xf32>,
      %add3A_202 = arith.constant 7 : i32
      %add3A_203 = vector.broadcast %add3A_202 : i32 to vector<16xi32>
      %add3A_204 = arith.addi %mul3A_169, %add3A_203 : vector<16xi32>
      %gather3A_205 = tpu.vector_load_idx %arg7[%add3A_204] : memref<65536xf32, #tpu.memory_space<vmem>>[vector<16xi32>], vector<16xf32>,
      %add3A_206 = arith.constant 8 : i32
      %add3A_207 = vector.broadcast %add3A_206 : i32 to vector<16xi32>
      %add3A_208 = arith.addi %mul3A_169, %add3A_207 : vector<16xi32>
      %gather3A_209 = tpu.vector_load_idx %arg7[%add3A_208] : memref<65536xf32, #tpu.memory_space<vmem>>[vector<16xi32>], vector<16xf32>,
      %add3A_210 = arith.constant 9 : i32
      %add3A_211 = vector.broadcast %add3A_210 : i32 to vector<16xi32>
      %add3A_212 = arith.addi %mul3A_169, %add3A_211 : vector<16xi32>
      %gather3A_213 = tpu.vector_load_idx %arg7[%add3A_212] : memref<65536xf32, #tpu.memory_space<vmem>>[vector<16xi32>], vector<16xf32>,
      %add3A_214 = arith.constant 10 : i32
      %add3A_215 = vector.broadcast %add3A_214 : i32 to vector<16xi32>
      %add3A_216 = arith.addi %mul3A_169, %add3A_215 : vector<16xi32>
      %gather3A_217 = tpu.vector_load_idx %arg7[%add3A_216] : memref<65536xf32, #tpu.memory_space<vmem>>[vector<16xi32>], vector<16xf32>,
      %add3A_218 = arith.constant 11 : i32
      %add3A_219 = vector.broadcast %add3A_218 : i32 to vector<16xi32>
      %add3A_220 = arith.addi %mul3A_169, %add3A_219 : vector<16xi32>
      %gather3A_221 = tpu.vector_load_idx %arg7[%add3A_220] : memref<65536xf32, #tpu.memory_space<vmem>>[vector<16xi32>], vector<16xf32>,
      %mul3A_222 = arith.mulf %get3A_173, %gather3A_177 : vector<16xf32>
      %add3A_223 = arith.addf %add3A_140, %mul3A_222 : vector<16xf32>
      %mul3A_224 = arith.mulf %get3A_173, %gather3A_181 : vector<16xf32>
      %add3A_225 = arith.addf %add3A_142, %mul3A_224 : vector<16xf32>
      %mul3A_226 = arith.mulf %get3A_173, %gather3A_185 : vector<16xf32>
      %add3A_227 = arith.addf %add3A_144, %mul3A_226 : vector<16xf32>
      %mul3A_228 = arith.mulf %get3A_173, %gather3A_189 : vector<16xf32>
      %add3A_229 = arith.addf %add3A_146, %mul3A_228 : vector<16xf32>
      %mul3A_230 = arith.mulf %get3A_173, %gather3A_193 : vector<16xf32>
      %add3A_231 = arith.addf %add3A_148, %mul3A_230 : vector<16xf32>
      %mul3A_232 = arith.mulf %get3A_173, %gather3A_197 : vector<16xf32>
      %add3A_233 = arith.addf %add3A_150, %mul3A_232 : vector<16xf32>
      %mul3A_234 = arith.mulf %get3A_173, %gather3A_201 : vector<16xf32>
      %add3A_235 = arith.addf %add3A_152, %mul3A_234 : vector<16xf32>
      %mul3A_236 = arith.mulf %get3A_173, %gather3A_205 : vector<16xf32>
      %add3A_237 = arith.addf %add3A_154, %mul3A_236 : vector<16xf32>
      %mul3A_238 = arith.mulf %get3A_173, %gather3A_209 : vector<16xf32>
      %add3A_239 = arith.addf %add3A_156, %mul3A_238 : vector<16xf32>
      %mul3A_240 = arith.mulf %get3A_173, %gather3A_213 : vector<16xf32>
      %add3A_241 = arith.addf %add3A_158, %mul3A_240 : vector<16xf32>
      %mul3A_242 = arith.mulf %get3A_173, %gather3A_217 : vector<16xf32>
      %add3A_243 = arith.addf %add3A_160, %mul3A_242 : vector<16xf32>
      %mul3A_244 = arith.mulf %get3A_173, %gather3A_221 : vector<16xf32>
      %add3A_245 = arith.addf %add3A_162, %mul3A_244 : vector<16xf32>
      %get3A_246 = arith.constant 3 : i32
      %get3A_247 = arith.index_cast %get3A_246 : i32 to index
      %get3A_248 = arith.index_cast %mul3A_10 : i32 to index
      %get3A_249 = tpu.vector_load %arg8[%get3A_247, %get3A_248] {strides = array<i32>} : memref<5x512xi32, #tpu.memory_space<vmem>>, vector<16xi32>,
      %mul3A_250 = arith.constant 16 : i32
      %mul3A_251 = vector.broadcast %mul3A_250 : i32 to vector<16xi32>
      %mul3A_252 = arith.muli %get3A_249, %mul3A_251 : vector<16xi32>
      %get3A_253 = arith.constant 3 : i32
      %get3A_254 = arith.index_cast %get3A_253 : i32 to index
      %get3A_255 = arith.index_cast %mul3A_10 : i32 to index
      %get3A_256 = tpu.vector_load %arg9[%get3A_254, %get3A_255] {strides = array<i32>} : memref<5x512xf32, #tpu.memory_space<vmem>>, vector<16xf32>,
      %add3A_257 = arith.constant 0 : i32
      %add3A_258 = vector.broadcast %add3A_257 : i32 to vector<16xi32>
      %add3A_259 = arith.addi %mul3A_252, %add3A_258 : vector<16xi32>
      %gather3A_260 = tpu.vector_load_idx %arg7[%add3A_259] : memref<65536xf32, #tpu.memory_space<vmem>>[vector<16xi32>], vector<16xf32>,
      %add3A_261 = arith.constant 1 : i32
      %add3A_262 = vector.broadcast %add3A_261 : i32 to vector<16xi32>
      %add3A_263 = arith.addi %mul3A_252, %add3A_262 : vector<16xi32>
      %gather3A_264 = tpu.vector_load_idx %arg7[%add3A_263] : memref<65536xf32, #tpu.memory_space<vmem>>[vector<16xi32>], vector<16xf32>,
      %add3A_265 = arith.constant 2 : i32
      %add3A_266 = vector.broadcast %add3A_265 : i32 to vector<16xi32>
      %add3A_267 = arith.addi %mul3A_252, %add3A_266 : vector<16xi32>
      %gather3A_268 = tpu.vector_load_idx %arg7[%add3A_267] : memref<65536xf32, #tpu.memory_space<vmem>>[vector<16xi32>], vector<16xf32>,
      %add3A_269 = arith.constant 3 : i32
      %add3A_270 = vector.broadcast %add3A_269 : i32 to vector<16xi32>
      %add3A_271 = arith.addi %mul3A_252, %add3A_270 : vector<16xi32>
      %gather3A_272 = tpu.vector_load_idx %arg7[%add3A_271] : memref<65536xf32, #tpu.memory_space<vmem>>[vector<16xi32>], vector<16xf32>,
      %add3A_273 = arith.constant 4 : i32
      %add3A_274 = vector.broadcast %add3A_273 : i32 to vector<16xi32>
      %add3A_275 = arith.addi %mul3A_252, %add3A_274 : vector<16xi32>
      %gather3A_276 = tpu.vector_load_idx %arg7[%add3A_275] : memref<65536xf32, #tpu.memory_space<vmem>>[vector<16xi32>], vector<16xf32>,
      %add3A_277 = arith.constant 5 : i32
      %add3A_278 = vector.broadcast %add3A_277 : i32 to vector<16xi32>
      %add3A_279 = arith.addi %mul3A_252, %add3A_278 : vector<16xi32>
      %gather3A_280 = tpu.vector_load_idx %arg7[%add3A_279] : memref<65536xf32, #tpu.memory_space<vmem>>[vector<16xi32>], vector<16xf32>,
      %add3A_281 = arith.constant 6 : i32
      %add3A_282 = vector.broadcast %add3A_281 : i32 to vector<16xi32>
      %add3A_283 = arith.addi %mul3A_252, %add3A_282 : vector<16xi32>
      %gather3A_284 = tpu.vector_load_idx %arg7[%add3A_283] : memref<65536xf32, #tpu.memory_space<vmem>>[vector<16xi32>], vector<16xf32>,
      %add3A_285 = arith.constant 7 : i32
      %add3A_286 = vector.broadcast %add3A_285 : i32 to vector<16xi32>
      %add3A_287 = arith.addi %mul3A_252, %add3A_286 : vector<16xi32>
      %gather3A_288 = tpu.vector_load_idx %arg7[%add3A_287] : memref<65536xf32, #tpu.memory_space<vmem>>[vector<16xi32>], vector<16xf32>,
      %add3A_289 = arith.constant 8 : i32
      %add3A_290 = vector.broadcast %add3A_289 : i32 to vector<16xi32>
      %add3A_291 = arith.addi %mul3A_252, %add3A_290 : vector<16xi32>
      %gather3A_292 = tpu.vector_load_idx %arg7[%add3A_291] : memref<65536xf32, #tpu.memory_space<vmem>>[vector<16xi32>], vector<16xf32>,
      %add3A_293 = arith.constant 9 : i32
      %add3A_294 = vector.broadcast %add3A_293 : i32 to vector<16xi32>
      %add3A_295 = arith.addi %mul3A_252, %add3A_294 : vector<16xi32>
      %gather3A_296 = tpu.vector_load_idx %arg7[%add3A_295] : memref<65536xf32, #tpu.memory_space<vmem>>[vector<16xi32>], vector<16xf32>,
      %add3A_297 = arith.constant 10 : i32
      %add3A_298 = vector.broadcast %add3A_297 : i32 to vector<16xi32>
      %add3A_299 = arith.addi %mul3A_252, %add3A_298 : vector<16xi32>
      %gather3A_300 = tpu.vector_load_idx %arg7[%add3A_299] : memref<65536xf32, #tpu.memory_space<vmem>>[vector<16xi32>], vector<16xf32>,
      %add3A_301 = arith.constant 11 : i32
      %add3A_302 = vector.broadcast %add3A_301 : i32 to vector<16xi32>
      %add3A_303 = arith.addi %mul3A_252, %add3A_302 : vector<16xi32>
      %gather3A_304 = tpu.vector_load_idx %arg7[%add3A_303] : memref<65536xf32, #tpu.memory_space<vmem>>[vector<16xi32>], vector<16xf32>,
      %mul3A_305 = arith.mulf %get3A_256, %gather3A_260 : vector<16xf32>
      %add3A_306 = arith.addf %add3A_223, %mul3A_305 : vector<16xf32>
      %mul3A_307 = arith.mulf %get3A_256, %gather3A_264 : vector<16xf32>
      %add3A_308 = arith.addf %add3A_225, %mul3A_307 : vector<16xf32>
      %mul3A_309 = arith.mulf %get3A_256, %gather3A_268 : vector<16xf32>
      %add3A_310 = arith.addf %add3A_227, %mul3A_309 : vector<16xf32>
      %mul3A_311 = arith.mulf %get3A_256, %gather3A_272 : vector<16xf32>
      %add3A_312 = arith.addf %add3A_229, %mul3A_311 : vector<16xf32>
      %mul3A_313 = arith.mulf %get3A_256, %gather3A_276 : vector<16xf32>
      %add3A_314 = arith.addf %add3A_231, %mul3A_313 : vector<16xf32>
      %mul3A_315 = arith.mulf %get3A_256, %gather3A_280 : vector<16xf32>
      %add3A_316 = arith.addf %add3A_233, %mul3A_315 : vector<16xf32>
      %mul3A_317 = arith.mulf %get3A_256, %gather3A_284 : vector<16xf32>
      %add3A_318 = arith.addf %add3A_235, %mul3A_317 : vector<16xf32>
      %mul3A_319 = arith.mulf %get3A_256, %gather3A_288 : vector<16xf32>
      %add3A_320 = arith.addf %add3A_237, %mul3A_319 : vector<16xf32>
      %mul3A_321 = arith.mulf %get3A_256, %gather3A_292 : vector<16xf32>
      %add3A_322 = arith.addf %add3A_239, %mul3A_321 : vector<16xf32>
      %mul3A_323 = arith.mulf %get3A_256, %gather3A_296 : vector<16xf32>
      %add3A_324 = arith.addf %add3A_241, %mul3A_323 : vector<16xf32>
      %mul3A_325 = arith.mulf %get3A_256, %gather3A_300 : vector<16xf32>
      %add3A_326 = arith.addf %add3A_243, %mul3A_325 : vector<16xf32>
      %mul3A_327 = arith.mulf %get3A_256, %gather3A_304 : vector<16xf32>
      %add3A_328 = arith.addf %add3A_245, %mul3A_327 : vector<16xf32>
      %get3A_329 = arith.constant 4 : i32
      %get3A_330 = arith.index_cast %get3A_329 : i32 to index
      %get3A_331 = arith.index_cast %mul3A_10 : i32 to index
      %get3A_332 = tpu.vector_load %arg8[%get3A_330, %get3A_331] {strides = array<i32>} : memref<5x512xi32, #tpu.memory_space<vmem>>, vector<16xi32>,
      %mul3A_333 = arith.constant 16 : i32
      %mul3A_334 = vector.broadcast %mul3A_333 : i32 to vector<16xi32>
      %mul3A_335 = arith.muli %get3A_332, %mul3A_334 : vector<16xi32>
      %get3A_336 = arith.constant 4 : i32
      %get3A_337 = arith.index_cast %get3A_336 : i32 to index
      %get3A_338 = arith.index_cast %mul3A_10 : i32 to index
      %get3A_339 = tpu.vector_load %arg9[%get3A_337, %get3A_338] {strides = array<i32>} : memref<5x512xf32, #tpu.memory_space<vmem>>, vector<16xf32>,
      %add3A_340 = arith.constant 0 : i32
      %add3A_341 = vector.broadcast %add3A_340 : i32 to vector<16xi32>
      %add3A_342 = arith.addi %mul3A_335, %add3A_341 : vector<16xi32>
      %gather3A_343 = tpu.vector_load_idx %arg7[%add3A_342] : memref<65536xf32, #tpu.memory_space<vmem>>[vector<16xi32>], vector<16xf32>,
      %add3A_344 = arith.constant 1 : i32
      %add3A_345 = vector.broadcast %add3A_344 : i32 to vector<16xi32>
      %add3A_346 = arith.addi %mul3A_335, %add3A_345 : vector<16xi32>
      %gather3A_347 = tpu.vector_load_idx %arg7[%add3A_346] : memref<65536xf32, #tpu.memory_space<vmem>>[vector<16xi32>], vector<16xf32>,
      %add3A_348 = arith.constant 2 : i32
      %add3A_349 = vector.broadcast %add3A_348 : i32 to vector<16xi32>
      %add3A_350 = arith.addi %mul3A_335, %add3A_349 : vector<16xi32>
      %gather3A_351 = tpu.vector_load_idx %arg7[%add3A_350] : memref<65536xf32, #tpu.memory_space<vmem>>[vector<16xi32>], vector<16xf32>,
      %add3A_352 = arith.constant 3 : i32
      %add3A_353 = vector.broadcast %add3A_352 : i32 to vector<16xi32>
      %add3A_354 = arith.addi %mul3A_335, %add3A_353 : vector<16xi32>
      %gather3A_355 = tpu.vector_load_idx %arg7[%add3A_354] : memref<65536xf32, #tpu.memory_space<vmem>>[vector<16xi32>], vector<16xf32>,
      %add3A_356 = arith.constant 4 : i32
      %add3A_357 = vector.broadcast %add3A_356 : i32 to vector<16xi32>
      %add3A_358 = arith.addi %mul3A_335, %add3A_357 : vector<16xi32>
      %gather3A_359 = tpu.vector_load_idx %arg7[%add3A_358] : memref<65536xf32, #tpu.memory_space<vmem>>[vector<16xi32>], vector<16xf32>,
      %add3A_360 = arith.constant 5 : i32
      %add3A_361 = vector.broadcast %add3A_360 : i32 to vector<16xi32>
      %add3A_362 = arith.addi %mul3A_335, %add3A_361 : vector<16xi32>
      %gather3A_363 = tpu.vector_load_idx %arg7[%add3A_362] : memref<65536xf32, #tpu.memory_space<vmem>>[vector<16xi32>], vector<16xf32>,
      %add3A_364 = arith.constant 6 : i32
      %add3A_365 = vector.broadcast %add3A_364 : i32 to vector<16xi32>
      %add3A_366 = arith.addi %mul3A_335, %add3A_365 : vector<16xi32>
      %gather3A_367 = tpu.vector_load_idx %arg7[%add3A_366] : memref<65536xf32, #tpu.memory_space<vmem>>[vector<16xi32>], vector<16xf32>,
      %add3A_368 = arith.constant 7 : i32
      %add3A_369 = vector.broadcast %add3A_368 : i32 to vector<16xi32>
      %add3A_370 = arith.addi %mul3A_335, %add3A_369 : vector<16xi32>
      %gather3A_371 = tpu.vector_load_idx %arg7[%add3A_370] : memref<65536xf32, #tpu.memory_space<vmem>>[vector<16xi32>], vector<16xf32>,
      %add3A_372 = arith.constant 8 : i32
      %add3A_373 = vector.broadcast %add3A_372 : i32 to vector<16xi32>
      %add3A_374 = arith.addi %mul3A_335, %add3A_373 : vector<16xi32>
      %gather3A_375 = tpu.vector_load_idx %arg7[%add3A_374] : memref<65536xf32, #tpu.memory_space<vmem>>[vector<16xi32>], vector<16xf32>,
      %add3A_376 = arith.constant 9 : i32
      %add3A_377 = vector.broadcast %add3A_376 : i32 to vector<16xi32>
      %add3A_378 = arith.addi %mul3A_335, %add3A_377 : vector<16xi32>
      %gather3A_379 = tpu.vector_load_idx %arg7[%add3A_378] : memref<65536xf32, #tpu.memory_space<vmem>>[vector<16xi32>], vector<16xf32>,
      %add3A_380 = arith.constant 10 : i32
      %add3A_381 = vector.broadcast %add3A_380 : i32 to vector<16xi32>
      %add3A_382 = arith.addi %mul3A_335, %add3A_381 : vector<16xi32>
      %gather3A_383 = tpu.vector_load_idx %arg7[%add3A_382] : memref<65536xf32, #tpu.memory_space<vmem>>[vector<16xi32>], vector<16xf32>,
      %add3A_384 = arith.constant 11 : i32
      %add3A_385 = vector.broadcast %add3A_384 : i32 to vector<16xi32>
      %add3A_386 = arith.addi %mul3A_335, %add3A_385 : vector<16xi32>
      %gather3A_387 = tpu.vector_load_idx %arg7[%add3A_386] : memref<65536xf32, #tpu.memory_space<vmem>>[vector<16xi32>], vector<16xf32>,
      %mul3A_388 = arith.mulf %get3A_339, %gather3A_343 : vector<16xf32>
      %add3A_389 = arith.addf %add3A_306, %mul3A_388 : vector<16xf32>
      %mul3A_390 = arith.mulf %get3A_339, %gather3A_347 : vector<16xf32>
      %add3A_391 = arith.addf %add3A_308, %mul3A_390 : vector<16xf32>
      %mul3A_392 = arith.mulf %get3A_339, %gather3A_351 : vector<16xf32>
      %add3A_393 = arith.addf %add3A_310, %mul3A_392 : vector<16xf32>
      %mul3A_394 = arith.mulf %get3A_339, %gather3A_355 : vector<16xf32>
      %add3A_395 = arith.addf %add3A_312, %mul3A_394 : vector<16xf32>
      %mul3A_396 = arith.mulf %get3A_339, %gather3A_359 : vector<16xf32>
      %add3A_397 = arith.addf %add3A_314, %mul3A_396 : vector<16xf32>
      %mul3A_398 = arith.mulf %get3A_339, %gather3A_363 : vector<16xf32>
      %add3A_399 = arith.addf %add3A_316, %mul3A_398 : vector<16xf32>
      %mul3A_400 = arith.mulf %get3A_339, %gather3A_367 : vector<16xf32>
      %add3A_401 = arith.addf %add3A_318, %mul3A_400 : vector<16xf32>
      %mul3A_402 = arith.mulf %get3A_339, %gather3A_371 : vector<16xf32>
      %add3A_403 = arith.addf %add3A_320, %mul3A_402 : vector<16xf32>
      %mul3A_404 = arith.mulf %get3A_339, %gather3A_375 : vector<16xf32>
      %add3A_405 = arith.addf %add3A_322, %mul3A_404 : vector<16xf32>
      %mul3A_406 = arith.mulf %get3A_339, %gather3A_379 : vector<16xf32>
      %add3A_407 = arith.addf %add3A_324, %mul3A_406 : vector<16xf32>
      %mul3A_408 = arith.mulf %get3A_339, %gather3A_383 : vector<16xf32>
      %add3A_409 = arith.addf %add3A_326, %mul3A_408 : vector<16xf32>
      %mul3A_410 = arith.mulf %get3A_339, %gather3A_387 : vector<16xf32>
      %add3A_411 = arith.addf %add3A_328, %mul3A_410 : vector<16xf32>
      %get3A_412 = arith.constant 0 : i32
      %get3A_413 = arith.index_cast %get3A_412 : i32 to index
      %get3A_414 = arith.index_cast %mul3A_10 : i32 to index
      %get3A_415 = tpu.vector_load %arg10[%get3A_413, %get3A_414] {strides = array<i32>} : memref<3x512xf32, #tpu.memory_space<vmem>>, vector<16xf32>,
      %get3A_416 = arith.constant 1 : i32
      %get3A_417 = arith.index_cast %get3A_416 : i32 to index
      %get3A_418 = arith.index_cast %mul3A_10 : i32 to index
      %get3A_419 = tpu.vector_load %arg10[%get3A_417, %get3A_418] {strides = array<i32>} : memref<3x512xf32, #tpu.memory_space<vmem>>, vector<16xf32>,
      %get3A_420 = arith.constant 2 : i32
      %get3A_421 = arith.index_cast %get3A_420 : i32 to index
      %get3A_422 = arith.index_cast %mul3A_10 : i32 to index
      %get3A_423 = tpu.vector_load %arg10[%get3A_421, %get3A_422] {strides = array<i32>} : memref<3x512xf32, #tpu.memory_space<vmem>>, vector<16xf32>,
      %mul3A_424 = arith.mulf %add3A_389, %get3A_415 : vector<16xf32>
      %mul3A_425 = arith.mulf %add3A_391, %get3A_419 : vector<16xf32>
      %add3A_426 = arith.addf %mul3A_424, %mul3A_425 : vector<16xf32>
      %mul3A_427 = arith.mulf %add3A_393, %get3A_423 : vector<16xf32>
      %add3A_428 = arith.addf %add3A_426, %mul3A_427 : vector<16xf32>
      %add3A_429 = arith.addf %add3A_428, %add3A_395 : vector<16xf32>
      %swap3A = arith.constant 0 : i32
      %swap3A_430 = arith.index_cast %swap3A : i32 to index
      %swap3A_431 = arith.index_cast %mul3A_10 : i32 to index
      %swap3A_432 = tpu.vector_load %arg11[%swap3A_430, %swap3A_431] {strides = array<i32>} : memref<3x512xf32, #tpu.memory_space<vmem>>, vector<16xf32>,
      tpu.vector_store %arg11[%swap3A_430, %swap3A_431], %add3A_429 {strides = array<i32>} : memref<3x512xf32, #tpu.memory_space<vmem>>, vector<16xf32>,
      %mul3A_433 = arith.mulf %add3A_397, %get3A_415 : vector<16xf32>
      %mul3A_434 = arith.mulf %add3A_399, %get3A_419 : vector<16xf32>
      %add3A_435 = arith.addf %mul3A_433, %mul3A_434 : vector<16xf32>
      %mul3A_436 = arith.mulf %add3A_401, %get3A_423 : vector<16xf32>
      %add3A_437 = arith.addf %add3A_435, %mul3A_436 : vector<16xf32>
      %add3A_438 = arith.addf %add3A_437, %add3A_403 : vector<16xf32>
      %swap3A_439 = arith.constant 1 : i32
      %swap3A_440 = arith.index_cast %swap3A_439 : i32 to index
      %swap3A_441 = arith.index_cast %mul3A_10 : i32 to index
      %swap3A_442 = tpu.vector_load %arg11[%swap3A_440, %swap3A_441] {strides = array<i32>} : memref<3x512xf32, #tpu.memory_space<vmem>>, vector<16xf32>,
      tpu.vector_store %arg11[%swap3A_440, %swap3A_441], %add3A_438 {strides = array<i32>} : memref<3x512xf32, #tpu.memory_space<vmem>>, vector<16xf32>,
      %mul3A_443 = arith.mulf %add3A_405, %get3A_415 : vector<16xf32>
      %mul3A_444 = arith.mulf %add3A_407, %get3A_419 : vector<16xf32>
      %add3A_445 = arith.addf %mul3A_443, %mul3A_444 : vector<16xf32>
      %mul3A_446 = arith.mulf %add3A_409, %get3A_423 : vector<16xf32>
      %add3A_447 = arith.addf %add3A_445, %mul3A_446 : vector<16xf32>
      %add3A_448 = arith.addf %add3A_447, %add3A_411 : vector<16xf32>
      %swap3A_449 = arith.constant 2 : i32
      %swap3A_450 = arith.index_cast %swap3A_449 : i32 to index
      %swap3A_451 = arith.index_cast %mul3A_10 : i32 to index
      %swap3A_452 = tpu.vector_load %arg11[%swap3A_450, %swap3A_451] {strides = array<i32>} : memref<3x512xf32, #tpu.memory_space<vmem>>, vector<16xf32>,
      tpu.vector_store %arg11[%swap3A_450, %swap3A_451], %add3A_448 {strides = array<i32>} : memref<3x512xf32, #tpu.memory_space<vmem>>, vector<16xf32>,
    }
    %scan3A_7 = arith.constant 32 : i32
    "tpu.region"() ({
      %run_scoped3A = tpu.sem_alloc : memref<!tpu.dma_semaphore, #tpu.memory_space<semaphore_mem>>
      %dma_start3A = arith.constant 0 : i32
      %dma_start3A_8 = tpu.memref_slice %arg6[%dma_start3A, %mul3A_2] : memref<3x16384xf32, #tpu.memory_space<hbm>> -> memref<3x512xf32, #tpu.memory_space<hbm>>
      %dma_start3A_9 = arith.constant 0 : i32
      %dma_start3A_10 = tpu.memref_slice %arg6[%dma_start3A_9, %mul3A_2] : memref<3x16384xf32, #tpu.memory_space<hbm>> -> memref<3x512xf32, #tpu.memory_space<hbm>>
      tpu.enqueue_dma source(%arg11 : memref<3x512xf32, #tpu.memory_space<vmem>>) target(%dma_start3A_10 : memref<3x512xf32, #tpu.memory_space<hbm>>) target_semaphore(%run_scoped3A : memref<!tpu.dma_semaphore, #tpu.memory_space<semaphore_mem>>)
      %dma_wait3A = arith.constant 0 : i32
      %dma_wait3A_11 = tpu.memref_slice %arg6[%dma_wait3A, %mul3A_2] : memref<3x16384xf32, #tpu.memory_space<hbm>> -> memref<3x512xf32, #tpu.memory_space<hbm>>
      %dma_wait3A_12 = arith.constant 0 : i32
      %dma_wait3A_13 = tpu.memref_slice %arg6[%dma_wait3A_12, %mul3A_2] : memref<3x16384xf32, #tpu.memory_space<hbm>> -> memref<3x512xf32, #tpu.memory_space<hbm>>
      tpu.wait_dma2 semaphore(%run_scoped3A : memref<!tpu.dma_semaphore, #tpu.memory_space<semaphore_mem>>) src(%arg11 : memref<3x512xf32, #tpu.memory_space<vmem>>) dst(%dma_wait3A_13 : memref<3x512xf32, #tpu.memory_space<hbm>>)
      tpu.yield
    }) : () -> ()
    return
  }
}

#map = affine_map<(d0, d1) -> (0)>
#map1 = affine_map<(d0, d1) -> (0, 0)>
module attributes {stable_mosaic.version = 14 : i64} {
  func.func @_sc_apply_body(%arg0: i32, %arg1: i32, %arg2: memref<65536xf32, #tpu.memory_space<hbm>>, %arg3: memref<5x16384xi32, #tpu.memory_space<hbm>>, %arg4: memref<5x16384xf32, #tpu.memory_space<hbm>>, %arg5: memref<3x16384xf32, #tpu.memory_space<hbm>>, %arg6: memref<3x16384xf32, #tpu.memory_space<hbm>>, %arg7: memref<65536xf32, #tpu.memory_space<vmem>>, %arg8: memref<5x512xi32, #tpu.memory_space<vmem>>, %arg9: memref<5x512xf32, #tpu.memory_space<vmem>>, %arg10: memref<3x512xf32, #tpu.memory_space<vmem>>, %arg11: memref<3x512xf32, #tpu.memory_space<vmem>>) attributes {dimension_semantics = [#tpu.dimension_semantics<core_parallel>, #tpu.dimension_semantics<subcore_parallel>], iteration_bounds = array<i64: 2, 16>, scalar_prefetch = 0 : i64, scratch_operands = 5 : i64, tpu.core_type = #tpu.core_type<sc_vector_subcore>, window_params = [{transform_indices = #map}, {transform_indices = #map1}, {transform_indices = #map1}, {transform_indices = #map1}, {transform_indices = #map1}]} {
    %mul3A = arith.constant 2 : i32
    %mul3A_0 = arith.muli %arg1, %mul3A : i32
    %add3A = arith.addi %mul3A_0, %arg0 : i32
    %mul3A_1 = arith.constant 512 : i32
    %mul3A_2 = arith.muli %add3A, %mul3A_1 : i32
    "tpu.region"() ({
      %run_scoped3A = tpu.sem_alloc : memref<!tpu.dma_semaphore, #tpu.memory_space<semaphore_mem>>
      tpu.enqueue_dma source(%arg2 : memref<65536xf32, #tpu.memory_space<hbm>>) target(%arg7 : memref<65536xf32, #tpu.memory_space<vmem>>) target_semaphore(%run_scoped3A : memref<!tpu.dma_semaphore, #tpu.memory_space<semaphore_mem>>)
      tpu.wait_dma2 semaphore(%run_scoped3A : memref<!tpu.dma_semaphore, #tpu.memory_space<semaphore_mem>>) src(%arg2 : memref<65536xf32, #tpu.memory_space<hbm>>) dst(%arg7 : memref<65536xf32, #tpu.memory_space<vmem>>)
      tpu.yield
    }) : () -> ()
    "tpu.region"() ({
      %run_scoped3A = tpu.sem_alloc : memref<!tpu.dma_semaphore, #tpu.memory_space<semaphore_mem>>
      %dma_start3A = arith.constant 0 : i32
      %dma_start3A_8 = tpu.memref_slice %arg3[%dma_start3A, %mul3A_2] : memref<5x16384xi32, #tpu.memory_space<hbm>> -> memref<5x512xi32, #tpu.memory_space<hbm>>
      %dma_start3A_9 = arith.constant 0 : i32
      %dma_start3A_10 = tpu.memref_slice %arg3[%dma_start3A_9, %mul3A_2] : memref<5x16384xi32, #tpu.memory_space<hbm>> -> memref<5x512xi32, #tpu.memory_space<hbm>>
      tpu.enqueue_dma source(%dma_start3A_10 : memref<5x512xi32, #tpu.memory_space<hbm>>) target(%arg8 : memref<5x512xi32, #tpu.memory_space<vmem>>) target_semaphore(%run_scoped3A : memref<!tpu.dma_semaphore, #tpu.memory_space<semaphore_mem>>)
      %dma_wait3A = arith.constant 0 : i32
      %dma_wait3A_11 = tpu.memref_slice %arg3[%dma_wait3A, %mul3A_2] : memref<5x16384xi32, #tpu.memory_space<hbm>> -> memref<5x512xi32, #tpu.memory_space<hbm>>
      %dma_wait3A_12 = arith.constant 0 : i32
      %dma_wait3A_13 = tpu.memref_slice %arg3[%dma_wait3A_12, %mul3A_2] : memref<5x16384xi32, #tpu.memory_space<hbm>> -> memref<5x512xi32, #tpu.memory_space<hbm>>
      tpu.wait_dma2 semaphore(%run_scoped3A : memref<!tpu.dma_semaphore, #tpu.memory_space<semaphore_mem>>) src(%dma_wait3A_13 : memref<5x512xi32, #tpu.memory_space<hbm>>) dst(%arg8 : memref<5x512xi32, #tpu.memory_space<vmem>>)
      tpu.yield
    }) : () -> ()
    "tpu.region"() ({
      %run_scoped3A = tpu.sem_alloc : memref<!tpu.dma_semaphore, #tpu.memory_space<semaphore_mem>>
      %dma_start3A = arith.constant 0 : i32
      %dma_start3A_8 = tpu.memref_slice %arg4[%dma_start3A, %mul3A_2] : memref<5x16384xf32, #tpu.memory_space<hbm>> -> memref<5x512xf32, #tpu.memory_space<hbm>>
      %dma_start3A_9 = arith.constant 0 : i32
      %dma_start3A_10 = tpu.memref_slice %arg4[%dma_start3A_9, %mul3A_2] : memref<5x16384xf32, #tpu.memory_space<hbm>> -> memref<5x512xf32, #tpu.memory_space<hbm>>
      tpu.enqueue_dma source(%dma_start3A_10 : memref<5x512xf32, #tpu.memory_space<hbm>>) target(%arg9 : memref<5x512xf32, #tpu.memory_space<vmem>>) target_semaphore(%run_scoped3A : memref<!tpu.dma_semaphore, #tpu.memory_space<semaphore_mem>>)
      %dma_wait3A = arith.constant 0 : i32
      %dma_wait3A_11 = tpu.memref_slice %arg4[%dma_wait3A, %mul3A_2] : memref<5x16384xf32, #tpu.memory_space<hbm>> -> memref<5x512xf32, #tpu.memory_space<hbm>>
      %dma_wait3A_12 = arith.constant 0 : i32
      %dma_wait3A_13 = tpu.memref_slice %arg4[%dma_wait3A_12, %mul3A_2] : memref<5x16384xf32, #tpu.memory_space<hbm>> -> memref<5x512xf32, #tpu.memory_space<hbm>>
      tpu.wait_dma2 semaphore(%run_scoped3A : memref<!tpu.dma_semaphore, #tpu.memory_space<semaphore_mem>>) src(%dma_wait3A_13 : memref<5x512xf32, #tpu.memory_space<hbm>>) dst(%arg9 : memref<5x512xf32, #tpu.memory_space<vmem>>)
      tpu.yield
    }) : () -> ()
    "tpu.region"() ({
      %run_scoped3A = tpu.sem_alloc : memref<!tpu.dma_semaphore, #tpu.memory_space<semaphore_mem>>
      %dma_start3A = arith.constant 0 : i32
      %dma_start3A_8 = tpu.memref_slice %arg5[%dma_start3A, %mul3A_2] : memref<3x16384xf32, #tpu.memory_space<hbm>> -> memref<3x512xf32, #tpu.memory_space<hbm>>
      %dma_start3A_9 = arith.constant 0 : i32
      %dma_start3A_10 = tpu.memref_slice %arg5[%dma_start3A_9, %mul3A_2] : memref<3x16384xf32, #tpu.memory_space<hbm>> -> memref<3x512xf32, #tpu.memory_space<hbm>>
      tpu.enqueue_dma source(%dma_start3A_10 : memref<3x512xf32, #tpu.memory_space<hbm>>) target(%arg10 : memref<3x512xf32, #tpu.memory_space<vmem>>) target_semaphore(%run_scoped3A : memref<!tpu.dma_semaphore, #tpu.memory_space<semaphore_mem>>)
      %dma_wait3A = arith.constant 0 : i32
      %dma_wait3A_11 = tpu.memref_slice %arg5[%dma_wait3A, %mul3A_2] : memref<3x16384xf32, #tpu.memory_space<hbm>> -> memref<3x512xf32, #tpu.memory_space<hbm>>
      %dma_wait3A_12 = arith.constant 0 : i32
      %dma_wait3A_13 = tpu.memref_slice %arg5[%dma_wait3A_12, %mul3A_2] : memref<3x16384xf32, #tpu.memory_space<hbm>> -> memref<3x512xf32, #tpu.memory_space<hbm>>
      tpu.wait_dma2 semaphore(%run_scoped3A : memref<!tpu.dma_semaphore, #tpu.memory_space<semaphore_mem>>) src(%dma_wait3A_13 : memref<3x512xf32, #tpu.memory_space<hbm>>) dst(%arg10 : memref<3x512xf32, #tpu.memory_space<vmem>>)
      tpu.yield
    }) : () -> ()
    %scan3A = arith.constant 0 : i32
    %scan3A_3 = arith.constant 0 : i32
    %scan3A_4 = arith.constant 32 : i32
    %scan3A_5 = arith.addi %scan3A_3, %scan3A_4 : i32
    %scan3A_6 = arith.constant 1 : i32
    scf.for %scan3A_8 = %scan3A_3 to %scan3A_5 step %scan3A_6  : i32 {
      %mul3A_9 = arith.constant 16 : i32
      %mul3A_10 = arith.muli %scan3A_8, %mul3A_9 : i32
      %get3A = arith.constant 0 : i32
      %get3A_11 = arith.index_cast %get3A : i32 to index
      %get3A_12 = arith.index_cast %mul3A_10 : i32 to index
      %get3A_13 = tpu.vector_load %arg8[%get3A_11, %get3A_12] {strides = array<i32>} : memref<5x512xi32, #tpu.memory_space<vmem>>, vector<16xi32>,
      %mul3A_14 = arith.constant 16 : i32
      %mul3A_15 = vector.broadcast %mul3A_14 : i32 to vector<16xi32>
      %mul3A_16 = arith.muli %get3A_13, %mul3A_15 : vector<16xi32>
      %get3A_17 = arith.constant 0 : i32
      %get3A_18 = arith.index_cast %get3A_17 : i32 to index
      %get3A_19 = arith.index_cast %mul3A_10 : i32 to index
      %get3A_20 = tpu.vector_load %arg9[%get3A_18, %get3A_19] {strides = array<i32>} : memref<5x512xf32, #tpu.memory_space<vmem>>, vector<16xf32>,
      %add3A_21 = arith.constant 0 : i32
      %add3A_22 = vector.broadcast %add3A_21 : i32 to vector<16xi32>
      %add3A_23 = arith.addi %mul3A_16, %add3A_22 : vector<16xi32>
      %gather3A = tpu.vector_load_idx %arg7[%add3A_23] : memref<65536xf32, #tpu.memory_space<vmem>>[vector<16xi32>], vector<16xf32>,
      %add3A_24 = arith.constant 1 : i32
      %add3A_25 = vector.broadcast %add3A_24 : i32 to vector<16xi32>
      %add3A_26 = arith.addi %mul3A_16, %add3A_25 : vector<16xi32>
      %gather3A_27 = tpu.vector_load_idx %arg7[%add3A_26] : memref<65536xf32, #tpu.memory_space<vmem>>[vector<16xi32>], vector<16xf32>,
      %add3A_28 = arith.constant 2 : i32
      %add3A_29 = vector.broadcast %add3A_28 : i32 to vector<16xi32>
      %add3A_30 = arith.addi %mul3A_16, %add3A_29 : vector<16xi32>
      %gather3A_31 = tpu.vector_load_idx %arg7[%add3A_30] : memref<65536xf32, #tpu.memory_space<vmem>>[vector<16xi32>], vector<16xf32>,
      %add3A_32 = arith.constant 3 : i32
      %add3A_33 = vector.broadcast %add3A_32 : i32 to vector<16xi32>
      %add3A_34 = arith.addi %mul3A_16, %add3A_33 : vector<16xi32>
      %gather3A_35 = tpu.vector_load_idx %arg7[%add3A_34] : memref<65536xf32, #tpu.memory_space<vmem>>[vector<16xi32>], vector<16xf32>,
      %add3A_36 = arith.constant 4 : i32
      %add3A_37 = vector.broadcast %add3A_36 : i32 to vector<16xi32>
      %add3A_38 = arith.addi %mul3A_16, %add3A_37 : vector<16xi32>
      %gather3A_39 = tpu.vector_load_idx %arg7[%add3A_38] : memref<65536xf32, #tpu.memory_space<vmem>>[vector<16xi32>], vector<16xf32>,
      %add3A_40 = arith.constant 5 : i32
      %add3A_41 = vector.broadcast %add3A_40 : i32 to vector<16xi32>
      %add3A_42 = arith.addi %mul3A_16, %add3A_41 : vector<16xi32>
      %gather3A_43 = tpu.vector_load_idx %arg7[%add3A_42] : memref<65536xf32, #tpu.memory_space<vmem>>[vector<16xi32>], vector<16xf32>,
      %add3A_44 = arith.constant 6 : i32
      %add3A_45 = vector.broadcast %add3A_44 : i32 to vector<16xi32>
      %add3A_46 = arith.addi %mul3A_16, %add3A_45 : vector<16xi32>
      %gather3A_47 = tpu.vector_load_idx %arg7[%add3A_46] : memref<65536xf32, #tpu.memory_space<vmem>>[vector<16xi32>], vector<16xf32>,
      %add3A_48 = arith.constant 7 : i32
      %add3A_49 = vector.broadcast %add3A_48 : i32 to vector<16xi32>
      %add3A_50 = arith.addi %mul3A_16, %add3A_49 : vector<16xi32>
      %gather3A_51 = tpu.vector_load_idx %arg7[%add3A_50] : memref<65536xf32, #tpu.memory_space<vmem>>[vector<16xi32>], vector<16xf32>,
      %add3A_52 = arith.constant 8 : i32
      %add3A_53 = vector.broadcast %add3A_52 : i32 to vector<16xi32>
      %add3A_54 = arith.addi %mul3A_16, %add3A_53 : vector<16xi32>
      %gather3A_55 = tpu.vector_load_idx %arg7[%add3A_54] : memref<65536xf32, #tpu.memory_space<vmem>>[vector<16xi32>], vector<16xf32>,
      %add3A_56 = arith.constant 9 : i32
      %add3A_57 = vector.broadcast %add3A_56 : i32 to vector<16xi32>
      %add3A_58 = arith.addi %mul3A_16, %add3A_57 : vector<16xi32>
      %gather3A_59 = tpu.vector_load_idx %arg7[%add3A_58] : memref<65536xf32, #tpu.memory_space<vmem>>[vector<16xi32>], vector<16xf32>,
      %add3A_60 = arith.constant 10 : i32
      %add3A_61 = vector.broadcast %add3A_60 : i32 to vector<16xi32>
      %add3A_62 = arith.addi %mul3A_16, %add3A_61 : vector<16xi32>
      %gather3A_63 = tpu.vector_load_idx %arg7[%add3A_62] : memref<65536xf32, #tpu.memory_space<vmem>>[vector<16xi32>], vector<16xf32>,
      %add3A_64 = arith.constant 11 : i32
      %add3A_65 = vector.broadcast %add3A_64 : i32 to vector<16xi32>
      %add3A_66 = arith.addi %mul3A_16, %add3A_65 : vector<16xi32>
      %gather3A_67 = tpu.vector_load_idx %arg7[%add3A_66] : memref<65536xf32, #tpu.memory_space<vmem>>[vector<16xi32>], vector<16xf32>,
      %mul3A_68 = arith.mulf %get3A_20, %gather3A : vector<16xf32>
      %mul3A_69 = arith.mulf %get3A_20, %gather3A_27 : vector<16xf32>
      %mul3A_70 = arith.mulf %get3A_20, %gather3A_31 : vector<16xf32>
      %mul3A_71 = arith.mulf %get3A_20, %gather3A_35 : vector<16xf32>
      %mul3A_72 = arith.mulf %get3A_20, %gather3A_39 : vector<16xf32>
      %mul3A_73 = arith.mulf %get3A_20, %gather3A_43 : vector<16xf32>
      %mul3A_74 = arith.mulf %get3A_20, %gather3A_47 : vector<16xf32>
      %mul3A_75 = arith.mulf %get3A_20, %gather3A_51 : vector<16xf32>
      %mul3A_76 = arith.mulf %get3A_20, %gather3A_55 : vector<16xf32>
      %mul3A_77 = arith.mulf %get3A_20, %gather3A_59 : vector<16xf32>
      %mul3A_78 = arith.mulf %get3A_20, %gather3A_63 : vector<16xf32>
      %mul3A_79 = arith.mulf %get3A_20, %gather3A_67 : vector<16xf32>
      %get3A_80 = arith.constant 1 : i32
      %get3A_81 = arith.index_cast %get3A_80 : i32 to index
      %get3A_82 = arith.index_cast %mul3A_10 : i32 to index
      %get3A_83 = tpu.vector_load %arg8[%get3A_81, %get3A_82] {strides = array<i32>} : memref<5x512xi32, #tpu.memory_space<vmem>>, vector<16xi32>,
      %mul3A_84 = arith.constant 16 : i32
      %mul3A_85 = vector.broadcast %mul3A_84 : i32 to vector<16xi32>
      %mul3A_86 = arith.muli %get3A_83, %mul3A_85 : vector<16xi32>
      %get3A_87 = arith.constant 1 : i32
      %get3A_88 = arith.index_cast %get3A_87 : i32 to index
      %get3A_89 = arith.index_cast %mul3A_10 : i32 to index
      %get3A_90 = tpu.vector_load %arg9[%get3A_88, %get3A_89] {strides = array<i32>} : memref<5x512xf32, #tpu.memory_space<vmem>>, vector<16xf32>,
      %add3A_91 = arith.constant 0 : i32
      %add3A_92 = vector.broadcast %add3A_91 : i32 to vector<16xi32>
      %add3A_93 = arith.addi %mul3A_86, %add3A_92 : vector<16xi32>
      %gather3A_94 = tpu.vector_load_idx %arg7[%add3A_93] : memref<65536xf32, #tpu.memory_space<vmem>>[vector<16xi32>], vector<16xf32>,
      %add3A_95 = arith.constant 1 : i32
      %add3A_96 = vector.broadcast %add3A_95 : i32 to vector<16xi32>
      %add3A_97 = arith.addi %mul3A_86, %add3A_96 : vector<16xi32>
      %gather3A_98 = tpu.vector_load_idx %arg7[%add3A_97] : memref<65536xf32, #tpu.memory_space<vmem>>[vector<16xi32>], vector<16xf32>,
      %add3A_99 = arith.constant 2 : i32
      %add3A_100 = vector.broadcast %add3A_99 : i32 to vector<16xi32>
      %add3A_101 = arith.addi %mul3A_86, %add3A_100 : vector<16xi32>
      %gather3A_102 = tpu.vector_load_idx %arg7[%add3A_101] : memref<65536xf32, #tpu.memory_space<vmem>>[vector<16xi32>], vector<16xf32>,
      %add3A_103 = arith.constant 3 : i32
      %add3A_104 = vector.broadcast %add3A_103 : i32 to vector<16xi32>
      %add3A_105 = arith.addi %mul3A_86, %add3A_104 : vector<16xi32>
      %gather3A_106 = tpu.vector_load_idx %arg7[%add3A_105] : memref<65536xf32, #tpu.memory_space<vmem>>[vector<16xi32>], vector<16xf32>,
      %add3A_107 = arith.constant 4 : i32
      %add3A_108 = vector.broadcast %add3A_107 : i32 to vector<16xi32>
      %add3A_109 = arith.addi %mul3A_86, %add3A_108 : vector<16xi32>
      %gather3A_110 = tpu.vector_load_idx %arg7[%add3A_109] : memref<65536xf32, #tpu.memory_space<vmem>>[vector<16xi32>], vector<16xf32>,
      %add3A_111 = arith.constant 5 : i32
      %add3A_112 = vector.broadcast %add3A_111 : i32 to vector<16xi32>
      %add3A_113 = arith.addi %mul3A_86, %add3A_112 : vector<16xi32>
      %gather3A_114 = tpu.vector_load_idx %arg7[%add3A_113] : memref<65536xf32, #tpu.memory_space<vmem>>[vector<16xi32>], vector<16xf32>,
      %add3A_115 = arith.constant 6 : i32
      %add3A_116 = vector.broadcast %add3A_115 : i32 to vector<16xi32>
      %add3A_117 = arith.addi %mul3A_86, %add3A_116 : vector<16xi32>
      %gather3A_118 = tpu.vector_load_idx %arg7[%add3A_117] : memref<65536xf32, #tpu.memory_space<vmem>>[vector<16xi32>], vector<16xf32>,
      %add3A_119 = arith.constant 7 : i32
      %add3A_120 = vector.broadcast %add3A_119 : i32 to vector<16xi32>
      %add3A_121 = arith.addi %mul3A_86, %add3A_120 : vector<16xi32>
      %gather3A_122 = tpu.vector_load_idx %arg7[%add3A_121] : memref<65536xf32, #tpu.memory_space<vmem>>[vector<16xi32>], vector<16xf32>,
      %add3A_123 = arith.constant 8 : i32
      %add3A_124 = vector.broadcast %add3A_123 : i32 to vector<16xi32>
      %add3A_125 = arith.addi %mul3A_86, %add3A_124 : vector<16xi32>
      %gather3A_126 = tpu.vector_load_idx %arg7[%add3A_125] : memref<65536xf32, #tpu.memory_space<vmem>>[vector<16xi32>], vector<16xf32>,
      %add3A_127 = arith.constant 9 : i32
      %add3A_128 = vector.broadcast %add3A_127 : i32 to vector<16xi32>
      %add3A_129 = arith.addi %mul3A_86, %add3A_128 : vector<16xi32>
      %gather3A_130 = tpu.vector_load_idx %arg7[%add3A_129] : memref<65536xf32, #tpu.memory_space<vmem>>[vector<16xi32>], vector<16xf32>,
      %add3A_131 = arith.constant 10 : i32
      %add3A_132 = vector.broadcast %add3A_131 : i32 to vector<16xi32>
      %add3A_133 = arith.addi %mul3A_86, %add3A_132 : vector<16xi32>
      %gather3A_134 = tpu.vector_load_idx %arg7[%add3A_133] : memref<65536xf32, #tpu.memory_space<vmem>>[vector<16xi32>], vector<16xf32>,
      %add3A_135 = arith.constant 11 : i32
      %add3A_136 = vector.broadcast %add3A_135 : i32 to vector<16xi32>
      %add3A_137 = arith.addi %mul3A_86, %add3A_136 : vector<16xi32>
      %gather3A_138 = tpu.vector_load_idx %arg7[%add3A_137] : memref<65536xf32, #tpu.memory_space<vmem>>[vector<16xi32>], vector<16xf32>,
      %mul3A_139 = arith.mulf %get3A_90, %gather3A_94 : vector<16xf32>
      %add3A_140 = arith.addf %mul3A_68, %mul3A_139 : vector<16xf32>
      %mul3A_141 = arith.mulf %get3A_90, %gather3A_98 : vector<16xf32>
      %add3A_142 = arith.addf %mul3A_69, %mul3A_141 : vector<16xf32>
      %mul3A_143 = arith.mulf %get3A_90, %gather3A_102 : vector<16xf32>
      %add3A_144 = arith.addf %mul3A_70, %mul3A_143 : vector<16xf32>
      %mul3A_145 = arith.mulf %get3A_90, %gather3A_106 : vector<16xf32>
      %add3A_146 = arith.addf %mul3A_71, %mul3A_145 : vector<16xf32>
      %mul3A_147 = arith.mulf %get3A_90, %gather3A_110 : vector<16xf32>
      %add3A_148 = arith.addf %mul3A_72, %mul3A_147 : vector<16xf32>
      %mul3A_149 = arith.mulf %get3A_90, %gather3A_114 : vector<16xf32>
      %add3A_150 = arith.addf %mul3A_73, %mul3A_149 : vector<16xf32>
      %mul3A_151 = arith.mulf %get3A_90, %gather3A_118 : vector<16xf32>
      %add3A_152 = arith.addf %mul3A_74, %mul3A_151 : vector<16xf32>
      %mul3A_153 = arith.mulf %get3A_90, %gather3A_122 : vector<16xf32>
      %add3A_154 = arith.addf %mul3A_75, %mul3A_153 : vector<16xf32>
      %mul3A_155 = arith.mulf %get3A_90, %gather3A_126 : vector<16xf32>
      %add3A_156 = arith.addf %mul3A_76, %mul3A_155 : vector<16xf32>
      %mul3A_157 = arith.mulf %get3A_90, %gather3A_130 : vector<16xf32>
      %add3A_158 = arith.addf %mul3A_77, %mul3A_157 : vector<16xf32>
      %mul3A_159 = arith.mulf %get3A_90, %gather3A_134 : vector<16xf32>
      %add3A_160 = arith.addf %mul3A_78, %mul3A_159 : vector<16xf32>
      %mul3A_161 = arith.mulf %get3A_90, %gather3A_138 : vector<16xf32>
      %add3A_162 = arith.addf %mul3A_79, %mul3A_161 : vector<16xf32>
      %get3A_163 = arith.constant 2 : i32
      %get3A_164 = arith.index_cast %get3A_163 : i32 to index
      %get3A_165 = arith.index_cast %mul3A_10 : i32 to index
      %get3A_166 = tpu.vector_load %arg8[%get3A_164, %get3A_165] {strides = array<i32>} : memref<5x512xi32, #tpu.memory_space<vmem>>, vector<16xi32>,
      %mul3A_167 = arith.constant 16 : i32
      %mul3A_168 = vector.broadcast %mul3A_167 : i32 to vector<16xi32>
      %mul3A_169 = arith.muli %get3A_166, %mul3A_168 : vector<16xi32>
      %get3A_170 = arith.constant 2 : i32
      %get3A_171 = arith.index_cast %get3A_170 : i32 to index
      %get3A_172 = arith.index_cast %mul3A_10 : i32 to index
      %get3A_173 = tpu.vector_load %arg9[%get3A_171, %get3A_172] {strides = array<i32>} : memref<5x512xf32, #tpu.memory_space<vmem>>, vector<16xf32>,
      %add3A_174 = arith.constant 0 : i32
      %add3A_175 = vector.broadcast %add3A_174 : i32 to vector<16xi32>
      %add3A_176 = arith.addi %mul3A_169, %add3A_175 : vector<16xi32>
      %gather3A_177 = tpu.vector_load_idx %arg7[%add3A_176] : memref<65536xf32, #tpu.memory_space<vmem>>[vector<16xi32>], vector<16xf32>,
      %add3A_178 = arith.constant 1 : i32
      %add3A_179 = vector.broadcast %add3A_178 : i32 to vector<16xi32>
      %add3A_180 = arith.addi %mul3A_169, %add3A_179 : vector<16xi32>
      %gather3A_181 = tpu.vector_load_idx %arg7[%add3A_180] : memref<65536xf32, #tpu.memory_space<vmem>>[vector<16xi32>], vector<16xf32>,
      %add3A_182 = arith.constant 2 : i32
      %add3A_183 = vector.broadcast %add3A_182 : i32 to vector<16xi32>
      %add3A_184 = arith.addi %mul3A_169, %add3A_183 : vector<16xi32>
      %gather3A_185 = tpu.vector_load_idx %arg7[%add3A_184] : memref<65536xf32, #tpu.memory_space<vmem>>[vector<16xi32>], vector<16xf32>,
      %add3A_186 = arith.constant 3 : i32
      %add3A_187 = vector.broadcast %add3A_186 : i32 to vector<16xi32>
      %add3A_188 = arith.addi %mul3A_169, %add3A_187 : vector<16xi32>
      %gather3A_189 = tpu.vector_load_idx %arg7[%add3A_188] : memref<65536xf32, #tpu.memory_space<vmem>>[vector<16xi32>], vector<16xf32>,
      %add3A_190 = arith.constant 4 : i32
      %add3A_191 = vector.broadcast %add3A_190 : i32 to vector<16xi32>
      %add3A_192 = arith.addi %mul3A_169, %add3A_191 : vector<16xi32>
      %gather3A_193 = tpu.vector_load_idx %arg7[%add3A_192] : memref<65536xf32, #tpu.memory_space<vmem>>[vector<16xi32>], vector<16xf32>,
      %add3A_194 = arith.constant 5 : i32
      %add3A_195 = vector.broadcast %add3A_194 : i32 to vector<16xi32>
      %add3A_196 = arith.addi %mul3A_169, %add3A_195 : vector<16xi32>
      %gather3A_197 = tpu.vector_load_idx %arg7[%add3A_196] : memref<65536xf32, #tpu.memory_space<vmem>>[vector<16xi32>], vector<16xf32>,
      %add3A_198 = arith.constant 6 : i32
      %add3A_199 = vector.broadcast %add3A_198 : i32 to vector<16xi32>
      %add3A_200 = arith.addi %mul3A_169, %add3A_199 : vector<16xi32>
      %gather3A_201 = tpu.vector_load_idx %arg7[%add3A_200] : memref<65536xf32, #tpu.memory_space<vmem>>[vector<16xi32>], vector<16xf32>,
      %add3A_202 = arith.constant 7 : i32
      %add3A_203 = vector.broadcast %add3A_202 : i32 to vector<16xi32>
      %add3A_204 = arith.addi %mul3A_169, %add3A_203 : vector<16xi32>
      %gather3A_205 = tpu.vector_load_idx %arg7[%add3A_204] : memref<65536xf32, #tpu.memory_space<vmem>>[vector<16xi32>], vector<16xf32>,
      %add3A_206 = arith.constant 8 : i32
      %add3A_207 = vector.broadcast %add3A_206 : i32 to vector<16xi32>
      %add3A_208 = arith.addi %mul3A_169, %add3A_207 : vector<16xi32>
      %gather3A_209 = tpu.vector_load_idx %arg7[%add3A_208] : memref<65536xf32, #tpu.memory_space<vmem>>[vector<16xi32>], vector<16xf32>,
      %add3A_210 = arith.constant 9 : i32
      %add3A_211 = vector.broadcast %add3A_210 : i32 to vector<16xi32>
      %add3A_212 = arith.addi %mul3A_169, %add3A_211 : vector<16xi32>
      %gather3A_213 = tpu.vector_load_idx %arg7[%add3A_212] : memref<65536xf32, #tpu.memory_space<vmem>>[vector<16xi32>], vector<16xf32>,
      %add3A_214 = arith.constant 10 : i32
      %add3A_215 = vector.broadcast %add3A_214 : i32 to vector<16xi32>
      %add3A_216 = arith.addi %mul3A_169, %add3A_215 : vector<16xi32>
      %gather3A_217 = tpu.vector_load_idx %arg7[%add3A_216] : memref<65536xf32, #tpu.memory_space<vmem>>[vector<16xi32>], vector<16xf32>,
      %add3A_218 = arith.constant 11 : i32
      %add3A_219 = vector.broadcast %add3A_218 : i32 to vector<16xi32>
      %add3A_220 = arith.addi %mul3A_169, %add3A_219 : vector<16xi32>
      %gather3A_221 = tpu.vector_load_idx %arg7[%add3A_220] : memref<65536xf32, #tpu.memory_space<vmem>>[vector<16xi32>], vector<16xf32>,
      %mul3A_222 = arith.mulf %get3A_173, %gather3A_177 : vector<16xf32>
      %add3A_223 = arith.addf %add3A_140, %mul3A_222 : vector<16xf32>
      %mul3A_224 = arith.mulf %get3A_173, %gather3A_181 : vector<16xf32>
      %add3A_225 = arith.addf %add3A_142, %mul3A_224 : vector<16xf32>
      %mul3A_226 = arith.mulf %get3A_173, %gather3A_185 : vector<16xf32>
      %add3A_227 = arith.addf %add3A_144, %mul3A_226 : vector<16xf32>
      %mul3A_228 = arith.mulf %get3A_173, %gather3A_189 : vector<16xf32>
      %add3A_229 = arith.addf %add3A_146, %mul3A_228 : vector<16xf32>
      %mul3A_230 = arith.mulf %get3A_173, %gather3A_193 : vector<16xf32>
      %add3A_231 = arith.addf %add3A_148, %mul3A_230 : vector<16xf32>
      %mul3A_232 = arith.mulf %get3A_173, %gather3A_197 : vector<16xf32>
      %add3A_233 = arith.addf %add3A_150, %mul3A_232 : vector<16xf32>
      %mul3A_234 = arith.mulf %get3A_173, %gather3A_201 : vector<16xf32>
      %add3A_235 = arith.addf %add3A_152, %mul3A_234 : vector<16xf32>
      %mul3A_236 = arith.mulf %get3A_173, %gather3A_205 : vector<16xf32>
      %add3A_237 = arith.addf %add3A_154, %mul3A_236 : vector<16xf32>
      %mul3A_238 = arith.mulf %get3A_173, %gather3A_209 : vector<16xf32>
      %add3A_239 = arith.addf %add3A_156, %mul3A_238 : vector<16xf32>
      %mul3A_240 = arith.mulf %get3A_173, %gather3A_213 : vector<16xf32>
      %add3A_241 = arith.addf %add3A_158, %mul3A_240 : vector<16xf32>
      %mul3A_242 = arith.mulf %get3A_173, %gather3A_217 : vector<16xf32>
      %add3A_243 = arith.addf %add3A_160, %mul3A_242 : vector<16xf32>
      %mul3A_244 = arith.mulf %get3A_173, %gather3A_221 : vector<16xf32>
      %add3A_245 = arith.addf %add3A_162, %mul3A_244 : vector<16xf32>
      %get3A_246 = arith.constant 3 : i32
      %get3A_247 = arith.index_cast %get3A_246 : i32 to index
      %get3A_248 = arith.index_cast %mul3A_10 : i32 to index
      %get3A_249 = tpu.vector_load %arg8[%get3A_247, %get3A_248] {strides = array<i32>} : memref<5x512xi32, #tpu.memory_space<vmem>>, vector<16xi32>,
      %mul3A_250 = arith.constant 16 : i32
      %mul3A_251 = vector.broadcast %mul3A_250 : i32 to vector<16xi32>
      %mul3A_252 = arith.muli %get3A_249, %mul3A_251 : vector<16xi32>
      %get3A_253 = arith.constant 3 : i32
      %get3A_254 = arith.index_cast %get3A_253 : i32 to index
      %get3A_255 = arith.index_cast %mul3A_10 : i32 to index
      %get3A_256 = tpu.vector_load %arg9[%get3A_254, %get3A_255] {strides = array<i32>} : memref<5x512xf32, #tpu.memory_space<vmem>>, vector<16xf32>,
      %add3A_257 = arith.constant 0 : i32
      %add3A_258 = vector.broadcast %add3A_257 : i32 to vector<16xi32>
      %add3A_259 = arith.addi %mul3A_252, %add3A_258 : vector<16xi32>
      %gather3A_260 = tpu.vector_load_idx %arg7[%add3A_259] : memref<65536xf32, #tpu.memory_space<vmem>>[vector<16xi32>], vector<16xf32>,
      %add3A_261 = arith.constant 1 : i32
      %add3A_262 = vector.broadcast %add3A_261 : i32 to vector<16xi32>
      %add3A_263 = arith.addi %mul3A_252, %add3A_262 : vector<16xi32>
      %gather3A_264 = tpu.vector_load_idx %arg7[%add3A_263] : memref<65536xf32, #tpu.memory_space<vmem>>[vector<16xi32>], vector<16xf32>,
      %add3A_265 = arith.constant 2 : i32
      %add3A_266 = vector.broadcast %add3A_265 : i32 to vector<16xi32>
      %add3A_267 = arith.addi %mul3A_252, %add3A_266 : vector<16xi32>
      %gather3A_268 = tpu.vector_load_idx %arg7[%add3A_267] : memref<65536xf32, #tpu.memory_space<vmem>>[vector<16xi32>], vector<16xf32>,
      %add3A_269 = arith.constant 3 : i32
      %add3A_270 = vector.broadcast %add3A_269 : i32 to vector<16xi32>
      %add3A_271 = arith.addi %mul3A_252, %add3A_270 : vector<16xi32>
      %gather3A_272 = tpu.vector_load_idx %arg7[%add3A_271] : memref<65536xf32, #tpu.memory_space<vmem>>[vector<16xi32>], vector<16xf32>,
      %add3A_273 = arith.constant 4 : i32
      %add3A_274 = vector.broadcast %add3A_273 : i32 to vector<16xi32>
      %add3A_275 = arith.addi %mul3A_252, %add3A_274 : vector<16xi32>
      %gather3A_276 = tpu.vector_load_idx %arg7[%add3A_275] : memref<65536xf32, #tpu.memory_space<vmem>>[vector<16xi32>], vector<16xf32>,
      %add3A_277 = arith.constant 5 : i32
      %add3A_278 = vector.broadcast %add3A_277 : i32 to vector<16xi32>
      %add3A_279 = arith.addi %mul3A_252, %add3A_278 : vector<16xi32>
      %gather3A_280 = tpu.vector_load_idx %arg7[%add3A_279] : memref<65536xf32, #tpu.memory_space<vmem>>[vector<16xi32>], vector<16xf32>,
      %add3A_281 = arith.constant 6 : i32
      %add3A_282 = vector.broadcast %add3A_281 : i32 to vector<16xi32>
      %add3A_283 = arith.addi %mul3A_252, %add3A_282 : vector<16xi32>
      %gather3A_284 = tpu.vector_load_idx %arg7[%add3A_283] : memref<65536xf32, #tpu.memory_space<vmem>>[vector<16xi32>], vector<16xf32>,
      %add3A_285 = arith.constant 7 : i32
      %add3A_286 = vector.broadcast %add3A_285 : i32 to vector<16xi32>
      %add3A_287 = arith.addi %mul3A_252, %add3A_286 : vector<16xi32>
      %gather3A_288 = tpu.vector_load_idx %arg7[%add3A_287] : memref<65536xf32, #tpu.memory_space<vmem>>[vector<16xi32>], vector<16xf32>,
      %add3A_289 = arith.constant 8 : i32
      %add3A_290 = vector.broadcast %add3A_289 : i32 to vector<16xi32>
      %add3A_291 = arith.addi %mul3A_252, %add3A_290 : vector<16xi32>
      %gather3A_292 = tpu.vector_load_idx %arg7[%add3A_291] : memref<65536xf32, #tpu.memory_space<vmem>>[vector<16xi32>], vector<16xf32>,
      %add3A_293 = arith.constant 9 : i32
      %add3A_294 = vector.broadcast %add3A_293 : i32 to vector<16xi32>
      %add3A_295 = arith.addi %mul3A_252, %add3A_294 : vector<16xi32>
      %gather3A_296 = tpu.vector_load_idx %arg7[%add3A_295] : memref<65536xf32, #tpu.memory_space<vmem>>[vector<16xi32>], vector<16xf32>,
      %add3A_297 = arith.constant 10 : i32
      %add3A_298 = vector.broadcast %add3A_297 : i32 to vector<16xi32>
      %add3A_299 = arith.addi %mul3A_252, %add3A_298 : vector<16xi32>
      %gather3A_300 = tpu.vector_load_idx %arg7[%add3A_299] : memref<65536xf32, #tpu.memory_space<vmem>>[vector<16xi32>], vector<16xf32>,
      %add3A_301 = arith.constant 11 : i32
      %add3A_302 = vector.broadcast %add3A_301 : i32 to vector<16xi32>
      %add3A_303 = arith.addi %mul3A_252, %add3A_302 : vector<16xi32>
      %gather3A_304 = tpu.vector_load_idx %arg7[%add3A_303] : memref<65536xf32, #tpu.memory_space<vmem>>[vector<16xi32>], vector<16xf32>,
      %mul3A_305 = arith.mulf %get3A_256, %gather3A_260 : vector<16xf32>
      %add3A_306 = arith.addf %add3A_223, %mul3A_305 : vector<16xf32>
      %mul3A_307 = arith.mulf %get3A_256, %gather3A_264 : vector<16xf32>
      %add3A_308 = arith.addf %add3A_225, %mul3A_307 : vector<16xf32>
      %mul3A_309 = arith.mulf %get3A_256, %gather3A_268 : vector<16xf32>
      %add3A_310 = arith.addf %add3A_227, %mul3A_309 : vector<16xf32>
      %mul3A_311 = arith.mulf %get3A_256, %gather3A_272 : vector<16xf32>
      %add3A_312 = arith.addf %add3A_229, %mul3A_311 : vector<16xf32>
      %mul3A_313 = arith.mulf %get3A_256, %gather3A_276 : vector<16xf32>
      %add3A_314 = arith.addf %add3A_231, %mul3A_313 : vector<16xf32>
      %mul3A_315 = arith.mulf %get3A_256, %gather3A_280 : vector<16xf32>
      %add3A_316 = arith.addf %add3A_233, %mul3A_315 : vector<16xf32>
      %mul3A_317 = arith.mulf %get3A_256, %gather3A_284 : vector<16xf32>
      %add3A_318 = arith.addf %add3A_235, %mul3A_317 : vector<16xf32>
      %mul3A_319 = arith.mulf %get3A_256, %gather3A_288 : vector<16xf32>
      %add3A_320 = arith.addf %add3A_237, %mul3A_319 : vector<16xf32>
      %mul3A_321 = arith.mulf %get3A_256, %gather3A_292 : vector<16xf32>
      %add3A_322 = arith.addf %add3A_239, %mul3A_321 : vector<16xf32>
      %mul3A_323 = arith.mulf %get3A_256, %gather3A_296 : vector<16xf32>
      %add3A_324 = arith.addf %add3A_241, %mul3A_323 : vector<16xf32>
      %mul3A_325 = arith.mulf %get3A_256, %gather3A_300 : vector<16xf32>
      %add3A_326 = arith.addf %add3A_243, %mul3A_325 : vector<16xf32>
      %mul3A_327 = arith.mulf %get3A_256, %gather3A_304 : vector<16xf32>
      %add3A_328 = arith.addf %add3A_245, %mul3A_327 : vector<16xf32>
      %get3A_329 = arith.constant 4 : i32
      %get3A_330 = arith.index_cast %get3A_329 : i32 to index
      %get3A_331 = arith.index_cast %mul3A_10 : i32 to index
      %get3A_332 = tpu.vector_load %arg8[%get3A_330, %get3A_331] {strides = array<i32>} : memref<5x512xi32, #tpu.memory_space<vmem>>, vector<16xi32>,
      %mul3A_333 = arith.constant 16 : i32
      %mul3A_334 = vector.broadcast %mul3A_333 : i32 to vector<16xi32>
      %mul3A_335 = arith.muli %get3A_332, %mul3A_334 : vector<16xi32>
      %get3A_336 = arith.constant 4 : i32
      %get3A_337 = arith.index_cast %get3A_336 : i32 to index
      %get3A_338 = arith.index_cast %mul3A_10 : i32 to index
      %get3A_339 = tpu.vector_load %arg9[%get3A_337, %get3A_338] {strides = array<i32>} : memref<5x512xf32, #tpu.memory_space<vmem>>, vector<16xf32>,
      %add3A_340 = arith.constant 0 : i32
      %add3A_341 = vector.broadcast %add3A_340 : i32 to vector<16xi32>
      %add3A_342 = arith.addi %mul3A_335, %add3A_341 : vector<16xi32>
      %gather3A_343 = tpu.vector_load_idx %arg7[%add3A_342] : memref<65536xf32, #tpu.memory_space<vmem>>[vector<16xi32>], vector<16xf32>,
      %add3A_344 = arith.constant 1 : i32
      %add3A_345 = vector.broadcast %add3A_344 : i32 to vector<16xi32>
      %add3A_346 = arith.addi %mul3A_335, %add3A_345 : vector<16xi32>
      %gather3A_347 = tpu.vector_load_idx %arg7[%add3A_346] : memref<65536xf32, #tpu.memory_space<vmem>>[vector<16xi32>], vector<16xf32>,
      %add3A_348 = arith.constant 2 : i32
      %add3A_349 = vector.broadcast %add3A_348 : i32 to vector<16xi32>
      %add3A_350 = arith.addi %mul3A_335, %add3A_349 : vector<16xi32>
      %gather3A_351 = tpu.vector_load_idx %arg7[%add3A_350] : memref<65536xf32, #tpu.memory_space<vmem>>[vector<16xi32>], vector<16xf32>,
      %add3A_352 = arith.constant 3 : i32
      %add3A_353 = vector.broadcast %add3A_352 : i32 to vector<16xi32>
      %add3A_354 = arith.addi %mul3A_335, %add3A_353 : vector<16xi32>
      %gather3A_355 = tpu.vector_load_idx %arg7[%add3A_354] : memref<65536xf32, #tpu.memory_space<vmem>>[vector<16xi32>], vector<16xf32>,
      %add3A_356 = arith.constant 4 : i32
      %add3A_357 = vector.broadcast %add3A_356 : i32 to vector<16xi32>
      %add3A_358 = arith.addi %mul3A_335, %add3A_357 : vector<16xi32>
      %gather3A_359 = tpu.vector_load_idx %arg7[%add3A_358] : memref<65536xf32, #tpu.memory_space<vmem>>[vector<16xi32>], vector<16xf32>,
      %add3A_360 = arith.constant 5 : i32
      %add3A_361 = vector.broadcast %add3A_360 : i32 to vector<16xi32>
      %add3A_362 = arith.addi %mul3A_335, %add3A_361 : vector<16xi32>
      %gather3A_363 = tpu.vector_load_idx %arg7[%add3A_362] : memref<65536xf32, #tpu.memory_space<vmem>>[vector<16xi32>], vector<16xf32>,
      %add3A_364 = arith.constant 6 : i32
      %add3A_365 = vector.broadcast %add3A_364 : i32 to vector<16xi32>
      %add3A_366 = arith.addi %mul3A_335, %add3A_365 : vector<16xi32>
      %gather3A_367 = tpu.vector_load_idx %arg7[%add3A_366] : memref<65536xf32, #tpu.memory_space<vmem>>[vector<16xi32>], vector<16xf32>,
      %add3A_368 = arith.constant 7 : i32
      %add3A_369 = vector.broadcast %add3A_368 : i32 to vector<16xi32>
      %add3A_370 = arith.addi %mul3A_335, %add3A_369 : vector<16xi32>
      %gather3A_371 = tpu.vector_load_idx %arg7[%add3A_370] : memref<65536xf32, #tpu.memory_space<vmem>>[vector<16xi32>], vector<16xf32>,
      %add3A_372 = arith.constant 8 : i32
      %add3A_373 = vector.broadcast %add3A_372 : i32 to vector<16xi32>
      %add3A_374 = arith.addi %mul3A_335, %add3A_373 : vector<16xi32>
      %gather3A_375 = tpu.vector_load_idx %arg7[%add3A_374] : memref<65536xf32, #tpu.memory_space<vmem>>[vector<16xi32>], vector<16xf32>,
      %add3A_376 = arith.constant 9 : i32
      %add3A_377 = vector.broadcast %add3A_376 : i32 to vector<16xi32>
      %add3A_378 = arith.addi %mul3A_335, %add3A_377 : vector<16xi32>
      %gather3A_379 = tpu.vector_load_idx %arg7[%add3A_378] : memref<65536xf32, #tpu.memory_space<vmem>>[vector<16xi32>], vector<16xf32>,
      %add3A_380 = arith.constant 10 : i32
      %add3A_381 = vector.broadcast %add3A_380 : i32 to vector<16xi32>
      %add3A_382 = arith.addi %mul3A_335, %add3A_381 : vector<16xi32>
      %gather3A_383 = tpu.vector_load_idx %arg7[%add3A_382] : memref<65536xf32, #tpu.memory_space<vmem>>[vector<16xi32>], vector<16xf32>,
      %add3A_384 = arith.constant 11 : i32
      %add3A_385 = vector.broadcast %add3A_384 : i32 to vector<16xi32>
      %add3A_386 = arith.addi %mul3A_335, %add3A_385 : vector<16xi32>
      %gather3A_387 = tpu.vector_load_idx %arg7[%add3A_386] : memref<65536xf32, #tpu.memory_space<vmem>>[vector<16xi32>], vector<16xf32>,
      %mul3A_388 = arith.mulf %get3A_339, %gather3A_343 : vector<16xf32>
      %add3A_389 = arith.addf %add3A_306, %mul3A_388 : vector<16xf32>
      %mul3A_390 = arith.mulf %get3A_339, %gather3A_347 : vector<16xf32>
      %add3A_391 = arith.addf %add3A_308, %mul3A_390 : vector<16xf32>
      %mul3A_392 = arith.mulf %get3A_339, %gather3A_351 : vector<16xf32>
      %add3A_393 = arith.addf %add3A_310, %mul3A_392 : vector<16xf32>
      %mul3A_394 = arith.mulf %get3A_339, %gather3A_355 : vector<16xf32>
      %add3A_395 = arith.addf %add3A_312, %mul3A_394 : vector<16xf32>
      %mul3A_396 = arith.mulf %get3A_339, %gather3A_359 : vector<16xf32>
      %add3A_397 = arith.addf %add3A_314, %mul3A_396 : vector<16xf32>
      %mul3A_398 = arith.mulf %get3A_339, %gather3A_363 : vector<16xf32>
      %add3A_399 = arith.addf %add3A_316, %mul3A_398 : vector<16xf32>
      %mul3A_400 = arith.mulf %get3A_339, %gather3A_367 : vector<16xf32>
      %add3A_401 = arith.addf %add3A_318, %mul3A_400 : vector<16xf32>
      %mul3A_402 = arith.mulf %get3A_339, %gather3A_371 : vector<16xf32>
      %add3A_403 = arith.addf %add3A_320, %mul3A_402 : vector<16xf32>
      %mul3A_404 = arith.mulf %get3A_339, %gather3A_375 : vector<16xf32>
      %add3A_405 = arith.addf %add3A_322, %mul3A_404 : vector<16xf32>
      %mul3A_406 = arith.mulf %get3A_339, %gather3A_379 : vector<16xf32>
      %add3A_407 = arith.addf %add3A_324, %mul3A_406 : vector<16xf32>
      %mul3A_408 = arith.mulf %get3A_339, %gather3A_383 : vector<16xf32>
      %add3A_409 = arith.addf %add3A_326, %mul3A_408 : vector<16xf32>
      %mul3A_410 = arith.mulf %get3A_339, %gather3A_387 : vector<16xf32>
      %add3A_411 = arith.addf %add3A_328, %mul3A_410 : vector<16xf32>
      %get3A_412 = arith.constant 0 : i32
      %get3A_413 = arith.index_cast %get3A_412 : i32 to index
      %get3A_414 = arith.index_cast %mul3A_10 : i32 to index
      %get3A_415 = tpu.vector_load %arg10[%get3A_413, %get3A_414] {strides = array<i32>} : memref<3x512xf32, #tpu.memory_space<vmem>>, vector<16xf32>,
      %get3A_416 = arith.constant 1 : i32
      %get3A_417 = arith.index_cast %get3A_416 : i32 to index
      %get3A_418 = arith.index_cast %mul3A_10 : i32 to index
      %get3A_419 = tpu.vector_load %arg10[%get3A_417, %get3A_418] {strides = array<i32>} : memref<3x512xf32, #tpu.memory_space<vmem>>, vector<16xf32>,
      %get3A_420 = arith.constant 2 : i32
      %get3A_421 = arith.index_cast %get3A_420 : i32 to index
      %get3A_422 = arith.index_cast %mul3A_10 : i32 to index
      %get3A_423 = tpu.vector_load %arg10[%get3A_421, %get3A_422] {strides = array<i32>} : memref<3x512xf32, #tpu.memory_space<vmem>>, vector<16xf32>,
      %mul3A_424 = arith.mulf %add3A_389, %get3A_415 : vector<16xf32>
      %mul3A_425 = arith.mulf %add3A_391, %get3A_419 : vector<16xf32>
      %add3A_426 = arith.addf %mul3A_424, %mul3A_425 : vector<16xf32>
      %mul3A_427 = arith.mulf %add3A_393, %get3A_423 : vector<16xf32>
      %add3A_428 = arith.addf %add3A_426, %mul3A_427 : vector<16xf32>
      %add3A_429 = arith.addf %add3A_428, %add3A_395 : vector<16xf32>
      %swap3A = arith.constant 0 : i32
      %swap3A_430 = arith.index_cast %swap3A : i32 to index
      %swap3A_431 = arith.index_cast %mul3A_10 : i32 to index
      %swap3A_432 = tpu.vector_load %arg11[%swap3A_430, %swap3A_431] {strides = array<i32>} : memref<3x512xf32, #tpu.memory_space<vmem>>, vector<16xf32>,
      tpu.vector_store %arg11[%swap3A_430, %swap3A_431], %add3A_429 {strides = array<i32>} : memref<3x512xf32, #tpu.memory_space<vmem>>, vector<16xf32>,
      %mul3A_433 = arith.mulf %add3A_397, %get3A_415 : vector<16xf32>
      %mul3A_434 = arith.mulf %add3A_399, %get3A_419 : vector<16xf32>
      %add3A_435 = arith.addf %mul3A_433, %mul3A_434 : vector<16xf32>
      %mul3A_436 = arith.mulf %add3A_401, %get3A_423 : vector<16xf32>
      %add3A_437 = arith.addf %add3A_435, %mul3A_436 : vector<16xf32>
      %add3A_438 = arith.addf %add3A_437, %add3A_403 : vector<16xf32>
      %swap3A_439 = arith.constant 1 : i32
      %swap3A_440 = arith.index_cast %swap3A_439 : i32 to index
      %swap3A_441 = arith.index_cast %mul3A_10 : i32 to index
      %swap3A_442 = tpu.vector_load %arg11[%swap3A_440, %swap3A_441] {strides = array<i32>} : memref<3x512xf32, #tpu.memory_space<vmem>>, vector<16xf32>,
      tpu.vector_store %arg11[%swap3A_440, %swap3A_441], %add3A_438 {strides = array<i32>} : memref<3x512xf32, #tpu.memory_space<vmem>>, vector<16xf32>,
      %mul3A_443 = arith.mulf %add3A_405, %get3A_415 : vector<16xf32>
      %mul3A_444 = arith.mulf %add3A_407, %get3A_419 : vector<16xf32>
      %add3A_445 = arith.addf %mul3A_443, %mul3A_444 : vector<16xf32>
      %mul3A_446 = arith.mulf %add3A_409, %get3A_423 : vector<16xf32>
      %add3A_447 = arith.addf %add3A_445, %mul3A_446 : vector<16xf32>
      %add3A_448 = arith.addf %add3A_447, %add3A_411 : vector<16xf32>
      %swap3A_449 = arith.constant 2 : i32
      %swap3A_450 = arith.index_cast %swap3A_449 : i32 to index
      %swap3A_451 = arith.index_cast %mul3A_10 : i32 to index
      %swap3A_452 = tpu.vector_load %arg11[%swap3A_450, %swap3A_451] {strides = array<i32>} : memref<3x512xf32, #tpu.memory_space<vmem>>, vector<16xf32>,
      tpu.vector_store %arg11[%swap3A_450, %swap3A_451], %add3A_448 {strides = array<i32>} : memref<3x512xf32, #tpu.memory_space<vmem>>, vector<16xf32>,
    }
    %scan3A_7 = arith.constant 32 : i32
    "tpu.region"() ({
      %run_scoped3A = tpu.sem_alloc : memref<!tpu.dma_semaphore, #tpu.memory_space<semaphore_mem>>
      %dma_start3A = arith.constant 0 : i32
      %dma_start3A_8 = tpu.memref_slice %arg6[%dma_start3A, %mul3A_2] : memref<3x16384xf32, #tpu.memory_space<hbm>> -> memref<3x512xf32, #tpu.memory_space<hbm>>
      %dma_start3A_9 = arith.constant 0 : i32
      %dma_start3A_10 = tpu.memref_slice %arg6[%dma_start3A_9, %mul3A_2] : memref<3x16384xf32, #tpu.memory_space<hbm>> -> memref<3x512xf32, #tpu.memory_space<hbm>>
      tpu.enqueue_dma source(%arg11 : memref<3x512xf32, #tpu.memory_space<vmem>>) target(%dma_start3A_10 : memref<3x512xf32, #tpu.memory_space<hbm>>) target_semaphore(%run_scoped3A : memref<!tpu.dma_semaphore, #tpu.memory_space<semaphore_mem>>)
      %dma_wait3A = arith.constant 0 : i32
      %dma_wait3A_11 = tpu.memref_slice %arg6[%dma_wait3A, %mul3A_2] : memref<3x16384xf32, #tpu.memory_space<hbm>> -> memref<3x512xf32, #tpu.memory_space<hbm>>
      %dma_wait3A_12 = arith.constant 0 : i32
      %dma_wait3A_13 = tpu.memref_slice %arg6[%dma_wait3A_12, %mul3A_2] : memref<3x16384xf32, #tpu.memory_space<hbm>> -> memref<3x512xf32, #tpu.memory_space<hbm>>
      tpu.wait_dma2 semaphore(%run_scoped3A : memref<!tpu.dma_semaphore, #tpu.memory_space<semaphore_mem>>) src(%arg11 : memref<3x512xf32, #tpu.memory_space<vmem>>) dst(%dma_wait3A_13 : memref<3x512xf32, #tpu.memory_space<hbm>>)
      tpu.yield
    }) : () -> ()
    return
  }
}

module attributes {stable_mosaic.version = 14 : i64} {
  func.func @_tm_body(%arg0: i32, %arg1: memref<3x1024xf32, #tpu.memory_space<vmem>>, %arg2: memref<1x69x1xf32, #tpu.memory_space<vmem>>, %arg3: memref<1x1x3xf32, #tpu.memory_space<vmem>>, %arg4: memref<1x1x3xf32, #tpu.memory_space<vmem>>, %arg5: memref<1x1x1xf32, #tpu.memory_space<vmem>>, %arg6: memref<256x3xf32, #tpu.memory_space<vmem>>, %arg7: memref<256x69xf32, #tpu.memory_space<vmem>>, %arg8: memref<256x1xf32, #tpu.memory_space<vmem>>, %arg9: memref<256x256xf32, #tpu.memory_space<vmem>>, %arg10: memref<256x1xf32, #tpu.memory_space<vmem>>, %arg11: memref<8x256xf32, #tpu.memory_space<vmem>>, %arg12: memref<8x1xf32, #tpu.memory_space<vmem>>, %arg13: memref<1x1024x16xf32, #tpu.memory_space<vmem>>, %arg14: memref<1x1024x8xf32, #tpu.memory_space<vmem>>) attributes {dimension_semantics = [#tpu.dimension_semantics<arbitrary>], iteration_bounds = array<i64: 4>, scalar_prefetch = 0 : i64, scratch_operands = 0 : i64, tpu.core_type = #tpu.core_type<tc>, window_params = [{pipeline_mode = #tpu.pipeline_mode<synchronous>, transform_indices = @transform_0, window_bounds = array<i64: 3, 1024>}, {transform_indices = @transform_1, window_bounds = array<i64: 1, 69, 1>}, {transform_indices = @transform_2, window_bounds = array<i64: 1, 1, 3>}, {transform_indices = @transform_3, window_bounds = array<i64: 1, 1, 3>}, {transform_indices = @transform_4, window_bounds = array<i64: 1, 1, 1>}, {pipeline_mode = #tpu.pipeline_mode<synchronous>, transform_indices = @transform_5, window_bounds = array<i64: 256, 3>}, {pipeline_mode = #tpu.pipeline_mode<synchronous>, transform_indices = @transform_6, window_bounds = array<i64: 256, 69>}, {pipeline_mode = #tpu.pipeline_mode<synchronous>, transform_indices = @transform_7, window_bounds = array<i64: 256, 1>}, {pipeline_mode = #tpu.pipeline_mode<synchronous>, transform_indices = @transform_8, window_bounds = array<i64: 256, 256>}, {pipeline_mode = #tpu.pipeline_mode<synchronous>, transform_indices = @transform_9, window_bounds = array<i64: 256, 1>}, {pipeline_mode = #tpu.pipeline_mode<synchronous>, transform_indices = @transform_10, window_bounds = array<i64: 8, 256>}, {pipeline_mode = #tpu.pipeline_mode<synchronous>, transform_indices = @transform_11, window_bounds = array<i64: 8, 1>}, {transform_indices = @transform_12, window_bounds = array<i64: 1, 1024, 16>}, {pipeline_mode = #tpu.pipeline_mode<synchronous>, transform_indices = @transform_13, window_bounds = array<i64: 1, 1024, 8>}]} {
    %get3A = arith.constant 0 : index
    %get3A_0 = arith.constant 0 : index
    %get3A_1 = vector.load %arg1[%get3A, %get3A_0] : memref<3x1024xf32, #tpu.memory_space<vmem>>, vector<3x1024xf32>
    %get3A_2 = arith.constant 0 : index
    %get3A_3 = arith.constant 0 : index
    %get3A_4 = vector.load %arg6[%get3A_2, %get3A_3] : memref<256x3xf32, #tpu.memory_space<vmem>>, vector<256x3xf32>
    %dot_general3A = arith.constant dense<0.000000e+00> : vector<256x1024xf32>
    %dot_general3A_5 = tpu.matmul %get3A_4, %get3A_1, %dot_general3A {dimension_numbers = #tpu.dot_dimension_numbers<[1], [0], [0], [1], [0, 0, 1, 1], [], []>, transpose_lhs_hint = false} : vector<256x3xf32>, vector<3x1024xf32>, vector<256x1024xf32> -> vector<256x1024xf32>
    %get3A_6 = arith.constant 0 : index
    %get3A_7 = arith.constant 0 : index
    %get3A_8 = vector.load %arg7[%get3A_6, %get3A_7] : memref<256x69xf32, #tpu.memory_space<vmem>>, vector<256x69xf32>
    %get3A_9 = arith.constant 0 : index
    %get3A_10 = arith.constant 0 : index
    %get3A_11 = arith.constant 0 : index
    %get3A_12 = vector.load %arg2[%get3A_9, %get3A_10, %get3A_11] : memref<1x69x1xf32, #tpu.memory_space<vmem>>, vector<1x69x1xf32>
    %get3A_13 = vector.shape_cast %get3A_12 : vector<1x69x1xf32> to vector<69x1xf32>
    %dot_general3A_14 = arith.constant dense<0.000000e+00> : vector<256x1xf32>
    %dot_general3A_15 = tpu.matmul %get3A_8, %get3A_13, %dot_general3A_14 {dimension_numbers = #tpu.dot_dimension_numbers<[1], [0], [0], [1], [0, 0, 1, 1], [], []>, transpose_lhs_hint = false} : vector<256x69xf32>, vector<69x1xf32>, vector<256x1xf32> -> vector<256x1xf32>
    %add3A = vector.broadcast %dot_general3A_15 : vector<256x1xf32> to vector<256x1024xf32>
    %add3A_16 = arith.addf %dot_general3A_5, %add3A : vector<256x1024xf32>
    %get3A_17 = arith.constant 0 : index
    %get3A_18 = arith.constant 0 : index
    %get3A_19 = vector.load %arg8[%get3A_17, %get3A_18] : memref<256x1xf32, #tpu.memory_space<vmem>>, vector<256x1xf32>
    %add3A_20 = vector.broadcast %get3A_19 : vector<256x1xf32> to vector<256x1024xf32>
    %add3A_21 = arith.addf %add3A_16, %add3A_20 : vector<256x1024xf32>
    %max3A = arith.constant 0.000000e+00 : f32
    %max3A_22 = vector.broadcast %max3A : f32 to vector<256x1024xf32>
    %max3A_23 = arith.maximumf %add3A_21, %max3A_22 : vector<256x1024xf32>
    %get3A_24 = arith.constant 0 : index
    %get3A_25 = arith.constant 0 : index
    %get3A_26 = vector.load %arg9[%get3A_24, %get3A_25] : memref<256x256xf32, #tpu.memory_space<vmem>>, vector<256x256xf32>
    %dot_general3A_27 = arith.constant dense<0.000000e+00> : vector<256x1024xf32>
    %dot_general3A_28 = tpu.matmul %get3A_26, %max3A_23, %dot_general3A_27 {dimension_numbers = #tpu.dot_dimension_numbers<[1], [0], [0], [1], [0, 0, 1, 1], [], []>, transpose_lhs_hint = false} : vector<256x256xf32>, vector<256x1024xf32>, vector<256x1024xf32> -> vector<256x1024xf32>
    %get3A_29 = arith.constant 0 : index
    %get3A_30 = arith.constant 0 : index
    %get3A_31 = vector.load %arg10[%get3A_29, %get3A_30] : memref<256x1xf32, #tpu.memory_space<vmem>>, vector<256x1xf32>
    %add3A_32 = vector.broadcast %get3A_31 : vector<256x1xf32> to vector<256x1024xf32>
    %add3A_33 = arith.addf %dot_general3A_28, %add3A_32 : vector<256x1024xf32>
    %max3A_34 = arith.constant 0.000000e+00 : f32
    %max3A_35 = vector.broadcast %max3A_34 : f32 to vector<256x1024xf32>
    %max3A_36 = arith.maximumf %add3A_33, %max3A_35 : vector<256x1024xf32>
    %get3A_37 = arith.constant 0 : index
    %get3A_38 = arith.constant 0 : index
    %get3A_39 = vector.load %arg11[%get3A_37, %get3A_38] : memref<8x256xf32, #tpu.memory_space<vmem>>, vector<8x256xf32>
    %dot_general3A_40 = arith.constant dense<0.000000e+00> : vector<8x1024xf32>
    %dot_general3A_41 = tpu.matmul %get3A_39, %max3A_36, %dot_general3A_40 {dimension_numbers = #tpu.dot_dimension_numbers<[1], [0], [0], [1], [0, 0, 1, 1], [], []>, transpose_lhs_hint = false} : vector<8x256xf32>, vector<256x1024xf32>, vector<8x1024xf32> -> vector<8x1024xf32>
    %get3A_42 = arith.constant 0 : index
    %get3A_43 = arith.constant 0 : index
    %get3A_44 = vector.load %arg12[%get3A_42, %get3A_43] : memref<8x1xf32, #tpu.memory_space<vmem>>, vector<8x1xf32>
    %add3A_45 = vector.broadcast %get3A_44 : vector<8x1xf32> to vector<8x1024xf32>
    %add3A_46 = arith.addf %dot_general3A_41, %add3A_45 : vector<8x1024xf32>
    %slice3A = vector.extract_strided_slice %add3A_46 {offsets = [0, 0], sizes = [1, 1024], strides = [1, 1]} : vector<8x1024xf32> to vector<1x1024xf32>
    %slice3A_47 = vector.extract_strided_slice %add3A_46 {offsets = [1, 0], sizes = [1, 1024], strides = [1, 1]} : vector<8x1024xf32> to vector<1x1024xf32>
    %slice3A_48 = vector.extract_strided_slice %add3A_46 {offsets = [2, 0], sizes = [1, 1024], strides = [1, 1]} : vector<8x1024xf32> to vector<1x1024xf32>
    %slice3A_49 = vector.extract_strided_slice %add3A_46 {offsets = [3, 0], sizes = [1, 1024], strides = [1, 1]} : vector<8x1024xf32> to vector<1x1024xf32>
    %slice3A_50 = vector.extract_strided_slice %add3A_46 {offsets = [4, 0], sizes = [1, 1024], strides = [1, 1]} : vector<8x1024xf32> to vector<1x1024xf32>
    %slice3A_51 = vector.extract_strided_slice %add3A_46 {offsets = [5, 0], sizes = [1, 1024], strides = [1, 1]} : vector<8x1024xf32> to vector<1x1024xf32>
    %add3A_52 = arith.constant 9.99999993E-9 : f32
    %add3A_53 = vector.broadcast %add3A_52 : f32 to vector<1x1024xf32>
    %add3A_54 = arith.addf %slice3A, %add3A_53 : vector<1x1024xf32>
    %integer_pow3A = arith.mulf %add3A_54, %add3A_54 : vector<1x1024xf32>
    %add3A_55 = arith.constant 9.99999993E-9 : f32
    %add3A_56 = vector.broadcast %add3A_55 : f32 to vector<1x1024xf32>
    %add3A_57 = arith.addf %slice3A_47, %add3A_56 : vector<1x1024xf32>
    %integer_pow3A_58 = arith.mulf %add3A_57, %add3A_57 : vector<1x1024xf32>
    %add3A_59 = arith.addf %integer_pow3A, %integer_pow3A_58 : vector<1x1024xf32>
    %add3A_60 = arith.constant 9.99999993E-9 : f32
    %add3A_61 = vector.broadcast %add3A_60 : f32 to vector<1x1024xf32>
    %add3A_62 = arith.addf %slice3A_48, %add3A_61 : vector<1x1024xf32>
    %integer_pow3A_63 = arith.mulf %add3A_62, %add3A_62 : vector<1x1024xf32>
    %add3A_64 = arith.addf %add3A_59, %integer_pow3A_63 : vector<1x1024xf32>
    %sqrt3A = math.sqrt %add3A_64 : vector<1x1024xf32>
    %mul3A = arith.constant 5.000000e-01 : f32
    %mul3A_65 = vector.broadcast %mul3A : f32 to vector<1x1024xf32>
    %mul3A_66 = arith.mulf %sqrt3A, %mul3A_65 : vector<1x1024xf32>
    %cos3A = math.cos %mul3A_66 : vector<1x1024xf32>
    %sin3A = math.sin %mul3A_66 : vector<1x1024xf32>
    %div3A = arith.divf %sin3A, %sqrt3A : vector<1x1024xf32>
    %mul3A_67 = arith.mulf %slice3A, %div3A : vector<1x1024xf32>
    %mul3A_68 = arith.mulf %slice3A_47, %div3A : vector<1x1024xf32>
    %mul3A_69 = arith.mulf %slice3A_48, %div3A : vector<1x1024xf32>
    %mul3A_70 = arith.mulf %cos3A, %cos3A : vector<1x1024xf32>
    %mul3A_71 = arith.mulf %mul3A_67, %mul3A_67 : vector<1x1024xf32>
    %add3A_72 = arith.addf %mul3A_70, %mul3A_71 : vector<1x1024xf32>
    %mul3A_73 = arith.mulf %mul3A_68, %mul3A_68 : vector<1x1024xf32>
    %add3A_74 = arith.addf %add3A_72, %mul3A_73 : vector<1x1024xf32>
    %mul3A_75 = arith.mulf %mul3A_69, %mul3A_69 : vector<1x1024xf32>
    %add3A_76 = arith.addf %add3A_74, %mul3A_75 : vector<1x1024xf32>
    %rsqrt3A = math.rsqrt %add3A_76 : vector<1x1024xf32>
    %mul3A_77 = arith.mulf %cos3A, %rsqrt3A : vector<1x1024xf32>
    %mul3A_78 = arith.mulf %mul3A_67, %rsqrt3A : vector<1x1024xf32>
    %mul3A_79 = arith.mulf %mul3A_68, %rsqrt3A : vector<1x1024xf32>
    %mul3A_80 = arith.mulf %mul3A_69, %rsqrt3A : vector<1x1024xf32>
    %mul3A_81 = arith.mulf %mul3A_77, %mul3A_77 : vector<1x1024xf32>
    %mul3A_82 = arith.mulf %mul3A_78, %mul3A_78 : vector<1x1024xf32>
    %mul3A_83 = arith.mulf %mul3A_79, %mul3A_79 : vector<1x1024xf32>
    %mul3A_84 = arith.mulf %mul3A_80, %mul3A_80 : vector<1x1024xf32>
    %mul3A_85 = arith.mulf %mul3A_77, %mul3A_78 : vector<1x1024xf32>
    %mul3A_86 = arith.mulf %mul3A_77, %mul3A_79 : vector<1x1024xf32>
    %mul3A_87 = arith.mulf %mul3A_77, %mul3A_80 : vector<1x1024xf32>
    %mul3A_88 = arith.mulf %mul3A_78, %mul3A_79 : vector<1x1024xf32>
    %mul3A_89 = arith.mulf %mul3A_78, %mul3A_80 : vector<1x1024xf32>
    %mul3A_90 = arith.mulf %mul3A_79, %mul3A_80 : vector<1x1024xf32>
    %add3A_91 = arith.addf %mul3A_81, %mul3A_82 : vector<1x1024xf32>
    %sub3A = arith.subf %add3A_91, %mul3A_83 : vector<1x1024xf32>
    %sub3A_92 = arith.subf %sub3A, %mul3A_84 : vector<1x1024xf32>
    %mul3A_93 = arith.constant 2.000000e+00 : f32
    %mul3A_94 = vector.broadcast %mul3A_93 : f32 to vector<1x1024xf32>
    %mul3A_95 = arith.mulf %mul3A_94, %mul3A_88 : vector<1x1024xf32>
    %mul3A_96 = arith.constant 2.000000e+00 : f32
    %mul3A_97 = vector.broadcast %mul3A_96 : f32 to vector<1x1024xf32>
    %mul3A_98 = arith.mulf %mul3A_97, %mul3A_87 : vector<1x1024xf32>
    %sub3A_99 = arith.subf %mul3A_95, %mul3A_98 : vector<1x1024xf32>
    %mul3A_100 = arith.constant 2.000000e+00 : f32
    %mul3A_101 = vector.broadcast %mul3A_100 : f32 to vector<1x1024xf32>
    %mul3A_102 = arith.mulf %mul3A_101, %mul3A_86 : vector<1x1024xf32>
    %mul3A_103 = arith.constant 2.000000e+00 : f32
    %mul3A_104 = vector.broadcast %mul3A_103 : f32 to vector<1x1024xf32>
    %mul3A_105 = arith.mulf %mul3A_104, %mul3A_89 : vector<1x1024xf32>
    %add3A_106 = arith.addf %mul3A_102, %mul3A_105 : vector<1x1024xf32>
    %mul3A_107 = arith.constant 2.000000e+00 : f32
    %mul3A_108 = vector.broadcast %mul3A_107 : f32 to vector<1x1024xf32>
    %mul3A_109 = arith.mulf %mul3A_108, %mul3A_87 : vector<1x1024xf32>
    %mul3A_110 = arith.constant 2.000000e+00 : f32
    %mul3A_111 = vector.broadcast %mul3A_110 : f32 to vector<1x1024xf32>
    %mul3A_112 = arith.mulf %mul3A_111, %mul3A_88 : vector<1x1024xf32>
    %add3A_113 = arith.addf %mul3A_109, %mul3A_112 : vector<1x1024xf32>
    %sub3A_114 = arith.subf %mul3A_81, %mul3A_82 : vector<1x1024xf32>
    %add3A_115 = arith.addf %sub3A_114, %mul3A_83 : vector<1x1024xf32>
    %sub3A_116 = arith.subf %add3A_115, %mul3A_84 : vector<1x1024xf32>
    %mul3A_117 = arith.constant 2.000000e+00 : f32
    %mul3A_118 = vector.broadcast %mul3A_117 : f32 to vector<1x1024xf32>
    %mul3A_119 = arith.mulf %mul3A_118, %mul3A_90 : vector<1x1024xf32>
    %mul3A_120 = arith.constant 2.000000e+00 : f32
    %mul3A_121 = vector.broadcast %mul3A_120 : f32 to vector<1x1024xf32>
    %mul3A_122 = arith.mulf %mul3A_121, %mul3A_85 : vector<1x1024xf32>
    %sub3A_123 = arith.subf %mul3A_119, %mul3A_122 : vector<1x1024xf32>
    %mul3A_124 = arith.constant 2.000000e+00 : f32
    %mul3A_125 = vector.broadcast %mul3A_124 : f32 to vector<1x1024xf32>
    %mul3A_126 = arith.mulf %mul3A_125, %mul3A_89 : vector<1x1024xf32>
    %mul3A_127 = arith.constant 2.000000e+00 : f32
    %mul3A_128 = vector.broadcast %mul3A_127 : f32 to vector<1x1024xf32>
    %mul3A_129 = arith.mulf %mul3A_128, %mul3A_86 : vector<1x1024xf32>
    %sub3A_130 = arith.subf %mul3A_126, %mul3A_129 : vector<1x1024xf32>
    %mul3A_131 = arith.constant 2.000000e+00 : f32
    %mul3A_132 = vector.broadcast %mul3A_131 : f32 to vector<1x1024xf32>
    %mul3A_133 = arith.mulf %mul3A_132, %mul3A_85 : vector<1x1024xf32>
    %mul3A_134 = arith.constant 2.000000e+00 : f32
    %mul3A_135 = vector.broadcast %mul3A_134 : f32 to vector<1x1024xf32>
    %mul3A_136 = arith.mulf %mul3A_135, %mul3A_90 : vector<1x1024xf32>
    %add3A_137 = arith.addf %mul3A_133, %mul3A_136 : vector<1x1024xf32>
    %sub3A_138 = arith.subf %mul3A_81, %mul3A_82 : vector<1x1024xf32>
    %sub3A_139 = arith.subf %sub3A_138, %mul3A_83 : vector<1x1024xf32>
    %add3A_140 = arith.addf %sub3A_139, %mul3A_84 : vector<1x1024xf32>
    %get3A_141 = arith.constant 0 : index
    %get3A_142 = arith.constant 0 : index
    %get3A_143 = arith.constant 0 : index
    %get3A_144 = vector.load %arg3[%get3A_141, %get3A_142, %get3A_143] : memref<1x1x3xf32, #tpu.memory_space<vmem>>, vector<1x1x1xf32>
    %get3A_145 = vector.shape_cast %get3A_144 : vector<1x1x1xf32> to vector<1x1xf32>
    %get3A_146 = arith.constant 0 : index
    %get3A_147 = arith.constant 0 : index
    %get3A_148 = arith.constant 1 : index
    %get3A_149 = vector.load %arg3[%get3A_146, %get3A_147, %get3A_148] : memref<1x1x3xf32, #tpu.memory_space<vmem>>, vector<1x1x1xf32>
    %get3A_150 = vector.shape_cast %get3A_149 : vector<1x1x1xf32> to vector<1x1xf32>
    %get3A_151 = arith.constant 0 : index
    %get3A_152 = arith.constant 0 : index
    %get3A_153 = arith.constant 2 : index
    %get3A_154 = vector.load %arg3[%get3A_151, %get3A_152, %get3A_153] : memref<1x1x3xf32, #tpu.memory_space<vmem>>, vector<1x1x1xf32>
    %get3A_155 = vector.shape_cast %get3A_154 : vector<1x1x1xf32> to vector<1x1xf32>
    %add3A_156 = arith.constant 9.99999993E-9 : f32
    %add3A_157 = vector.broadcast %add3A_156 : f32 to vector<1x1xf32>
    %add3A_158 = arith.addf %get3A_145, %add3A_157 : vector<1x1xf32>
    %integer_pow3A_159 = arith.mulf %add3A_158, %add3A_158 : vector<1x1xf32>
    %add3A_160 = arith.constant 9.99999993E-9 : f32
    %add3A_161 = vector.broadcast %add3A_160 : f32 to vector<1x1xf32>
    %add3A_162 = arith.addf %get3A_150, %add3A_161 : vector<1x1xf32>
    %integer_pow3A_163 = arith.mulf %add3A_162, %add3A_162 : vector<1x1xf32>
    %add3A_164 = arith.addf %integer_pow3A_159, %integer_pow3A_163 : vector<1x1xf32>
    %add3A_165 = arith.constant 9.99999993E-9 : f32
    %add3A_166 = vector.broadcast %add3A_165 : f32 to vector<1x1xf32>
    %add3A_167 = arith.addf %get3A_155, %add3A_166 : vector<1x1xf32>
    %integer_pow3A_168 = arith.mulf %add3A_167, %add3A_167 : vector<1x1xf32>
    %add3A_169 = arith.addf %add3A_164, %integer_pow3A_168 : vector<1x1xf32>
    %sqrt3A_170 = math.sqrt %add3A_169 : vector<1x1xf32>
    %mul3A_171 = arith.constant 5.000000e-01 : f32
    %mul3A_172 = vector.broadcast %mul3A_171 : f32 to vector<1x1xf32>
    %mul3A_173 = arith.mulf %sqrt3A_170, %mul3A_172 : vector<1x1xf32>
    %cos3A_174 = math.cos %mul3A_173 : vector<1x1xf32>
    %sin3A_175 = math.sin %mul3A_173 : vector<1x1xf32>
    %div3A_176 = arith.divf %sin3A_175, %sqrt3A_170 : vector<1x1xf32>
    %mul3A_177 = arith.mulf %get3A_145, %div3A_176 : vector<1x1xf32>
    %mul3A_178 = arith.mulf %get3A_150, %div3A_176 : vector<1x1xf32>
    %mul3A_179 = arith.mulf %get3A_155, %div3A_176 : vector<1x1xf32>
    %mul3A_180 = arith.mulf %cos3A_174, %cos3A_174 : vector<1x1xf32>
    %mul3A_181 = arith.mulf %mul3A_177, %mul3A_177 : vector<1x1xf32>
    %add3A_182 = arith.addf %mul3A_180, %mul3A_181 : vector<1x1xf32>
    %mul3A_183 = arith.mulf %mul3A_178, %mul3A_178 : vector<1x1xf32>
    %add3A_184 = arith.addf %add3A_182, %mul3A_183 : vector<1x1xf32>
    %mul3A_185 = arith.mulf %mul3A_179, %mul3A_179 : vector<1x1xf32>
    %add3A_186 = arith.addf %add3A_184, %mul3A_185 : vector<1x1xf32>
    %rsqrt3A_187 = math.rsqrt %add3A_186 : vector<1x1xf32>
    %mul3A_188 = arith.mulf %cos3A_174, %rsqrt3A_187 : vector<1x1xf32>
    %mul3A_189 = arith.mulf %mul3A_177, %rsqrt3A_187 : vector<1x1xf32>
    %mul3A_190 = arith.mulf %mul3A_178, %rsqrt3A_187 : vector<1x1xf32>
    %mul3A_191 = arith.mulf %mul3A_179, %rsqrt3A_187 : vector<1x1xf32>
    %mul3A_192 = arith.mulf %mul3A_188, %mul3A_188 : vector<1x1xf32>
    %mul3A_193 = arith.mulf %mul3A_189, %mul3A_189 : vector<1x1xf32>
    %mul3A_194 = arith.mulf %mul3A_190, %mul3A_190 : vector<1x1xf32>
    %mul3A_195 = arith.mulf %mul3A_191, %mul3A_191 : vector<1x1xf32>
    %mul3A_196 = arith.mulf %mul3A_188, %mul3A_189 : vector<1x1xf32>
    %mul3A_197 = arith.mulf %mul3A_188, %mul3A_190 : vector<1x1xf32>
    %mul3A_198 = arith.mulf %mul3A_188, %mul3A_191 : vector<1x1xf32>
    %mul3A_199 = arith.mulf %mul3A_189, %mul3A_190 : vector<1x1xf32>
    %mul3A_200 = arith.mulf %mul3A_189, %mul3A_191 : vector<1x1xf32>
    %mul3A_201 = arith.mulf %mul3A_190, %mul3A_191 : vector<1x1xf32>
    %add3A_202 = arith.addf %mul3A_192, %mul3A_193 : vector<1x1xf32>
    %sub3A_203 = arith.subf %add3A_202, %mul3A_194 : vector<1x1xf32>
    %sub3A_204 = arith.subf %sub3A_203, %mul3A_195 : vector<1x1xf32>
    %mul3A_205 = arith.constant 2.000000e+00 : f32
    %mul3A_206 = vector.broadcast %mul3A_205 : f32 to vector<1x1xf32>
    %mul3A_207 = arith.mulf %mul3A_206, %mul3A_199 : vector<1x1xf32>
    %mul3A_208 = arith.constant 2.000000e+00 : f32
    %mul3A_209 = vector.broadcast %mul3A_208 : f32 to vector<1x1xf32>
    %mul3A_210 = arith.mulf %mul3A_209, %mul3A_198 : vector<1x1xf32>
    %sub3A_211 = arith.subf %mul3A_207, %mul3A_210 : vector<1x1xf32>
    %mul3A_212 = arith.constant 2.000000e+00 : f32
    %mul3A_213 = vector.broadcast %mul3A_212 : f32 to vector<1x1xf32>
    %mul3A_214 = arith.mulf %mul3A_213, %mul3A_197 : vector<1x1xf32>
    %mul3A_215 = arith.constant 2.000000e+00 : f32
    %mul3A_216 = vector.broadcast %mul3A_215 : f32 to vector<1x1xf32>
    %mul3A_217 = arith.mulf %mul3A_216, %mul3A_200 : vector<1x1xf32>
    %add3A_218 = arith.addf %mul3A_214, %mul3A_217 : vector<1x1xf32>
    %mul3A_219 = arith.constant 2.000000e+00 : f32
    %mul3A_220 = vector.broadcast %mul3A_219 : f32 to vector<1x1xf32>
    %mul3A_221 = arith.mulf %mul3A_220, %mul3A_198 : vector<1x1xf32>
    %mul3A_222 = arith.constant 2.000000e+00 : f32
    %mul3A_223 = vector.broadcast %mul3A_222 : f32 to vector<1x1xf32>
    %mul3A_224 = arith.mulf %mul3A_223, %mul3A_199 : vector<1x1xf32>
    %add3A_225 = arith.addf %mul3A_221, %mul3A_224 : vector<1x1xf32>
    %sub3A_226 = arith.subf %mul3A_192, %mul3A_193 : vector<1x1xf32>
    %add3A_227 = arith.addf %sub3A_226, %mul3A_194 : vector<1x1xf32>
    %sub3A_228 = arith.subf %add3A_227, %mul3A_195 : vector<1x1xf32>
    %mul3A_229 = arith.constant 2.000000e+00 : f32
    %mul3A_230 = vector.broadcast %mul3A_229 : f32 to vector<1x1xf32>
    %mul3A_231 = arith.mulf %mul3A_230, %mul3A_201 : vector<1x1xf32>
    %mul3A_232 = arith.constant 2.000000e+00 : f32
    %mul3A_233 = vector.broadcast %mul3A_232 : f32 to vector<1x1xf32>
    %mul3A_234 = arith.mulf %mul3A_233, %mul3A_196 : vector<1x1xf32>
    %sub3A_235 = arith.subf %mul3A_231, %mul3A_234 : vector<1x1xf32>
    %mul3A_236 = arith.constant 2.000000e+00 : f32
    %mul3A_237 = vector.broadcast %mul3A_236 : f32 to vector<1x1xf32>
    %mul3A_238 = arith.mulf %mul3A_237, %mul3A_200 : vector<1x1xf32>
    %mul3A_239 = arith.constant 2.000000e+00 : f32
    %mul3A_240 = vector.broadcast %mul3A_239 : f32 to vector<1x1xf32>
    %mul3A_241 = arith.mulf %mul3A_240, %mul3A_197 : vector<1x1xf32>
    %sub3A_242 = arith.subf %mul3A_238, %mul3A_241 : vector<1x1xf32>
    %mul3A_243 = arith.constant 2.000000e+00 : f32
    %mul3A_244 = vector.broadcast %mul3A_243 : f32 to vector<1x1xf32>
    %mul3A_245 = arith.mulf %mul3A_244, %mul3A_196 : vector<1x1xf32>
    %mul3A_246 = arith.constant 2.000000e+00 : f32
    %mul3A_247 = vector.broadcast %mul3A_246 : f32 to vector<1x1xf32>
    %mul3A_248 = arith.mulf %mul3A_247, %mul3A_201 : vector<1x1xf32>
    %add3A_249 = arith.addf %mul3A_245, %mul3A_248 : vector<1x1xf32>
    %sub3A_250 = arith.subf %mul3A_192, %mul3A_193 : vector<1x1xf32>
    %sub3A_251 = arith.subf %sub3A_250, %mul3A_194 : vector<1x1xf32>
    %add3A_252 = arith.addf %sub3A_251, %mul3A_195 : vector<1x1xf32>
    %get3A_253 = arith.constant 0 : index
    %get3A_254 = arith.constant 0 : index
    %get3A_255 = arith.constant 0 : index
    %get3A_256 = vector.load %arg5[%get3A_253, %get3A_254, %get3A_255] : memref<1x1x1xf32, #tpu.memory_space<vmem>>, vector<1x1x1xf32>
    %get3A_257 = vector.shape_cast %get3A_256 : vector<1x1x1xf32> to vector<1x1xf32>
    %mul3A_258 = vector.broadcast %sub3A_204 : vector<1x1xf32> to vector<1x1024xf32>
    %mul3A_259 = arith.mulf %mul3A_258, %sub3A_92 : vector<1x1024xf32>
    %mul3A_260 = vector.broadcast %sub3A_211 : vector<1x1xf32> to vector<1x1024xf32>
    %mul3A_261 = arith.mulf %mul3A_260, %add3A_113 : vector<1x1024xf32>
    %add3A_262 = arith.addf %mul3A_259, %mul3A_261 : vector<1x1024xf32>
    %mul3A_263 = vector.broadcast %add3A_218 : vector<1x1xf32> to vector<1x1024xf32>
    %mul3A_264 = arith.mulf %mul3A_263, %sub3A_130 : vector<1x1024xf32>
    %add3A_265 = arith.addf %add3A_262, %mul3A_264 : vector<1x1024xf32>
    %mul3A_266 = vector.broadcast %get3A_257 : vector<1x1xf32> to vector<1x1024xf32>
    %mul3A_267 = arith.mulf %add3A_265, %mul3A_266 : vector<1x1024xf32>
    %mul3A_268 = vector.broadcast %sub3A_204 : vector<1x1xf32> to vector<1x1024xf32>
    %mul3A_269 = arith.mulf %mul3A_268, %sub3A_99 : vector<1x1024xf32>
    %mul3A_270 = vector.broadcast %sub3A_211 : vector<1x1xf32> to vector<1x1024xf32>
    %mul3A_271 = arith.mulf %mul3A_270, %sub3A_116 : vector<1x1024xf32>
    %add3A_272 = arith.addf %mul3A_269, %mul3A_271 : vector<1x1024xf32>
    %mul3A_273 = vector.broadcast %add3A_218 : vector<1x1xf32> to vector<1x1024xf32>
    %mul3A_274 = arith.mulf %mul3A_273, %add3A_137 : vector<1x1024xf32>
    %add3A_275 = arith.addf %add3A_272, %mul3A_274 : vector<1x1024xf32>
    %mul3A_276 = vector.broadcast %get3A_257 : vector<1x1xf32> to vector<1x1024xf32>
    %mul3A_277 = arith.mulf %add3A_275, %mul3A_276 : vector<1x1024xf32>
    %mul3A_278 = vector.broadcast %sub3A_204 : vector<1x1xf32> to vector<1x1024xf32>
    %mul3A_279 = arith.mulf %mul3A_278, %add3A_106 : vector<1x1024xf32>
    %mul3A_280 = vector.broadcast %sub3A_211 : vector<1x1xf32> to vector<1x1024xf32>
    %mul3A_281 = arith.mulf %mul3A_280, %sub3A_123 : vector<1x1024xf32>
    %add3A_282 = arith.addf %mul3A_279, %mul3A_281 : vector<1x1024xf32>
    %mul3A_283 = vector.broadcast %add3A_218 : vector<1x1xf32> to vector<1x1024xf32>
    %mul3A_284 = arith.mulf %mul3A_283, %add3A_140 : vector<1x1024xf32>
    %add3A_285 = arith.addf %add3A_282, %mul3A_284 : vector<1x1024xf32>
    %mul3A_286 = vector.broadcast %get3A_257 : vector<1x1xf32> to vector<1x1024xf32>
    %mul3A_287 = arith.mulf %add3A_285, %mul3A_286 : vector<1x1024xf32>
    %get3A_288 = arith.constant 0 : index
    %get3A_289 = arith.constant 0 : index
    %get3A_290 = arith.constant 0 : index
    %get3A_291 = vector.load %arg4[%get3A_288, %get3A_289, %get3A_290] : memref<1x1x3xf32, #tpu.memory_space<vmem>>, vector<1x1x1xf32>
    %get3A_292 = vector.shape_cast %get3A_291 : vector<1x1x1xf32> to vector<1x1xf32>
    %mul3A_293 = vector.broadcast %sub3A_204 : vector<1x1xf32> to vector<1x1024xf32>
    %mul3A_294 = arith.mulf %mul3A_293, %slice3A_49 : vector<1x1024xf32>
    %mul3A_295 = vector.broadcast %sub3A_211 : vector<1x1xf32> to vector<1x1024xf32>
    %mul3A_296 = arith.mulf %mul3A_295, %slice3A_50 : vector<1x1024xf32>
    %add3A_297 = arith.addf %mul3A_294, %mul3A_296 : vector<1x1024xf32>
    %mul3A_298 = vector.broadcast %add3A_218 : vector<1x1xf32> to vector<1x1024xf32>
    %mul3A_299 = arith.mulf %mul3A_298, %slice3A_51 : vector<1x1024xf32>
    %add3A_300 = arith.addf %add3A_297, %mul3A_299 : vector<1x1024xf32>
    %mul3A_301 = vector.broadcast %get3A_257 : vector<1x1xf32> to vector<1x1024xf32>
    %mul3A_302 = arith.mulf %add3A_300, %mul3A_301 : vector<1x1024xf32>
    %mul3A_303 = arith.mulf %get3A_292, %get3A_257 : vector<1x1xf32>
    %add3A_304 = vector.broadcast %mul3A_303 : vector<1x1xf32> to vector<1x1024xf32>
    %add3A_305 = arith.addf %mul3A_302, %add3A_304 : vector<1x1024xf32>
    %mul3A_306 = vector.broadcast %add3A_225 : vector<1x1xf32> to vector<1x1024xf32>
    %mul3A_307 = arith.mulf %mul3A_306, %sub3A_92 : vector<1x1024xf32>
    %mul3A_308 = vector.broadcast %sub3A_228 : vector<1x1xf32> to vector<1x1024xf32>
    %mul3A_309 = arith.mulf %mul3A_308, %add3A_113 : vector<1x1024xf32>
    %add3A_310 = arith.addf %mul3A_307, %mul3A_309 : vector<1x1024xf32>
    %mul3A_311 = vector.broadcast %sub3A_235 : vector<1x1xf32> to vector<1x1024xf32>
    %mul3A_312 = arith.mulf %mul3A_311, %sub3A_130 : vector<1x1024xf32>
    %add3A_313 = arith.addf %add3A_310, %mul3A_312 : vector<1x1024xf32>
    %mul3A_314 = vector.broadcast %get3A_257 : vector<1x1xf32> to vector<1x1024xf32>
    %mul3A_315 = arith.mulf %add3A_313, %mul3A_314 : vector<1x1024xf32>
    %mul3A_316 = vector.broadcast %add3A_225 : vector<1x1xf32> to vector<1x1024xf32>
    %mul3A_317 = arith.mulf %mul3A_316, %sub3A_99 : vector<1x1024xf32>
    %mul3A_318 = vector.broadcast %sub3A_228 : vector<1x1xf32> to vector<1x1024xf32>
    %mul3A_319 = arith.mulf %mul3A_318, %sub3A_116 : vector<1x1024xf32>
    %add3A_320 = arith.addf %mul3A_317, %mul3A_319 : vector<1x1024xf32>
    %mul3A_321 = vector.broadcast %sub3A_235 : vector<1x1xf32> to vector<1x1024xf32>
    %mul3A_322 = arith.mulf %mul3A_321, %add3A_137 : vector<1x1024xf32>
    %add3A_323 = arith.addf %add3A_320, %mul3A_322 : vector<1x1024xf32>
    %mul3A_324 = vector.broadcast %get3A_257 : vector<1x1xf32> to vector<1x1024xf32>
    %mul3A_325 = arith.mulf %add3A_323, %mul3A_324 : vector<1x1024xf32>
    %mul3A_326 = vector.broadcast %add3A_225 : vector<1x1xf32> to vector<1x1024xf32>
    %mul3A_327 = arith.mulf %mul3A_326, %add3A_106 : vector<1x1024xf32>
    %mul3A_328 = vector.broadcast %sub3A_228 : vector<1x1xf32> to vector<1x1024xf32>
    %mul3A_329 = arith.mulf %mul3A_328, %sub3A_123 : vector<1x1024xf32>
    %add3A_330 = arith.addf %mul3A_327, %mul3A_329 : vector<1x1024xf32>
    %mul3A_331 = vector.broadcast %sub3A_235 : vector<1x1xf32> to vector<1x1024xf32>
    %mul3A_332 = arith.mulf %mul3A_331, %add3A_140 : vector<1x1024xf32>
    %add3A_333 = arith.addf %add3A_330, %mul3A_332 : vector<1x1024xf32>
    %mul3A_334 = vector.broadcast %get3A_257 : vector<1x1xf32> to vector<1x1024xf32>
    %mul3A_335 = arith.mulf %add3A_333, %mul3A_334 : vector<1x1024xf32>
    %get3A_336 = arith.constant 0 : index
    %get3A_337 = arith.constant 0 : index
    %get3A_338 = arith.constant 1 : index
    %get3A_339 = vector.load %arg4[%get3A_336, %get3A_337, %get3A_338] : memref<1x1x3xf32, #tpu.memory_space<vmem>>, vector<1x1x1xf32>
    %get3A_340 = vector.shape_cast %get3A_339 : vector<1x1x1xf32> to vector<1x1xf32>
    %mul3A_341 = vector.broadcast %add3A_225 : vector<1x1xf32> to vector<1x1024xf32>
    %mul3A_342 = arith.mulf %mul3A_341, %slice3A_49 : vector<1x1024xf32>
    %mul3A_343 = vector.broadcast %sub3A_228 : vector<1x1xf32> to vector<1x1024xf32>
    %mul3A_344 = arith.mulf %mul3A_343, %slice3A_50 : vector<1x1024xf32>
    %add3A_345 = arith.addf %mul3A_342, %mul3A_344 : vector<1x1024xf32>
    %mul3A_346 = vector.broadcast %sub3A_235 : vector<1x1xf32> to vector<1x1024xf32>
    %mul3A_347 = arith.mulf %mul3A_346, %slice3A_51 : vector<1x1024xf32>
    %add3A_348 = arith.addf %add3A_345, %mul3A_347 : vector<1x1024xf32>
    %mul3A_349 = vector.broadcast %get3A_257 : vector<1x1xf32> to vector<1x1024xf32>
    %mul3A_350 = arith.mulf %add3A_348, %mul3A_349 : vector<1x1024xf32>
    %mul3A_351 = arith.mulf %get3A_340, %get3A_257 : vector<1x1xf32>
    %add3A_352 = vector.broadcast %mul3A_351 : vector<1x1xf32> to vector<1x1024xf32>
    %add3A_353 = arith.addf %mul3A_350, %add3A_352 : vector<1x1024xf32>
    %mul3A_354 = vector.broadcast %sub3A_242 : vector<1x1xf32> to vector<1x1024xf32>
    %mul3A_355 = arith.mulf %mul3A_354, %sub3A_92 : vector<1x1024xf32>
    %mul3A_356 = vector.broadcast %add3A_249 : vector<1x1xf32> to vector<1x1024xf32>
    %mul3A_357 = arith.mulf %mul3A_356, %add3A_113 : vector<1x1024xf32>
    %add3A_358 = arith.addf %mul3A_355, %mul3A_357 : vector<1x1024xf32>
    %mul3A_359 = vector.broadcast %add3A_252 : vector<1x1xf32> to vector<1x1024xf32>
    %mul3A_360 = arith.mulf %mul3A_359, %sub3A_130 : vector<1x1024xf32>
    %add3A_361 = arith.addf %add3A_358, %mul3A_360 : vector<1x1024xf32>
    %mul3A_362 = vector.broadcast %get3A_257 : vector<1x1xf32> to vector<1x1024xf32>
    %mul3A_363 = arith.mulf %add3A_361, %mul3A_362 : vector<1x1024xf32>
    %mul3A_364 = vector.broadcast %sub3A_242 : vector<1x1xf32> to vector<1x1024xf32>
    %mul3A_365 = arith.mulf %mul3A_364, %sub3A_99 : vector<1x1024xf32>
    %mul3A_366 = vector.broadcast %add3A_249 : vector<1x1xf32> to vector<1x1024xf32>
    %mul3A_367 = arith.mulf %mul3A_366, %sub3A_116 : vector<1x1024xf32>
    %add3A_368 = arith.addf %mul3A_365, %mul3A_367 : vector<1x1024xf32>
    %mul3A_369 = vector.broadcast %add3A_252 : vector<1x1xf32> to vector<1x1024xf32>
    %mul3A_370 = arith.mulf %mul3A_369, %add3A_137 : vector<1x1024xf32>
    %add3A_371 = arith.addf %add3A_368, %mul3A_370 : vector<1x1024xf32>
    %mul3A_372 = vector.broadcast %get3A_257 : vector<1x1xf32> to vector<1x1024xf32>
    %mul3A_373 = arith.mulf %add3A_371, %mul3A_372 : vector<1x1024xf32>
    %mul3A_374 = vector.broadcast %sub3A_242 : vector<1x1xf32> to vector<1x1024xf32>
    %mul3A_375 = arith.mulf %mul3A_374, %add3A_106 : vector<1x1024xf32>
    %mul3A_376 = vector.broadcast %add3A_249 : vector<1x1xf32> to vector<1x1024xf32>
    %mul3A_377 = arith.mulf %mul3A_376, %sub3A_123 : vector<1x1024xf32>
    %add3A_378 = arith.addf %mul3A_375, %mul3A_377 : vector<1x1024xf32>
    %mul3A_379 = vector.broadcast %add3A_252 : vector<1x1xf32> to vector<1x1024xf32>
    %mul3A_380 = arith.mulf %mul3A_379, %add3A_140 : vector<1x1024xf32>
    %add3A_381 = arith.addf %add3A_378, %mul3A_380 : vector<1x1024xf32>
    %mul3A_382 = vector.broadcast %get3A_257 : vector<1x1xf32> to vector<1x1024xf32>
    %mul3A_383 = arith.mulf %add3A_381, %mul3A_382 : vector<1x1024xf32>
    %get3A_384 = arith.constant 0 : index
    %get3A_385 = arith.constant 0 : index
    %get3A_386 = arith.constant 2 : index
    %get3A_387 = vector.load %arg4[%get3A_384, %get3A_385, %get3A_386] : memref<1x1x3xf32, #tpu.memory_space<vmem>>, vector<1x1x1xf32>
    %get3A_388 = vector.shape_cast %get3A_387 : vector<1x1x1xf32> to vector<1x1xf32>
    %mul3A_389 = vector.broadcast %sub3A_242 : vector<1x1xf32> to vector<1x1024xf32>
    %mul3A_390 = arith.mulf %mul3A_389, %slice3A_49 : vector<1x1024xf32>
    %mul3A_391 = vector.broadcast %add3A_249 : vector<1x1xf32> to vector<1x1024xf32>
    %mul3A_392 = arith.mulf %mul3A_391, %slice3A_50 : vector<1x1024xf32>
    %add3A_393 = arith.addf %mul3A_390, %mul3A_392 : vector<1x1024xf32>
    %mul3A_394 = vector.broadcast %add3A_252 : vector<1x1xf32> to vector<1x1024xf32>
    %mul3A_395 = arith.mulf %mul3A_394, %slice3A_51 : vector<1x1024xf32>
    %add3A_396 = arith.addf %add3A_393, %mul3A_395 : vector<1x1024xf32>
    %mul3A_397 = vector.broadcast %get3A_257 : vector<1x1xf32> to vector<1x1024xf32>
    %mul3A_398 = arith.mulf %add3A_396, %mul3A_397 : vector<1x1024xf32>
    %mul3A_399 = arith.mulf %get3A_388, %get3A_257 : vector<1x1xf32>
    %add3A_400 = vector.broadcast %mul3A_399 : vector<1x1xf32> to vector<1x1024xf32>
    %add3A_401 = arith.addf %mul3A_398, %add3A_400 : vector<1x1024xf32>
    %broadcast_in_dim3A = arith.constant 0.000000e+00 : f32
    %broadcast_in_dim3A_402 = vector.broadcast %broadcast_in_dim3A : f32 to vector<1x1024xf32>
    %add3A_403 = arith.constant 1.000000e+00 : f32
    %add3A_404 = vector.broadcast %add3A_403 : f32 to vector<1x1024xf32>
    %add3A_405 = arith.addf %broadcast_in_dim3A_402, %add3A_404 : vector<1x1024xf32>
    %concatenate3A = tpu.concatenate %mul3A_267, %mul3A_277, %mul3A_287, %add3A_305, %mul3A_315, %mul3A_325, %mul3A_335, %add3A_353, %mul3A_363, %mul3A_373, %mul3A_383, %add3A_401, %broadcast_in_dim3A_402, %broadcast_in_dim3A_402, %broadcast_in_dim3A_402, %add3A_405 in 0 : vector<1x1024xf32>, vector<1x1024xf32>, vector<1x1024xf32>, vector<1x1024xf32>, vector<1x1024xf32>, vector<1x1024xf32>, vector<1x1024xf32>, vector<1x1024xf32>, vector<1x1024xf32>, vector<1x1024xf32>, vector<1x1024xf32>, vector<1x1024xf32>, vector<1x1024xf32>, vector<1x1024xf32>, vector<1x1024xf32>, vector<1x1024xf32> -> vector<16x1024xf32>
    %transpose3A = tpu.transpose %concatenate3A, [1, 0] : vector<16x1024xf32> -> vector<1024x16xf32>
    %swap3A = arith.constant 0 : index
    %swap3A_406 = arith.constant 0 : index
    %swap3A_407 = arith.constant 0 : index
    %swap3A_408 = vector.load %arg13[%swap3A, %swap3A_406, %swap3A_407] : memref<1x1024x16xf32, #tpu.memory_space<vmem>>, vector<1x1024x16xf32>
    %swap3A_409 = vector.shape_cast %swap3A_408 : vector<1x1024x16xf32> to vector<1024x16xf32>
    %swap3A_410 = vector.shape_cast %transpose3A : vector<1024x16xf32> to vector<1x1024x16xf32>
    tpu.vector_store %arg13[%swap3A, %swap3A_406, %swap3A_407], %swap3A_410 {strides = array<i32>} : memref<1x1024x16xf32, #tpu.memory_space<vmem>>, vector<1x1024x16xf32>,
    %slice3A_411 = vector.extract_strided_slice %get3A_1 {offsets = [0, 0], sizes = [1, 1024], strides = [1, 1]} : vector<3x1024xf32> to vector<1x1024xf32>
    %slice3A_412 = vector.extract_strided_slice %get3A_1 {offsets = [0, 0], sizes = [1, 1024], strides = [1, 1]} : vector<3x1024xf32> to vector<1x1024xf32>
    %mul3A_413 = arith.mulf %slice3A_411, %slice3A_412 : vector<1x1024xf32>
    %slice3A_414 = vector.extract_strided_slice %get3A_1 {offsets = [1, 0], sizes = [1, 1024], strides = [1, 1]} : vector<3x1024xf32> to vector<1x1024xf32>
    %slice3A_415 = vector.extract_strided_slice %get3A_1 {offsets = [1, 0], sizes = [1, 1024], strides = [1, 1]} : vector<3x1024xf32> to vector<1x1024xf32>
    %mul3A_416 = arith.mulf %slice3A_414, %slice3A_415 : vector<1x1024xf32>
    %add3A_417 = arith.addf %mul3A_413, %mul3A_416 : vector<1x1024xf32>
    %slice3A_418 = vector.extract_strided_slice %get3A_1 {offsets = [2, 0], sizes = [1, 1024], strides = [1, 1]} : vector<3x1024xf32> to vector<1x1024xf32>
    %slice3A_419 = vector.extract_strided_slice %get3A_1 {offsets = [2, 0], sizes = [1, 1024], strides = [1, 1]} : vector<3x1024xf32> to vector<1x1024xf32>
    %mul3A_420 = arith.mulf %slice3A_418, %slice3A_419 : vector<1x1024xf32>
    %add3A_421 = arith.addf %add3A_417, %mul3A_420 : vector<1x1024xf32>
    %mul3A_422 = arith.constant -2.000000e+00 : f32
    %mul3A_423 = vector.broadcast %mul3A_422 : f32 to vector<3x1024xf32>
    %mul3A_424 = arith.mulf %get3A_1, %mul3A_423 : vector<3x1024xf32>
    %concatenate3A_425 = tpu.concatenate %mul3A_424, %add3A_421, %add3A_405, %broadcast_in_dim3A_402, %broadcast_in_dim3A_402, %broadcast_in_dim3A_402 in 0 : vector<3x1024xf32>, vector<1x1024xf32>, vector<1x1024xf32>, vector<1x1024xf32>, vector<1x1024xf32>, vector<1x1024xf32> -> vector<8x1024xf32>
    %transpose3A_426 = tpu.transpose %concatenate3A_425, [1, 0] : vector<8x1024xf32> -> vector<1024x8xf32>
    %swap3A_427 = arith.constant 0 : index
    %swap3A_428 = arith.constant 0 : index
    %swap3A_429 = arith.constant 0 : index
    %swap3A_430 = vector.load %arg14[%swap3A_427, %swap3A_428, %swap3A_429] : memref<1x1024x8xf32, #tpu.memory_space<vmem>>, vector<1x1024x8xf32>
    %swap3A_431 = vector.shape_cast %swap3A_430 : vector<1x1024x8xf32> to vector<1024x8xf32>
    %swap3A_432 = vector.shape_cast %transpose3A_426 : vector<1024x8xf32> to vector<1x1024x8xf32>
    tpu.vector_store %arg14[%swap3A_427, %swap3A_428, %swap3A_429], %swap3A_432 {strides = array<i32>} : memref<1x1024x8xf32, #tpu.memory_space<vmem>>, vector<1x1024x8xf32>,
    return
  }
  func.func @transform_0(%arg0: i32) -> (i32, i32) {
    %c0_i32 = arith.constant 0 : i32
    %c0_i32_0 = arith.constant 0 : i32
    %c0_i32_1 = arith.constant 0 : i32
    return %c0_i32, %c0_i32_0 : i32, i32
  }
  func.func @transform_1(%arg0: i32) -> (i32, i32, i32) {
    %c0_i32 = arith.constant 0 : i32
    %c0_i32_0 = arith.constant 0 : i32
    %c0_i32_1 = arith.constant 0 : i32
    return %arg0, %c0_i32, %c0_i32_0 : i32, i32, i32
  }
  func.func @transform_2(%arg0: i32) -> (i32, i32, i32) {
    %c0_i32 = arith.constant 0 : i32
    %c0_i32_0 = arith.constant 0 : i32
    %c0_i32_1 = arith.constant 0 : i32
    return %arg0, %c0_i32, %c0_i32_0 : i32, i32, i32
  }
  func.func @transform_3(%arg0: i32) -> (i32, i32, i32) {
    %c0_i32 = arith.constant 0 : i32
    %c0_i32_0 = arith.constant 0 : i32
    %c0_i32_1 = arith.constant 0 : i32
    return %arg0, %c0_i32, %c0_i32_0 : i32, i32, i32
  }
  func.func @transform_4(%arg0: i32) -> (i32, i32, i32) {
    %c0_i32 = arith.constant 0 : i32
    %c0_i32_0 = arith.constant 0 : i32
    %c0_i32_1 = arith.constant 0 : i32
    return %arg0, %c0_i32, %c0_i32_0 : i32, i32, i32
  }
  func.func @transform_5(%arg0: i32) -> (i32, i32) {
    %c0_i32 = arith.constant 0 : i32
    %c0_i32_0 = arith.constant 0 : i32
    %c0_i32_1 = arith.constant 0 : i32
    return %c0_i32, %c0_i32_0 : i32, i32
  }
  func.func @transform_6(%arg0: i32) -> (i32, i32) {
    %c0_i32 = arith.constant 0 : i32
    %c0_i32_0 = arith.constant 0 : i32
    %c0_i32_1 = arith.constant 0 : i32
    return %c0_i32, %c0_i32_0 : i32, i32
  }
  func.func @transform_7(%arg0: i32) -> (i32, i32) {
    %c0_i32 = arith.constant 0 : i32
    %c0_i32_0 = arith.constant 0 : i32
    %c0_i32_1 = arith.constant 0 : i32
    return %c0_i32, %c0_i32_0 : i32, i32
  }
  func.func @transform_8(%arg0: i32) -> (i32, i32) {
    %c0_i32 = arith.constant 0 : i32
    %c0_i32_0 = arith.constant 0 : i32
    %c0_i32_1 = arith.constant 0 : i32
    return %c0_i32, %c0_i32_0 : i32, i32
  }
  func.func @transform_9(%arg0: i32) -> (i32, i32) {
    %c0_i32 = arith.constant 0 : i32
    %c0_i32_0 = arith.constant 0 : i32
    %c0_i32_1 = arith.constant 0 : i32
    return %c0_i32, %c0_i32_0 : i32, i32
  }
  func.func @transform_10(%arg0: i32) -> (i32, i32) {
    %c0_i32 = arith.constant 0 : i32
    %c0_i32_0 = arith.constant 0 : i32
    %c0_i32_1 = arith.constant 0 : i32
    return %c0_i32, %c0_i32_0 : i32, i32
  }
  func.func @transform_11(%arg0: i32) -> (i32, i32) {
    %c0_i32 = arith.constant 0 : i32
    %c0_i32_0 = arith.constant 0 : i32
    %c0_i32_1 = arith.constant 0 : i32
    return %c0_i32, %c0_i32_0 : i32, i32
  }
  func.func @transform_12(%arg0: i32) -> (i32, i32, i32) {
    %c0_i32 = arith.constant 0 : i32
    %c0_i32_0 = arith.constant 0 : i32
    %c0_i32_1 = arith.constant 0 : i32
    return %arg0, %c0_i32, %c0_i32_0 : i32, i32, i32
  }
  func.func @transform_13(%arg0: i32) -> (i32, i32, i32) {
    %c0_i32 = arith.constant 0 : i32
    %c0_i32_0 = arith.constant 0 : i32
    %c0_i32_1 = arith.constant 0 : i32
    %c0_i32_2 = arith.constant 0 : i32
    return %c0_i32, %c0_i32_0, %c0_i32_1 : i32, i32, i32
  }
}

module attributes {stable_mosaic.version = 14 : i64} {
  func.func @_knn_body(%arg0: i32, %arg1: memref<3x1024xf32, #tpu.memory_space<vmem>>, %arg2: memref<1x1024x8xf32, #tpu.memory_space<vmem>>, %arg3: memref<5x1024xi32, #tpu.memory_space<vmem>>, %arg4: memref<5x1024xf32, #tpu.memory_space<vmem>>) attributes {dimension_semantics = [#tpu.dimension_semantics<arbitrary>], iteration_bounds = array<i64: 16>, scalar_prefetch = 0 : i64, scratch_operands = 0 : i64, tpu.core_type = #tpu.core_type<tc>, window_params = [{transform_indices = @transform_0, window_bounds = array<i64: 3, 1024>}, {pipeline_mode = #tpu.pipeline_mode<synchronous>, transform_indices = @transform_1, window_bounds = array<i64: 1, 1024, 8>}, {transform_indices = @transform_2, window_bounds = array<i64: 5, 1024>}, {transform_indices = @transform_3, window_bounds = array<i64: 5, 1024>}]} {
    %get3A = arith.constant 0 : index
    %get3A_0 = arith.constant 0 : index
    %get3A_1 = vector.load %arg1[%get3A, %get3A_0] : memref<3x1024xf32, #tpu.memory_space<vmem>>, vector<3x1024xf32>
    %slice3A = vector.extract_strided_slice %get3A_1 {offsets = [0, 0], sizes = [1, 1024], strides = [1, 1]} : vector<3x1024xf32> to vector<1x1024xf32>
    %slice3A_2 = vector.extract_strided_slice %get3A_1 {offsets = [1, 0], sizes = [1, 1024], strides = [1, 1]} : vector<3x1024xf32> to vector<1x1024xf32>
    %slice3A_3 = vector.extract_strided_slice %get3A_1 {offsets = [2, 0], sizes = [1, 1024], strides = [1, 1]} : vector<3x1024xf32> to vector<1x1024xf32>
    %mul3A = arith.mulf %slice3A, %slice3A : vector<1x1024xf32>
    %mul3A_4 = arith.mulf %slice3A_2, %slice3A_2 : vector<1x1024xf32>
    %add3A = arith.addf %mul3A, %mul3A_4 : vector<1x1024xf32>
    %mul3A_5 = arith.mulf %slice3A_3, %slice3A_3 : vector<1x1024xf32>
    %add3A_6 = arith.addf %add3A, %mul3A_5 : vector<1x1024xf32>
    %broadcast_in_dim3A = arith.constant 1.000000e+00 : f32
    %broadcast_in_dim3A_7 = vector.broadcast %broadcast_in_dim3A : f32 to vector<1x1024xf32>
    %broadcast_in_dim3A_8 = arith.constant 0.000000e+00 : f32
    %broadcast_in_dim3A_9 = vector.broadcast %broadcast_in_dim3A_8 : f32 to vector<1x1024xf32>
    %concatenate3A = tpu.concatenate %get3A_1, %broadcast_in_dim3A_7, %add3A_6, %broadcast_in_dim3A_9, %broadcast_in_dim3A_9, %broadcast_in_dim3A_9 in 0 : vector<3x1024xf32>, vector<1x1024xf32>, vector<1x1024xf32>, vector<1x1024xf32>, vector<1x1024xf32>, vector<1x1024xf32> -> vector<8x1024xf32>
    %get3A_10 = arith.constant 0 : index
    %get3A_11 = arith.constant 0 : index
    %get3A_12 = arith.constant 0 : index
    %get3A_13 = vector.load %arg2[%get3A_10, %get3A_11, %get3A_12] : memref<1x1024x8xf32, #tpu.memory_space<vmem>>, vector<1x1024x8xf32>
    %get3A_14 = vector.shape_cast %get3A_13 : vector<1x1024x8xf32> to vector<1024x8xf32>
    %dot_general3A = arith.constant dense<0.000000e+00> : vector<1024x1024xf32>
    %dot_general3A_15 = tpu.matmul %get3A_14, %concatenate3A, %dot_general3A {dimension_numbers = #tpu.dot_dimension_numbers<[1], [0], [0], [1], [0, 0, 1, 1], [], []>, transpose_lhs_hint = false} : vector<1024x8xf32>, vector<8x1024xf32>, vector<1024x1024xf32> -> vector<1024x1024xf32>
    %bitcast_convert_type3A = tpu.bitcast %dot_general3A_15 : vector<1024x1024xf32> -> vector<1024x1024xi32>
    %iota3A = tpu.iota {dimensions = array<i32: 0>} : vector<1024x1024xi32>
    %and3A = arith.constant -1024 : i32
    %and3A_16 = vector.broadcast %and3A : i32 to vector<1024x1024xi32>
    %and3A_17 = arith.andi %bitcast_convert_type3A, %and3A_16 : vector<1024x1024xi32>
    %or3A = arith.ori %and3A_17, %iota3A : vector<1024x1024xi32>
    %add3A_18 = arith.constant 16 : i32
    %add3A_19 = arith.addi %arg0, %add3A_18 : i32
    %jit3A = arith.constant 8 : i32
    %div3A = arith.divsi %add3A_19, %jit3A : i32
    %sign3A = arith.constant 0 : i32
    %sign3A_20 = arith.cmpi sgt, %add3A_19, %sign3A : i32
    %sign3A_21 = arith.extui %sign3A_20 : i1 to i32
    %sign3A_22 = arith.constant 0 : i32
    %sign3A_23 = arith.cmpi slt, %add3A_19, %sign3A_22 : i32
    %sign3A_24 = arith.extui %sign3A_23 : i1 to i32
    %sign3A_25 = arith.subi %sign3A_21, %sign3A_24 : i32
    %sign3A_26 = arith.constant 0 : i32
    %sign3A_27 = arith.cmpi sgt, %jit3A, %sign3A_26 : i32
    %sign3A_28 = arith.extui %sign3A_27 : i1 to i32
    %sign3A_29 = arith.constant 0 : i32
    %sign3A_30 = arith.cmpi slt, %jit3A, %sign3A_29 : i32
    %sign3A_31 = arith.extui %sign3A_30 : i1 to i32
    %sign3A_32 = arith.subi %sign3A_28, %sign3A_31 : i32
    %ne3A = arith.cmpi ne, %sign3A_25, %sign3A_32 : i32
    %rem3A = arith.remsi %add3A_19, %jit3A : i32
    %ne3A_33 = arith.constant 0 : i32
    %ne3A_34 = arith.cmpi ne, %rem3A, %ne3A_33 : i32
    %and3A_35 = arith.andi %ne3A, %ne3A_34 : i1
    %sub3A = arith.constant 1 : i32
    %sub3A_36 = arith.subi %div3A, %sub3A : i32
    %select_n3A = arith.select %and3A_35, %sub3A_36, %div3A : i32
    %mul3A_37 = arith.constant 1024 : i32
    %mul3A_38 = arith.muli %select_n3A, %mul3A_37 : i32
    %slice3A_39 = vector.extract_strided_slice %or3A {offsets = [0, 0], sizes = [512, 1024], strides = [1, 1]} : vector<1024x1024xi32> to vector<512x1024xi32>
    %slice3A_40 = vector.extract_strided_slice %or3A {offsets = [512, 0], sizes = [512, 1024], strides = [1, 1]} : vector<1024x1024xi32> to vector<512x1024xi32>
    %min3A = arith.minsi %slice3A_39, %slice3A_40 : vector<512x1024xi32>
    %slice3A_41 = vector.extract_strided_slice %or3A {offsets = [0, 0], sizes = [512, 1024], strides = [1, 1]} : vector<1024x1024xi32> to vector<512x1024xi32>
    %slice3A_42 = vector.extract_strided_slice %or3A {offsets = [512, 0], sizes = [512, 1024], strides = [1, 1]} : vector<1024x1024xi32> to vector<512x1024xi32>
    %max3A = arith.maxsi %slice3A_41, %slice3A_42 : vector<512x1024xi32>
    %reduce_min3A = arith.constant dense<2147483647> : vector<1024xi32>
    %reduce_min3A_43 = vector.multi_reduction <minsi>, %min3A, %reduce_min3A [0] : vector<512x1024xi32> to vector<1024xi32>
    %broadcast_in_dim3A_44 = vector.shape_cast %reduce_min3A_43 : vector<1024xi32> to vector<1x1024xi32>
    %and3A_45 = arith.constant -1024 : i32
    %and3A_46 = vector.broadcast %and3A_45 : i32 to vector<1x1024xi32>
    %and3A_47 = arith.andi %broadcast_in_dim3A_44, %and3A_46 : vector<1x1024xi32>
    %bitcast_convert_type3A_48 = tpu.bitcast %and3A_47 : vector<1x1024xi32> -> vector<1x1024xf32>
    %max3A_49 = arith.constant 9.99999996E-13 : f32
    %max3A_50 = vector.broadcast %max3A_49 : f32 to vector<1x1024xf32>
    %max3A_51 = arith.maximumf %bitcast_convert_type3A_48, %max3A_50 : vector<1x1024xf32>
    %sqrt3A = math.sqrt %max3A_51 : vector<1x1024xf32>
    %min3A_52 = arith.constant 1.000000e+00 : f32
    %min3A_53 = vector.broadcast %min3A_52 : f32 to vector<1x1024xf32>
    %min3A_54 = arith.minimumf %sqrt3A, %min3A_53 : vector<1x1024xf32>
    %sub3A_55 = arith.constant 9.99999997E-7 : f32
    %sub3A_56 = vector.broadcast %sub3A_55 : f32 to vector<1x1024xf32>
    %sub3A_57 = arith.subf %min3A_54, %sub3A_56 : vector<1x1024xf32>
    %log3A = math.log %sub3A_57 : vector<1x1024xf32>
    %neg3A = arith.constant 0.000000e+00 : f32
    %neg3A_58 = vector.broadcast %neg3A : f32 to vector<1x1024xf32>
    %neg3A_59 = arith.subf %neg3A_58, %log3A : vector<1x1024xf32>
    %and3A_60 = arith.constant 1023 : i32
    %and3A_61 = vector.broadcast %and3A_60 : i32 to vector<1x1024xi32>
    %and3A_62 = arith.andi %broadcast_in_dim3A_44, %and3A_61 : vector<1x1024xi32>
    %add3A_63 = vector.broadcast %mul3A_38 : i32 to vector<1x1024xi32>
    %add3A_64 = arith.addi %and3A_62, %add3A_63 : vector<1x1024xi32>
    %eq3A = vector.broadcast %broadcast_in_dim3A_44 : vector<1x1024xi32> to vector<512x1024xi32>
    %eq3A_65 = arith.cmpi eq, %min3A, %eq3A : vector<512x1024xi32>
    %select_n3A_66 = arith.select %eq3A_65, %max3A, %min3A : vector<512x1024xi1>, vector<512x1024xi32>
    %jit3A_67 = arith.constant 2147483647 : i32
    %broadcast_in_dim3A_68 = vector.broadcast %jit3A_67 : i32 to vector<512x1024xi32>
    %select_n3A_69 = arith.select %eq3A_65, %broadcast_in_dim3A_68, %max3A : vector<512x1024xi1>, vector<512x1024xi32>
    %reduce_min3A_70 = arith.constant dense<2147483647> : vector<1024xi32>
    %reduce_min3A_71 = vector.multi_reduction <minsi>, %select_n3A_66, %reduce_min3A_70 [0] : vector<512x1024xi32> to vector<1024xi32>
    %broadcast_in_dim3A_72 = vector.shape_cast %reduce_min3A_71 : vector<1024xi32> to vector<1x1024xi32>
    %and3A_73 = arith.constant -1024 : i32
    %and3A_74 = vector.broadcast %and3A_73 : i32 to vector<1x1024xi32>
    %and3A_75 = arith.andi %broadcast_in_dim3A_72, %and3A_74 : vector<1x1024xi32>
    %bitcast_convert_type3A_76 = tpu.bitcast %and3A_75 : vector<1x1024xi32> -> vector<1x1024xf32>
    %max3A_77 = arith.constant 9.99999996E-13 : f32
    %max3A_78 = vector.broadcast %max3A_77 : f32 to vector<1x1024xf32>
    %max3A_79 = arith.maximumf %bitcast_convert_type3A_76, %max3A_78 : vector<1x1024xf32>
    %sqrt3A_80 = math.sqrt %max3A_79 : vector<1x1024xf32>
    %min3A_81 = arith.constant 1.000000e+00 : f32
    %min3A_82 = vector.broadcast %min3A_81 : f32 to vector<1x1024xf32>
    %min3A_83 = arith.minimumf %sqrt3A_80, %min3A_82 : vector<1x1024xf32>
    %sub3A_84 = arith.constant 9.99999997E-7 : f32
    %sub3A_85 = vector.broadcast %sub3A_84 : f32 to vector<1x1024xf32>
    %sub3A_86 = arith.subf %min3A_83, %sub3A_85 : vector<1x1024xf32>
    %log3A_87 = math.log %sub3A_86 : vector<1x1024xf32>
    %neg3A_88 = arith.constant 0.000000e+00 : f32
    %neg3A_89 = vector.broadcast %neg3A_88 : f32 to vector<1x1024xf32>
    %neg3A_90 = arith.subf %neg3A_89, %log3A_87 : vector<1x1024xf32>
    %and3A_91 = arith.constant 1023 : i32
    %and3A_92 = vector.broadcast %and3A_91 : i32 to vector<1x1024xi32>
    %and3A_93 = arith.andi %broadcast_in_dim3A_72, %and3A_92 : vector<1x1024xi32>
    %add3A_94 = vector.broadcast %mul3A_38 : i32 to vector<1x1024xi32>
    %add3A_95 = arith.addi %and3A_93, %add3A_94 : vector<1x1024xi32>
    %eq3A_96 = vector.broadcast %broadcast_in_dim3A_72 : vector<1x1024xi32> to vector<512x1024xi32>
    %eq3A_97 = arith.cmpi eq, %select_n3A_66, %eq3A_96 : vector<512x1024xi32>
    %select_n3A_98 = arith.select %eq3A_97, %select_n3A_69, %select_n3A_66 : vector<512x1024xi1>, vector<512x1024xi32>
    %jit3A_99 = arith.constant 2147483647 : i32
    %broadcast_in_dim3A_100 = vector.broadcast %jit3A_99 : i32 to vector<512x1024xi32>
    %select_n3A_101 = arith.select %eq3A_97, %broadcast_in_dim3A_100, %select_n3A_69 : vector<512x1024xi1>, vector<512x1024xi32>
    %reduce_min3A_102 = arith.constant dense<2147483647> : vector<1024xi32>
    %reduce_min3A_103 = vector.multi_reduction <minsi>, %select_n3A_98, %reduce_min3A_102 [0] : vector<512x1024xi32> to vector<1024xi32>
    %broadcast_in_dim3A_104 = vector.shape_cast %reduce_min3A_103 : vector<1024xi32> to vector<1x1024xi32>
    %and3A_105 = arith.constant -1024 : i32
    %and3A_106 = vector.broadcast %and3A_105 : i32 to vector<1x1024xi32>
    %and3A_107 = arith.andi %broadcast_in_dim3A_104, %and3A_106 : vector<1x1024xi32>
    %bitcast_convert_type3A_108 = tpu.bitcast %and3A_107 : vector<1x1024xi32> -> vector<1x1024xf32>
    %max3A_109 = arith.constant 9.99999996E-13 : f32
    %max3A_110 = vector.broadcast %max3A_109 : f32 to vector<1x1024xf32>
    %max3A_111 = arith.maximumf %bitcast_convert_type3A_108, %max3A_110 : vector<1x1024xf32>
    %sqrt3A_112 = math.sqrt %max3A_111 : vector<1x1024xf32>
    %min3A_113 = arith.constant 1.000000e+00 : f32
    %min3A_114 = vector.broadcast %min3A_113 : f32 to vector<1x1024xf32>
    %min3A_115 = arith.minimumf %sqrt3A_112, %min3A_114 : vector<1x1024xf32>
    %sub3A_116 = arith.constant 9.99999997E-7 : f32
    %sub3A_117 = vector.broadcast %sub3A_116 : f32 to vector<1x1024xf32>
    %sub3A_118 = arith.subf %min3A_115, %sub3A_117 : vector<1x1024xf32>
    %log3A_119 = math.log %sub3A_118 : vector<1x1024xf32>
    %neg3A_120 = arith.constant 0.000000e+00 : f32
    %neg3A_121 = vector.broadcast %neg3A_120 : f32 to vector<1x1024xf32>
    %neg3A_122 = arith.subf %neg3A_121, %log3A_119 : vector<1x1024xf32>
    %and3A_123 = arith.constant 1023 : i32
    %and3A_124 = vector.broadcast %and3A_123 : i32 to vector<1x1024xi32>
    %and3A_125 = arith.andi %broadcast_in_dim3A_104, %and3A_124 : vector<1x1024xi32>
    %add3A_126 = vector.broadcast %mul3A_38 : i32 to vector<1x1024xi32>
    %add3A_127 = arith.addi %and3A_125, %add3A_126 : vector<1x1024xi32>
    %eq3A_128 = vector.broadcast %broadcast_in_dim3A_104 : vector<1x1024xi32> to vector<512x1024xi32>
    %eq3A_129 = arith.cmpi eq, %select_n3A_98, %eq3A_128 : vector<512x1024xi32>
    %select_n3A_130 = arith.select %eq3A_129, %select_n3A_101, %select_n3A_98 : vector<512x1024xi1>, vector<512x1024xi32>
    %jit3A_131 = arith.constant 2147483647 : i32
    %broadcast_in_dim3A_132 = vector.broadcast %jit3A_131 : i32 to vector<512x1024xi32>
    %select_n3A_133 = arith.select %eq3A_129, %broadcast_in_dim3A_132, %select_n3A_101 : vector<512x1024xi1>, vector<512x1024xi32>
    %reduce_min3A_134 = arith.constant dense<2147483647> : vector<1024xi32>
    %reduce_min3A_135 = vector.multi_reduction <minsi>, %select_n3A_130, %reduce_min3A_134 [0] : vector<512x1024xi32> to vector<1024xi32>
    %broadcast_in_dim3A_136 = vector.shape_cast %reduce_min3A_135 : vector<1024xi32> to vector<1x1024xi32>
    %and3A_137 = arith.constant -1024 : i32
    %and3A_138 = vector.broadcast %and3A_137 : i32 to vector<1x1024xi32>
    %and3A_139 = arith.andi %broadcast_in_dim3A_136, %and3A_138 : vector<1x1024xi32>
    %bitcast_convert_type3A_140 = tpu.bitcast %and3A_139 : vector<1x1024xi32> -> vector<1x1024xf32>
    %max3A_141 = arith.constant 9.99999996E-13 : f32
    %max3A_142 = vector.broadcast %max3A_141 : f32 to vector<1x1024xf32>
    %max3A_143 = arith.maximumf %bitcast_convert_type3A_140, %max3A_142 : vector<1x1024xf32>
    %sqrt3A_144 = math.sqrt %max3A_143 : vector<1x1024xf32>
    %min3A_145 = arith.constant 1.000000e+00 : f32
    %min3A_146 = vector.broadcast %min3A_145 : f32 to vector<1x1024xf32>
    %min3A_147 = arith.minimumf %sqrt3A_144, %min3A_146 : vector<1x1024xf32>
    %sub3A_148 = arith.constant 9.99999997E-7 : f32
    %sub3A_149 = vector.broadcast %sub3A_148 : f32 to vector<1x1024xf32>
    %sub3A_150 = arith.subf %min3A_147, %sub3A_149 : vector<1x1024xf32>
    %log3A_151 = math.log %sub3A_150 : vector<1x1024xf32>
    %neg3A_152 = arith.constant 0.000000e+00 : f32
    %neg3A_153 = vector.broadcast %neg3A_152 : f32 to vector<1x1024xf32>
    %neg3A_154 = arith.subf %neg3A_153, %log3A_151 : vector<1x1024xf32>
    %and3A_155 = arith.constant 1023 : i32
    %and3A_156 = vector.broadcast %and3A_155 : i32 to vector<1x1024xi32>
    %and3A_157 = arith.andi %broadcast_in_dim3A_136, %and3A_156 : vector<1x1024xi32>
    %add3A_158 = vector.broadcast %mul3A_38 : i32 to vector<1x1024xi32>
    %add3A_159 = arith.addi %and3A_157, %add3A_158 : vector<1x1024xi32>
    %eq3A_160 = vector.broadcast %broadcast_in_dim3A_136 : vector<1x1024xi32> to vector<512x1024xi32>
    %eq3A_161 = arith.cmpi eq, %select_n3A_130, %eq3A_160 : vector<512x1024xi32>
    %select_n3A_162 = arith.select %eq3A_161, %select_n3A_133, %select_n3A_130 : vector<512x1024xi1>, vector<512x1024xi32>
    %reduce_min3A_163 = arith.constant dense<2147483647> : vector<1024xi32>
    %reduce_min3A_164 = vector.multi_reduction <minsi>, %select_n3A_162, %reduce_min3A_163 [0] : vector<512x1024xi32> to vector<1024xi32>
    %broadcast_in_dim3A_165 = vector.shape_cast %reduce_min3A_164 : vector<1024xi32> to vector<1x1024xi32>
    %and3A_166 = arith.constant -1024 : i32
    %and3A_167 = vector.broadcast %and3A_166 : i32 to vector<1x1024xi32>
    %and3A_168 = arith.andi %broadcast_in_dim3A_165, %and3A_167 : vector<1x1024xi32>
    %bitcast_convert_type3A_169 = tpu.bitcast %and3A_168 : vector<1x1024xi32> -> vector<1x1024xf32>
    %max3A_170 = arith.constant 9.99999996E-13 : f32
    %max3A_171 = vector.broadcast %max3A_170 : f32 to vector<1x1024xf32>
    %max3A_172 = arith.maximumf %bitcast_convert_type3A_169, %max3A_171 : vector<1x1024xf32>
    %sqrt3A_173 = math.sqrt %max3A_172 : vector<1x1024xf32>
    %min3A_174 = arith.constant 1.000000e+00 : f32
    %min3A_175 = vector.broadcast %min3A_174 : f32 to vector<1x1024xf32>
    %min3A_176 = arith.minimumf %sqrt3A_173, %min3A_175 : vector<1x1024xf32>
    %sub3A_177 = arith.constant 9.99999997E-7 : f32
    %sub3A_178 = vector.broadcast %sub3A_177 : f32 to vector<1x1024xf32>
    %sub3A_179 = arith.subf %min3A_176, %sub3A_178 : vector<1x1024xf32>
    %log3A_180 = math.log %sub3A_179 : vector<1x1024xf32>
    %neg3A_181 = arith.constant 0.000000e+00 : f32
    %neg3A_182 = vector.broadcast %neg3A_181 : f32 to vector<1x1024xf32>
    %neg3A_183 = arith.subf %neg3A_182, %log3A_180 : vector<1x1024xf32>
    %and3A_184 = arith.constant 1023 : i32
    %and3A_185 = vector.broadcast %and3A_184 : i32 to vector<1x1024xi32>
    %and3A_186 = arith.andi %broadcast_in_dim3A_165, %and3A_185 : vector<1x1024xi32>
    %add3A_187 = vector.broadcast %mul3A_38 : i32 to vector<1x1024xi32>
    %add3A_188 = arith.addi %and3A_186, %add3A_187 : vector<1x1024xi32>
    %concatenate3A_189 = tpu.concatenate %neg3A_59, %neg3A_90, %neg3A_122, %neg3A_154, %neg3A_183 in 0 : vector<1x1024xf32>, vector<1x1024xf32>, vector<1x1024xf32>, vector<1x1024xf32>, vector<1x1024xf32> -> vector<5x1024xf32>
    %add3A_190 = arith.addf %neg3A_59, %neg3A_90 : vector<1x1024xf32>
    %add3A_191 = arith.addf %add3A_190, %neg3A_122 : vector<1x1024xf32>
    %add3A_192 = arith.addf %add3A_191, %neg3A_154 : vector<1x1024xf32>
    %add3A_193 = arith.addf %add3A_192, %neg3A_183 : vector<1x1024xf32>
    %concatenate3A_194 = tpu.concatenate %add3A_64, %add3A_95, %add3A_127, %add3A_159, %add3A_188 in 0 : vector<1x1024xi32>, vector<1x1024xi32>, vector<1x1024xi32>, vector<1x1024xi32>, vector<1x1024xi32> -> vector<5x1024xi32>
    %swap3A = arith.constant 0 : index
    %swap3A_195 = arith.constant 0 : index
    %swap3A_196 = vector.load %arg3[%swap3A, %swap3A_195] : memref<5x1024xi32, #tpu.memory_space<vmem>>, vector<5x1024xi32>
    tpu.vector_store %arg3[%swap3A, %swap3A_195], %concatenate3A_194 {strides = array<i32>} : memref<5x1024xi32, #tpu.memory_space<vmem>>, vector<5x1024xi32>,
    %div3A_197 = vector.broadcast %add3A_193 : vector<1x1024xf32> to vector<5x1024xf32>
    %div3A_198 = arith.divf %concatenate3A_189, %div3A_197 : vector<5x1024xf32>
    %swap3A_199 = arith.constant 0 : index
    %swap3A_200 = arith.constant 0 : index
    %swap3A_201 = vector.load %arg4[%swap3A_199, %swap3A_200] : memref<5x1024xf32, #tpu.memory_space<vmem>>, vector<5x1024xf32>
    tpu.vector_store %arg4[%swap3A_199, %swap3A_200], %div3A_198 {strides = array<i32>} : memref<5x1024xf32, #tpu.memory_space<vmem>>, vector<5x1024xf32>,
    return
  }
  func.func @transform_0(%arg0: i32) -> (i32, i32) {
    %c0_i32 = arith.constant 0 : i32
    %c0_i32_0 = arith.constant 0 : i32
    return %c0_i32, %arg0 : i32, i32
  }
  func.func @transform_1(%arg0: i32) -> (i32, i32, i32) {
    %c0_i32 = arith.constant 0 : i32
    %c0_i32_0 = arith.constant 0 : i32
    %c0_i32_1 = arith.constant 0 : i32
    %c0_i32_2 = arith.constant 0 : i32
    return %c0_i32, %c0_i32_0, %c0_i32_1 : i32, i32, i32
  }
  func.func @transform_2(%arg0: i32) -> (i32, i32) {
    %c0_i32 = arith.constant 0 : i32
    %c0_i32_0 = arith.constant 0 : i32
    return %c0_i32, %arg0 : i32, i32
  }
  func.func @transform_3(%arg0: i32) -> (i32, i32) {
    %c0_i32 = arith.constant 0 : i32
    %c0_i32_0 = arith.constant 0 : i32
    return %c0_i32, %arg0 : i32, i32
  }
}

module attributes {stable_mosaic.version = 14 : i64} {
  func.func @_knn_body(%arg0: i32, %arg1: memref<3x1024xf32, #tpu.memory_space<vmem>>, %arg2: memref<1x1024x8xf32, #tpu.memory_space<vmem>>, %arg3: memref<5x1024xi32, #tpu.memory_space<vmem>>, %arg4: memref<5x1024xf32, #tpu.memory_space<vmem>>) attributes {dimension_semantics = [#tpu.dimension_semantics<arbitrary>], iteration_bounds = array<i64: 16>, scalar_prefetch = 0 : i64, scratch_operands = 0 : i64, tpu.core_type = #tpu.core_type<tc>, window_params = [{transform_indices = @transform_0, window_bounds = array<i64: 3, 1024>}, {pipeline_mode = #tpu.pipeline_mode<synchronous>, transform_indices = @transform_1, window_bounds = array<i64: 1, 1024, 8>}, {transform_indices = @transform_2, window_bounds = array<i64: 5, 1024>}, {transform_indices = @transform_3, window_bounds = array<i64: 5, 1024>}]} {
    %get3A = arith.constant 0 : index
    %get3A_0 = arith.constant 0 : index
    %get3A_1 = vector.load %arg1[%get3A, %get3A_0] : memref<3x1024xf32, #tpu.memory_space<vmem>>, vector<3x1024xf32>
    %slice3A = vector.extract_strided_slice %get3A_1 {offsets = [0, 0], sizes = [1, 1024], strides = [1, 1]} : vector<3x1024xf32> to vector<1x1024xf32>
    %slice3A_2 = vector.extract_strided_slice %get3A_1 {offsets = [1, 0], sizes = [1, 1024], strides = [1, 1]} : vector<3x1024xf32> to vector<1x1024xf32>
    %slice3A_3 = vector.extract_strided_slice %get3A_1 {offsets = [2, 0], sizes = [1, 1024], strides = [1, 1]} : vector<3x1024xf32> to vector<1x1024xf32>
    %mul3A = arith.mulf %slice3A, %slice3A : vector<1x1024xf32>
    %mul3A_4 = arith.mulf %slice3A_2, %slice3A_2 : vector<1x1024xf32>
    %add3A = arith.addf %mul3A, %mul3A_4 : vector<1x1024xf32>
    %mul3A_5 = arith.mulf %slice3A_3, %slice3A_3 : vector<1x1024xf32>
    %add3A_6 = arith.addf %add3A, %mul3A_5 : vector<1x1024xf32>
    %broadcast_in_dim3A = arith.constant 1.000000e+00 : f32
    %broadcast_in_dim3A_7 = vector.broadcast %broadcast_in_dim3A : f32 to vector<1x1024xf32>
    %broadcast_in_dim3A_8 = arith.constant 0.000000e+00 : f32
    %broadcast_in_dim3A_9 = vector.broadcast %broadcast_in_dim3A_8 : f32 to vector<1x1024xf32>
    %concatenate3A = tpu.concatenate %get3A_1, %broadcast_in_dim3A_7, %add3A_6, %broadcast_in_dim3A_9, %broadcast_in_dim3A_9, %broadcast_in_dim3A_9 in 0 : vector<3x1024xf32>, vector<1x1024xf32>, vector<1x1024xf32>, vector<1x1024xf32>, vector<1x1024xf32>, vector<1x1024xf32> -> vector<8x1024xf32>
    %get3A_10 = arith.constant 0 : index
    %get3A_11 = arith.constant 0 : index
    %get3A_12 = arith.constant 0 : index
    %get3A_13 = vector.load %arg2[%get3A_10, %get3A_11, %get3A_12] : memref<1x1024x8xf32, #tpu.memory_space<vmem>>, vector<1x1024x8xf32>
    %get3A_14 = vector.shape_cast %get3A_13 : vector<1x1024x8xf32> to vector<1024x8xf32>
    %dot_general3A = arith.constant dense<0.000000e+00> : vector<1024x1024xf32>
    %dot_general3A_15 = tpu.matmul %get3A_14, %concatenate3A, %dot_general3A {dimension_numbers = #tpu.dot_dimension_numbers<[1], [0], [0], [1], [0, 0, 1, 1], [], []>, transpose_lhs_hint = false} : vector<1024x8xf32>, vector<8x1024xf32>, vector<1024x1024xf32> -> vector<1024x1024xf32>
    %bitcast_convert_type3A = tpu.bitcast %dot_general3A_15 : vector<1024x1024xf32> -> vector<1024x1024xi32>
    %iota3A = tpu.iota {dimensions = array<i32: 0>} : vector<1024x1024xi32>
    %and3A = arith.constant -1024 : i32
    %and3A_16 = vector.broadcast %and3A : i32 to vector<1024x1024xi32>
    %and3A_17 = arith.andi %bitcast_convert_type3A, %and3A_16 : vector<1024x1024xi32>
    %or3A = arith.ori %and3A_17, %iota3A : vector<1024x1024xi32>
    %add3A_18 = arith.constant 0 : i32
    %add3A_19 = arith.addi %arg0, %add3A_18 : i32
    %jit3A = arith.constant 8 : i32
    %div3A = arith.divsi %add3A_19, %jit3A : i32
    %sign3A = arith.constant 0 : i32
    %sign3A_20 = arith.cmpi sgt, %add3A_19, %sign3A : i32
    %sign3A_21 = arith.extui %sign3A_20 : i1 to i32
    %sign3A_22 = arith.constant 0 : i32
    %sign3A_23 = arith.cmpi slt, %add3A_19, %sign3A_22 : i32
    %sign3A_24 = arith.extui %sign3A_23 : i1 to i32
    %sign3A_25 = arith.subi %sign3A_21, %sign3A_24 : i32
    %sign3A_26 = arith.constant 0 : i32
    %sign3A_27 = arith.cmpi sgt, %jit3A, %sign3A_26 : i32
    %sign3A_28 = arith.extui %sign3A_27 : i1 to i32
    %sign3A_29 = arith.constant 0 : i32
    %sign3A_30 = arith.cmpi slt, %jit3A, %sign3A_29 : i32
    %sign3A_31 = arith.extui %sign3A_30 : i1 to i32
    %sign3A_32 = arith.subi %sign3A_28, %sign3A_31 : i32
    %ne3A = arith.cmpi ne, %sign3A_25, %sign3A_32 : i32
    %rem3A = arith.remsi %add3A_19, %jit3A : i32
    %ne3A_33 = arith.constant 0 : i32
    %ne3A_34 = arith.cmpi ne, %rem3A, %ne3A_33 : i32
    %and3A_35 = arith.andi %ne3A, %ne3A_34 : i1
    %sub3A = arith.constant 1 : i32
    %sub3A_36 = arith.subi %div3A, %sub3A : i32
    %select_n3A = arith.select %and3A_35, %sub3A_36, %div3A : i32
    %mul3A_37 = arith.constant 1024 : i32
    %mul3A_38 = arith.muli %select_n3A, %mul3A_37 : i32
    %slice3A_39 = vector.extract_strided_slice %or3A {offsets = [0, 0], sizes = [512, 1024], strides = [1, 1]} : vector<1024x1024xi32> to vector<512x1024xi32>
    %slice3A_40 = vector.extract_strided_slice %or3A {offsets = [512, 0], sizes = [512, 1024], strides = [1, 1]} : vector<1024x1024xi32> to vector<512x1024xi32>
    %min3A = arith.minsi %slice3A_39, %slice3A_40 : vector<512x1024xi32>
    %slice3A_41 = vector.extract_strided_slice %or3A {offsets = [0, 0], sizes = [512, 1024], strides = [1, 1]} : vector<1024x1024xi32> to vector<512x1024xi32>
    %slice3A_42 = vector.extract_strided_slice %or3A {offsets = [512, 0], sizes = [512, 1024], strides = [1, 1]} : vector<1024x1024xi32> to vector<512x1024xi32>
    %max3A = arith.maxsi %slice3A_41, %slice3A_42 : vector<512x1024xi32>
    %reduce_min3A = arith.constant dense<2147483647> : vector<1024xi32>
    %reduce_min3A_43 = vector.multi_reduction <minsi>, %min3A, %reduce_min3A [0] : vector<512x1024xi32> to vector<1024xi32>
    %broadcast_in_dim3A_44 = vector.shape_cast %reduce_min3A_43 : vector<1024xi32> to vector<1x1024xi32>
    %and3A_45 = arith.constant -1024 : i32
    %and3A_46 = vector.broadcast %and3A_45 : i32 to vector<1x1024xi32>
    %and3A_47 = arith.andi %broadcast_in_dim3A_44, %and3A_46 : vector<1x1024xi32>
    %bitcast_convert_type3A_48 = tpu.bitcast %and3A_47 : vector<1x1024xi32> -> vector<1x1024xf32>
    %max3A_49 = arith.constant 9.99999996E-13 : f32
    %max3A_50 = vector.broadcast %max3A_49 : f32 to vector<1x1024xf32>
    %max3A_51 = arith.maximumf %bitcast_convert_type3A_48, %max3A_50 : vector<1x1024xf32>
    %sqrt3A = math.sqrt %max3A_51 : vector<1x1024xf32>
    %min3A_52 = arith.constant 1.000000e+00 : f32
    %min3A_53 = vector.broadcast %min3A_52 : f32 to vector<1x1024xf32>
    %min3A_54 = arith.minimumf %sqrt3A, %min3A_53 : vector<1x1024xf32>
    %sub3A_55 = arith.constant 9.99999997E-7 : f32
    %sub3A_56 = vector.broadcast %sub3A_55 : f32 to vector<1x1024xf32>
    %sub3A_57 = arith.subf %min3A_54, %sub3A_56 : vector<1x1024xf32>
    %log3A = math.log %sub3A_57 : vector<1x1024xf32>
    %neg3A = arith.constant 0.000000e+00 : f32
    %neg3A_58 = vector.broadcast %neg3A : f32 to vector<1x1024xf32>
    %neg3A_59 = arith.subf %neg3A_58, %log3A : vector<1x1024xf32>
    %and3A_60 = arith.constant 1023 : i32
    %and3A_61 = vector.broadcast %and3A_60 : i32 to vector<1x1024xi32>
    %and3A_62 = arith.andi %broadcast_in_dim3A_44, %and3A_61 : vector<1x1024xi32>
    %add3A_63 = vector.broadcast %mul3A_38 : i32 to vector<1x1024xi32>
    %add3A_64 = arith.addi %and3A_62, %add3A_63 : vector<1x1024xi32>
    %eq3A = vector.broadcast %broadcast_in_dim3A_44 : vector<1x1024xi32> to vector<512x1024xi32>
    %eq3A_65 = arith.cmpi eq, %min3A, %eq3A : vector<512x1024xi32>
    %select_n3A_66 = arith.select %eq3A_65, %max3A, %min3A : vector<512x1024xi1>, vector<512x1024xi32>
    %jit3A_67 = arith.constant 2147483647 : i32
    %broadcast_in_dim3A_68 = vector.broadcast %jit3A_67 : i32 to vector<512x1024xi32>
    %select_n3A_69 = arith.select %eq3A_65, %broadcast_in_dim3A_68, %max3A : vector<512x1024xi1>, vector<512x1024xi32>
    %reduce_min3A_70 = arith.constant dense<2147483647> : vector<1024xi32>
    %reduce_min3A_71 = vector.multi_reduction <minsi>, %select_n3A_66, %reduce_min3A_70 [0] : vector<512x1024xi32> to vector<1024xi32>
    %broadcast_in_dim3A_72 = vector.shape_cast %reduce_min3A_71 : vector<1024xi32> to vector<1x1024xi32>
    %and3A_73 = arith.constant -1024 : i32
    %and3A_74 = vector.broadcast %and3A_73 : i32 to vector<1x1024xi32>
    %and3A_75 = arith.andi %broadcast_in_dim3A_72, %and3A_74 : vector<1x1024xi32>
    %bitcast_convert_type3A_76 = tpu.bitcast %and3A_75 : vector<1x1024xi32> -> vector<1x1024xf32>
    %max3A_77 = arith.constant 9.99999996E-13 : f32
    %max3A_78 = vector.broadcast %max3A_77 : f32 to vector<1x1024xf32>
    %max3A_79 = arith.maximumf %bitcast_convert_type3A_76, %max3A_78 : vector<1x1024xf32>
    %sqrt3A_80 = math.sqrt %max3A_79 : vector<1x1024xf32>
    %min3A_81 = arith.constant 1.000000e+00 : f32
    %min3A_82 = vector.broadcast %min3A_81 : f32 to vector<1x1024xf32>
    %min3A_83 = arith.minimumf %sqrt3A_80, %min3A_82 : vector<1x1024xf32>
    %sub3A_84 = arith.constant 9.99999997E-7 : f32
    %sub3A_85 = vector.broadcast %sub3A_84 : f32 to vector<1x1024xf32>
    %sub3A_86 = arith.subf %min3A_83, %sub3A_85 : vector<1x1024xf32>
    %log3A_87 = math.log %sub3A_86 : vector<1x1024xf32>
    %neg3A_88 = arith.constant 0.000000e+00 : f32
    %neg3A_89 = vector.broadcast %neg3A_88 : f32 to vector<1x1024xf32>
    %neg3A_90 = arith.subf %neg3A_89, %log3A_87 : vector<1x1024xf32>
    %and3A_91 = arith.constant 1023 : i32
    %and3A_92 = vector.broadcast %and3A_91 : i32 to vector<1x1024xi32>
    %and3A_93 = arith.andi %broadcast_in_dim3A_72, %and3A_92 : vector<1x1024xi32>
    %add3A_94 = vector.broadcast %mul3A_38 : i32 to vector<1x1024xi32>
    %add3A_95 = arith.addi %and3A_93, %add3A_94 : vector<1x1024xi32>
    %eq3A_96 = vector.broadcast %broadcast_in_dim3A_72 : vector<1x1024xi32> to vector<512x1024xi32>
    %eq3A_97 = arith.cmpi eq, %select_n3A_66, %eq3A_96 : vector<512x1024xi32>
    %select_n3A_98 = arith.select %eq3A_97, %select_n3A_69, %select_n3A_66 : vector<512x1024xi1>, vector<512x1024xi32>
    %jit3A_99 = arith.constant 2147483647 : i32
    %broadcast_in_dim3A_100 = vector.broadcast %jit3A_99 : i32 to vector<512x1024xi32>
    %select_n3A_101 = arith.select %eq3A_97, %broadcast_in_dim3A_100, %select_n3A_69 : vector<512x1024xi1>, vector<512x1024xi32>
    %reduce_min3A_102 = arith.constant dense<2147483647> : vector<1024xi32>
    %reduce_min3A_103 = vector.multi_reduction <minsi>, %select_n3A_98, %reduce_min3A_102 [0] : vector<512x1024xi32> to vector<1024xi32>
    %broadcast_in_dim3A_104 = vector.shape_cast %reduce_min3A_103 : vector<1024xi32> to vector<1x1024xi32>
    %and3A_105 = arith.constant -1024 : i32
    %and3A_106 = vector.broadcast %and3A_105 : i32 to vector<1x1024xi32>
    %and3A_107 = arith.andi %broadcast_in_dim3A_104, %and3A_106 : vector<1x1024xi32>
    %bitcast_convert_type3A_108 = tpu.bitcast %and3A_107 : vector<1x1024xi32> -> vector<1x1024xf32>
    %max3A_109 = arith.constant 9.99999996E-13 : f32
    %max3A_110 = vector.broadcast %max3A_109 : f32 to vector<1x1024xf32>
    %max3A_111 = arith.maximumf %bitcast_convert_type3A_108, %max3A_110 : vector<1x1024xf32>
    %sqrt3A_112 = math.sqrt %max3A_111 : vector<1x1024xf32>
    %min3A_113 = arith.constant 1.000000e+00 : f32
    %min3A_114 = vector.broadcast %min3A_113 : f32 to vector<1x1024xf32>
    %min3A_115 = arith.minimumf %sqrt3A_112, %min3A_114 : vector<1x1024xf32>
    %sub3A_116 = arith.constant 9.99999997E-7 : f32
    %sub3A_117 = vector.broadcast %sub3A_116 : f32 to vector<1x1024xf32>
    %sub3A_118 = arith.subf %min3A_115, %sub3A_117 : vector<1x1024xf32>
    %log3A_119 = math.log %sub3A_118 : vector<1x1024xf32>
    %neg3A_120 = arith.constant 0.000000e+00 : f32
    %neg3A_121 = vector.broadcast %neg3A_120 : f32 to vector<1x1024xf32>
    %neg3A_122 = arith.subf %neg3A_121, %log3A_119 : vector<1x1024xf32>
    %and3A_123 = arith.constant 1023 : i32
    %and3A_124 = vector.broadcast %and3A_123 : i32 to vector<1x1024xi32>
    %and3A_125 = arith.andi %broadcast_in_dim3A_104, %and3A_124 : vector<1x1024xi32>
    %add3A_126 = vector.broadcast %mul3A_38 : i32 to vector<1x1024xi32>
    %add3A_127 = arith.addi %and3A_125, %add3A_126 : vector<1x1024xi32>
    %eq3A_128 = vector.broadcast %broadcast_in_dim3A_104 : vector<1x1024xi32> to vector<512x1024xi32>
    %eq3A_129 = arith.cmpi eq, %select_n3A_98, %eq3A_128 : vector<512x1024xi32>
    %select_n3A_130 = arith.select %eq3A_129, %select_n3A_101, %select_n3A_98 : vector<512x1024xi1>, vector<512x1024xi32>
    %jit3A_131 = arith.constant 2147483647 : i32
    %broadcast_in_dim3A_132 = vector.broadcast %jit3A_131 : i32 to vector<512x1024xi32>
    %select_n3A_133 = arith.select %eq3A_129, %broadcast_in_dim3A_132, %select_n3A_101 : vector<512x1024xi1>, vector<512x1024xi32>
    %reduce_min3A_134 = arith.constant dense<2147483647> : vector<1024xi32>
    %reduce_min3A_135 = vector.multi_reduction <minsi>, %select_n3A_130, %reduce_min3A_134 [0] : vector<512x1024xi32> to vector<1024xi32>
    %broadcast_in_dim3A_136 = vector.shape_cast %reduce_min3A_135 : vector<1024xi32> to vector<1x1024xi32>
    %and3A_137 = arith.constant -1024 : i32
    %and3A_138 = vector.broadcast %and3A_137 : i32 to vector<1x1024xi32>
    %and3A_139 = arith.andi %broadcast_in_dim3A_136, %and3A_138 : vector<1x1024xi32>
    %bitcast_convert_type3A_140 = tpu.bitcast %and3A_139 : vector<1x1024xi32> -> vector<1x1024xf32>
    %max3A_141 = arith.constant 9.99999996E-13 : f32
    %max3A_142 = vector.broadcast %max3A_141 : f32 to vector<1x1024xf32>
    %max3A_143 = arith.maximumf %bitcast_convert_type3A_140, %max3A_142 : vector<1x1024xf32>
    %sqrt3A_144 = math.sqrt %max3A_143 : vector<1x1024xf32>
    %min3A_145 = arith.constant 1.000000e+00 : f32
    %min3A_146 = vector.broadcast %min3A_145 : f32 to vector<1x1024xf32>
    %min3A_147 = arith.minimumf %sqrt3A_144, %min3A_146 : vector<1x1024xf32>
    %sub3A_148 = arith.constant 9.99999997E-7 : f32
    %sub3A_149 = vector.broadcast %sub3A_148 : f32 to vector<1x1024xf32>
    %sub3A_150 = arith.subf %min3A_147, %sub3A_149 : vector<1x1024xf32>
    %log3A_151 = math.log %sub3A_150 : vector<1x1024xf32>
    %neg3A_152 = arith.constant 0.000000e+00 : f32
    %neg3A_153 = vector.broadcast %neg3A_152 : f32 to vector<1x1024xf32>
    %neg3A_154 = arith.subf %neg3A_153, %log3A_151 : vector<1x1024xf32>
    %and3A_155 = arith.constant 1023 : i32
    %and3A_156 = vector.broadcast %and3A_155 : i32 to vector<1x1024xi32>
    %and3A_157 = arith.andi %broadcast_in_dim3A_136, %and3A_156 : vector<1x1024xi32>
    %add3A_158 = vector.broadcast %mul3A_38 : i32 to vector<1x1024xi32>
    %add3A_159 = arith.addi %and3A_157, %add3A_158 : vector<1x1024xi32>
    %eq3A_160 = vector.broadcast %broadcast_in_dim3A_136 : vector<1x1024xi32> to vector<512x1024xi32>
    %eq3A_161 = arith.cmpi eq, %select_n3A_130, %eq3A_160 : vector<512x1024xi32>
    %select_n3A_162 = arith.select %eq3A_161, %select_n3A_133, %select_n3A_130 : vector<512x1024xi1>, vector<512x1024xi32>
    %reduce_min3A_163 = arith.constant dense<2147483647> : vector<1024xi32>
    %reduce_min3A_164 = vector.multi_reduction <minsi>, %select_n3A_162, %reduce_min3A_163 [0] : vector<512x1024xi32> to vector<1024xi32>
    %broadcast_in_dim3A_165 = vector.shape_cast %reduce_min3A_164 : vector<1024xi32> to vector<1x1024xi32>
    %and3A_166 = arith.constant -1024 : i32
    %and3A_167 = vector.broadcast %and3A_166 : i32 to vector<1x1024xi32>
    %and3A_168 = arith.andi %broadcast_in_dim3A_165, %and3A_167 : vector<1x1024xi32>
    %bitcast_convert_type3A_169 = tpu.bitcast %and3A_168 : vector<1x1024xi32> -> vector<1x1024xf32>
    %max3A_170 = arith.constant 9.99999996E-13 : f32
    %max3A_171 = vector.broadcast %max3A_170 : f32 to vector<1x1024xf32>
    %max3A_172 = arith.maximumf %bitcast_convert_type3A_169, %max3A_171 : vector<1x1024xf32>
    %sqrt3A_173 = math.sqrt %max3A_172 : vector<1x1024xf32>
    %min3A_174 = arith.constant 1.000000e+00 : f32
    %min3A_175 = vector.broadcast %min3A_174 : f32 to vector<1x1024xf32>
    %min3A_176 = arith.minimumf %sqrt3A_173, %min3A_175 : vector<1x1024xf32>
    %sub3A_177 = arith.constant 9.99999997E-7 : f32
    %sub3A_178 = vector.broadcast %sub3A_177 : f32 to vector<1x1024xf32>
    %sub3A_179 = arith.subf %min3A_176, %sub3A_178 : vector<1x1024xf32>
    %log3A_180 = math.log %sub3A_179 : vector<1x1024xf32>
    %neg3A_181 = arith.constant 0.000000e+00 : f32
    %neg3A_182 = vector.broadcast %neg3A_181 : f32 to vector<1x1024xf32>
    %neg3A_183 = arith.subf %neg3A_182, %log3A_180 : vector<1x1024xf32>
    %and3A_184 = arith.constant 1023 : i32
    %and3A_185 = vector.broadcast %and3A_184 : i32 to vector<1x1024xi32>
    %and3A_186 = arith.andi %broadcast_in_dim3A_165, %and3A_185 : vector<1x1024xi32>
    %add3A_187 = vector.broadcast %mul3A_38 : i32 to vector<1x1024xi32>
    %add3A_188 = arith.addi %and3A_186, %add3A_187 : vector<1x1024xi32>
    %concatenate3A_189 = tpu.concatenate %neg3A_59, %neg3A_90, %neg3A_122, %neg3A_154, %neg3A_183 in 0 : vector<1x1024xf32>, vector<1x1024xf32>, vector<1x1024xf32>, vector<1x1024xf32>, vector<1x1024xf32> -> vector<5x1024xf32>
    %add3A_190 = arith.addf %neg3A_59, %neg3A_90 : vector<1x1024xf32>
    %add3A_191 = arith.addf %add3A_190, %neg3A_122 : vector<1x1024xf32>
    %add3A_192 = arith.addf %add3A_191, %neg3A_154 : vector<1x1024xf32>
    %add3A_193 = arith.addf %add3A_192, %neg3A_183 : vector<1x1024xf32>
    %concatenate3A_194 = tpu.concatenate %add3A_64, %add3A_95, %add3A_127, %add3A_159, %add3A_188 in 0 : vector<1x1024xi32>, vector<1x1024xi32>, vector<1x1024xi32>, vector<1x1024xi32>, vector<1x1024xi32> -> vector<5x1024xi32>
    %swap3A = arith.constant 0 : index
    %swap3A_195 = arith.constant 0 : index
    %swap3A_196 = vector.load %arg3[%swap3A, %swap3A_195] : memref<5x1024xi32, #tpu.memory_space<vmem>>, vector<5x1024xi32>
    tpu.vector_store %arg3[%swap3A, %swap3A_195], %concatenate3A_194 {strides = array<i32>} : memref<5x1024xi32, #tpu.memory_space<vmem>>, vector<5x1024xi32>,
    %div3A_197 = vector.broadcast %add3A_193 : vector<1x1024xf32> to vector<5x1024xf32>
    %div3A_198 = arith.divf %concatenate3A_189, %div3A_197 : vector<5x1024xf32>
    %swap3A_199 = arith.constant 0 : index
    %swap3A_200 = arith.constant 0 : index
    %swap3A_201 = vector.load %arg4[%swap3A_199, %swap3A_200] : memref<5x1024xf32, #tpu.memory_space<vmem>>, vector<5x1024xf32>
    tpu.vector_store %arg4[%swap3A_199, %swap3A_200], %div3A_198 {strides = array<i32>} : memref<5x1024xf32, #tpu.memory_space<vmem>>, vector<5x1024xf32>,
    return
  }
  func.func @transform_0(%arg0: i32) -> (i32, i32) {
    %c0_i32 = arith.constant 0 : i32
    %c0_i32_0 = arith.constant 0 : i32
    return %c0_i32, %arg0 : i32, i32
  }
  func.func @transform_1(%arg0: i32) -> (i32, i32, i32) {
    %c0_i32 = arith.constant 0 : i32
    %c0_i32_0 = arith.constant 0 : i32
    %c0_i32_1 = arith.constant 0 : i32
    %c0_i32_2 = arith.constant 0 : i32
    return %c0_i32, %c0_i32_0, %c0_i32_1 : i32, i32, i32
  }
  func.func @transform_2(%arg0: i32) -> (i32, i32) {
    %c0_i32 = arith.constant 0 : i32
    %c0_i32_0 = arith.constant 0 : i32
    return %c0_i32, %arg0 : i32, i32
  }
  func.func @transform_3(%arg0: i32) -> (i32, i32) {
    %c0_i32 = arith.constant 0 : i32
    %c0_i32_0 = arith.constant 0 : i32
    return %c0_i32, %arg0 : i32, i32
  }
}

</mosaic_0001>

<sc_bundles>
// kernel: kernel.10.cloned.1.call-start
scs
__scs_entry_jumppad:
0x0: {  	(pc) =	sbr.rel $0x88, $3  }
0x1: {  	(tag) =	ssettag $0x0;
	lr =	simm.s32 $0x1  }
0x2: {  	[smem:$0x3F95] =	sst lr;
	_ =	strace $0xD0000000  }
0x3: {  	_ = 	snop  }
0x4: {  	_ = 	snop  }
0x5: {  	_ = 	snop  }
0x6: {  	_ = 	snop  }
0x7: {  	_ = 	snop  }
__scs_overlays_trampoline_lowered:
0x8: {  	[smem:$0x3FA4] =	sst s0  }
0x9: {  	[smem:$0x3FA5] =	sst s1  }
0xa: {  	[smem:$0x3FA6] =	sst s2  }
0xb: {  	[smem:$0x3FA7] =	sst s3  }
0xc: {  	[smem:$0x3FA8] =	sst s4  }
0xd: {  	[smem:$0x3FA9] =	sst s5  }
0xe: {  	[smem:$0x3FAA] =	sst s6  }
0xf: {  	[smem:$0x3FAB] =	sst s7  }
0x10: {  	[smem:$0x3FAC] =	sst s8  }
0x11: {  	[smem:$0x3FAD] =	sst s9;
	s0 =	simm.s32 @!p0 $0x0  }
0x12: {  	s1 =	sld [smem:$0x3F93];
	s0 =	simm.s32 @p0 $0x1  }
0x13: {  	[smem:$0x3FAE] =	sst s0;
	s0 =	simm.s32 @!p1 $0x0  }
0x14: {  	s2 =	sld [smem:$0x3F92];
	s0 =	simm.s32 @p1 $0x1  }
0x15: {  	[smem:$0x3FAF] =	sst s0;
	s0 =	simm.s32 @!p2 $0x0  }
0x16: {  	s3 =	sld [smem:$0x3FDB];
	s0 =	simm.s32 @p2 $0x1  }
0x17: {  	s4 =	simm.s32 $0x1BF5;
	[smem:$0x3FB1] =	sst s0  }
0x18: {  	s0 =	sld [smem:$0x3F94];
	_ =	swait.ge [sflag:s4], $0x0  }
0x19: {  	s7 =	sld [smem:$0x3F95]  }
0x1a: {  	s8 =	sadd.s32 $0xFFFFE003, lr  }
0x1b: {  	s9 =	sadd.s32 $0xFFFFFEF7, lr;
	s5 =	simm.s32 $0xFFFFFFFF;
	p2 =	slt.u32 s8, $0xFFFFF086  }
0x1c: {  	p1 =	slt.u32 s9, $0xF7A;
	s5 =	simm.s32 @!p2 $0x0  }
0x1d: {  	s5 =	simm.s32 @p1 $0x1;
	p0 =	seq.s32 s7, s2  }
0x1e: {  	s7 =	smul.u32 @!p0 $0xF7A, s2;
	p2 =	seq.s32 @!p0 s5, $0x0  }
0x1f: {  	s9 =	smul.u32 $0xF7A, s1;
	s8 =	simm.s32 @!p0 $0x1BF5;
	p2 =	por !p2, p0  }
0x20: {  	[sflag:s8] =	ssyncset.s32 @!p0 $0xFFFFF086;
	s6 =	sadd.s32 @!p0 s3, s7;
	s7 =	simm.s32 @!p0 $0x108  }
0x21: {  	s3 =	sadd.s32 s3, s9;
	s6 =	sadd.s32 @!p0 $0x88, s6;
	s7 =	simm.s32 @p2 $0x1082  }
0x22: {  	[simem:s7], [sflag:s8] =	dma.local @!p0 [hbm:s6], $0xF7A  }
0x23: {  	s9 =	sor.u32 $0xD0000000, s2;
	s6 =	simm.s32 $0x108;
	_ =	swait.ge @!p0 [sflag:s8], $0x0  }
0x24: {  	s3 =	sadd.s32 $0x88, s3;
	s6 =	simm.s32 @!p1 $0x1082;
	[sflag:s4] =	ssyncset.s32 $0xFFFFF086  }
0x25: {  	[simem:s6], [sflag:s4] =	dma.local [hbm:s3], $0xF7A  }
0x26: {  	[smem:$0x3F95] =	sst s1;
	(tag) =	ssettag s2;
	_ =	strace s9  }
0x27: {  	s1 =	sld [smem:$0x3FA5]  }
0x28: {  	s2 =	sld [smem:$0x3FA6]  }
0x29: {  	s4 =	sld [smem:$0x3FA8]  }
0x2a: {  	p0 =	seq.s32 s5, $0x0;
	s5 =	sld [smem:$0x3FA9]  }
0x2b: {  	s6 =	sld [smem:$0x3FAA]  }
0x2c: {  	s7 =	sld [smem:$0x3FAB]  }
0x2d: {  	s3 =	simm.s32 $0x108;
	s8 =	sld [smem:$0x3FAC]  }
0x2e: {  	s3 =	simm.s32 @!p0 $0x1082;
	s9 =	sld [smem:$0x3FAD]  }
0x2f: {  	lr =	sadd.s32 s0, s3;
	s0 =	sld [smem:$0x3FA4]  }
0x30: {  	s3 =	sld [smem:$0x3FA7]  }
0x31: {  	[smem:$0x3FB0] =	sst s10  }
0x32: {  	s10 =	sld [smem:$0x3FAE];
	_ =	sdelay $0x3  }
0x33: {  	p0 =	seq.s32 s10, $0x1;
	s10 =	sld [smem:$0x3FB0];
	_ =	sdelay $0x3  }
0x34: {  	[smem:$0x3FB0] =	sst s10  }
0x35: {  	s10 =	sld [smem:$0x3FAF];
	_ =	sdelay $0x3  }
0x36: {  	p1 =	seq.s32 s10, $0x1;
	s10 =	sld [smem:$0x3FB0];
	_ =	sdelay $0x3  }
0x37: {  	[smem:$0x3FB0] =	sst s10  }
0x38: {  	s10 =	sld [smem:$0x3FB1]  }
0x39: {  	_ = 	snop;
	(pc) =	sbr.ind lr, $3  }
0x3a: {  	_ = 	snop  }
0x3b: {  	_ = 	snop  }
0x3c: {  	p2 =	seq.s32 s10, $0x1;
	s10 =	sld [smem:$0x3FB0]  }
0x3d: {  	_ =	shalt  }
0x3e: {  	_ =	shalt  }
0x3f: {  	_ =	shalt  }
0x40: {  	_ =	shalt  }
0x41: {  	_ =	shalt  }
0x42: {  	_ =	shalt  }
0x43: {  	_ =	shalt  }
0x44: {  	_ =	shalt  }
0x45: {  	_ =	shalt  }
0x46: {  	_ =	shalt  }
0x47: {  	_ =	shalt  }
0x48: {  	_ =	shalt  }
0x49: {  	_ =	shalt  }
0x4a: {  	_ =	shalt  }
0x4b: {  	_ =	shalt  }
0x4c: {  	_ =	shalt  }
0x4d: {  	_ =	shalt  }
0x4e: {  	_ =	shalt  }
0x4f: {  	_ =	shalt  }
0x50: {  	_ =	shalt  }
0x51: {  	_ =	shalt  }
0x52: {  	_ =	shalt  }
0x53: {  	_ =	shalt  }
0x54: {  	_ =	shalt  }
0x55: {  	_ =	shalt  }
0x56: {  	_ =	shalt  }
0x57: {  	_ =	shalt  }
0x58: {  	_ =	shalt  }
0x59: {  	_ =	shalt  }
0x5a: {  	_ =	shalt  }
0x5b: {  	_ =	shalt  }
0x5c: {  	_ =	shalt  }
0x5d: {  	_ =	shalt  }
0x5e: {  	_ =	shalt  }
0x5f: {  	_ =	shalt  }
0x60: {  	_ =	shalt  }
0x61: {  	_ =	shalt  }
0x62: {  	_ =	shalt  }
0x63: {  	_ =	shalt  }
0x64: {  	_ =	shalt  }
0x65: {  	_ =	shalt  }
0x66: {  	_ =	shalt  }
0x67: {  	_ =	shalt  }
0x68: {  	_ =	shalt  }
0x69: {  	_ =	shalt  }
0x6a: {  	_ =	shalt  }
0x6b: {  	_ =	shalt  }
0x6c: {  	_ =	shalt  }
0x6d: {  	_ =	shalt  }
0x6e: {  	_ =	shalt  }
0x6f: {  	_ =	shalt  }
0x70: {  	_ =	shalt  }
0x71: {  	_ =	shalt  }
0x72: {  	_ =	shalt  }
0x73: {  	_ =	shalt  }
0x74: {  	_ =	shalt  }
0x75: {  	_ =	shalt  }
0x76: {  	_ =	shalt  }
0x77: {  	_ =	shalt  }
0x78: {  	_ =	shalt  }
0x79: {  	_ =	shalt  }
0x7a: {  	_ =	shalt  }
0x7b: {  	_ =	shalt  }
0x7c: {  	_ =	shalt  }
0x7d: {  	_ =	shalt  }
0x7e: {  	_ =	shalt  }
0x7f: {  	_ =	shalt  }
0x80: {  	_ =	shalt  }
0x81: {  	_ =	shalt  }
0x82: {  	_ =	shalt  }
0x83: {  	_ =	shalt  }
0x84: {  	_ =	shalt  }
0x85: {  	_ =	shalt  }
0x86: {  	_ =	shalt  }
0x87: {  	_ =	shalt  }
.Lfunc_end0:
.L_simem_size_0:
called_computation.1_lowered:
.L_overlay_start_0:
0x88: {  	s2 =	sld [smem:$0x3FD9]  }
0x89: {  	s3 =	sld [smem:$0x3FFE];
	_ =	sdelay $0x1  }
0x8a: {  	s1 =	srdreg.scid  }
0x8b: {  	s0 =	sand.u32 $0x1, s1  }
0x8c: {  	s17 =	sshll.u32 s0, $0xA;
	s2 =	sadd.s32 s3, s2  }
0x8d: {  	s2 =	sadd.s32 s2, s17  }
0x8e: {  	[smem:$0x3FBC] =	sst s2  }
0x8f: {  	_ = 	snop  }
0x90: {  	s2 =	sld [smem:$0x3FD0];
	(tm) =	ssettm $0x1  }
0x91: {  	s18 =	sld [smem:$0x3FFB];
	_ =	sdelay $0x3  }
0x92: {  	_ =	strace s18  }
0x93: {  	s3 =	sld [smem:$0x3FFC];
	_ =	sdelay $0x3  }
0x94: {  	_ =	strace s3  }
0x95: {  	s3 =	sld [smem:$0x3FFD];
	_ =	sdelay $0x3  }
0x96: {  	_ =	strace s3  }
0x97: {  	_ =	strace $0x8FFFFFFF  }
0x98: {  	s19 =	sld [smem:$0x3FDB];
	_ =	sdelay $0x1  }
0x99: {  	s4 =	simm.s32 $_scs_section_size  }
0x9a: {  	s5 =	simm.s32 $_size__tile_overlayer_lowered;
	s6 =	simm.s32 $_tile_overlayer_lowered  }
0x9b: {  	s22 =	simm.s32 $0x1BFF;
	s21 =	sshll.u32 s6, $0x1;
	s3 =	sadd.s32 s4, s19  }
0x9c: {  	s7 =	simm.s32 $0x0;
	s20 =	sshll.u32 s5, $0x1;
	s5 =	sadd.s32 s21, s3  }
0x9d: {  	[timem:s7], [sflag:s22] =	dma.local [hbm:s5], s20  }
0x9e: {  	_ =	swait.ge [sflag:s22], s20  }
0x9f: {  	s4 =	ssub.s32 $0x0, s20;
	[sflag:s22] =	ssyncset.done $0x0  }
0xa0: {  	[sflag:s22] =	ssyncadd.s32 s4;
	_ =	sdelay $0x1  }
0xa1: {  	s23 =	simm.s32 $0x1B8B  }
0xa2: {  	_ =	swait.ge [sflag:s23], $0x1  }
0xa3: {  	[sflag:s23] =	ssyncset.done $0x0  }
0xa4: {  	s25 =	simm.s32 $0x1B8E;
	s24 =	sld [smem:$0x3FFE];
	[sflag:s23] =	ssyncadd.s32 $0xFFFFFFFF  }
0xa5: {  	s26 =	simm.s32 $execute0_lowered;
	[smem:$0x3FD2] =	sst s25  }
0xa6: {  	s5 =	sshll.u32 s26, $0x1;
	_ =	strace $0x80000046;
	[dreg:$0x1] =	wrdreg $0xFFFFFFFF  }
0xa7: {  	s28 =	simm.s32 $_size_execute0_lowered;
	s3 =	sadd.s32 s3, s5;
	[dreg:$0x0] =	wrdreg $0x0  }
0xa8: {  	s5 =	sshll.u32 s28, $0x1;
	[dreg:$0x2] =	wrdreg s3  }
0xa9: {  	[dreg:$0x3] =	wrdreg s5  }
0xaa: {  	[dreg:$0x4] =	wrdreg $0xC0  }
0xab: {  	_ =	task [dreg:s7], $0x5FFFF  }
0xac: {  	[dreg:$0x1] =	wrdreg $0xFFFFFFFF  }
0xad: {  	[dreg:$0x0] =	wrdreg $0x60  }
0xae: {  	[dreg:$0x2] =	wrdreg s2  }
0xaf: {  	[dreg:$0x3] =	wrdreg s24  }
0xb0: {  	[dreg:$0x4] =	wrdreg $0xA  }
0xb1: {  	_ =	task.clear_ibuf [dreg:s7], $0x5FFFF;
	_ =	strace $0x90000046  }
0xb2: {  	s29 =	simm.s32 $0xA;
	_ =	strace $0x80000048  }
0xb3: {  	_ =	swait.ge [sflag:s29], $0x1  }
0xb4: {  	[sflag:s29] =	ssyncadd.s32 $0xFFFFFFFF  }
0xb5: {  	_ =	strace $0x90000048  }
0xb6: {  	_ =	sfence  }
0xb7: {  	s30 =	sld [smem:$0x0];
	_ =	sdelay $0x2  }
0xb8: {  	s31 =	sshll.u32 s1, $0xD;
	s1 =	sshrl.u32 s1, $0x2  }
0xb9: {  	s3 =	sand.u32 $0x4000, s31;
	s1 =	sadd.s32 s1, s30  }
0xba: {  	s0 =	sor.u32 s3, s0;
	s1 =	sshll.u32 s1, $0x11  }
0xbb: {  	s0 =	sor.u32 s1, s0  }
0xbc: {  	s0 =	sadd.s32 $0x8F2B, s0  }
0xbd: {  	[sflag:s0] =	ssyncadd.remote.s32 $0x1  }
0xbe: {  	_ =	sfence.sel $0xFFFF  }
0xbf: {  	[dreg:$0x0] =	wrdreg $0xFFFFFFFF;
	(pc) =	sbr.abs _section_cstart, $3  }
0xc0: {  	[dreg:$0x1] =	wrdreg $0xFFFFFFFF  }
0xc1: {  	_ =	task.clear_ibuf [dreg:s7], $0x2FFFF;
	_ =	strace $0x9FFFFFFF  }
0xc2: {  	(tm) =	ssettm $0x7FFFFFFF  }
0xc3: {  	_ =	shalt  }
tec
execute0_lowered:
.L_overlay_start_1:
0x0: {  	(tag) =	ssettag $0x1  }
0x1: {  	s2 =	rddreg [dreg:$0x0]  }
0x2: {  	s4 =	rddreg [dreg:$0x1];
	s3 =	srdreg.scid  }
0x3: {  	s0 =	rddreg [dreg:$0x2];
	s1 =	stileid.u32  }
0x4: {  	s9 =	simm.s32 $0x1;
	s10 =	simm.s32 $0x10000;
	s11 =	simm.s32 $0x11000  }
0x5: {  	s12 =	simm.s32 $0x12000;
	s13 =	simm.s32 $0x12800;
	s14 =	simm.s32 $0x0  }
0x6: {  	s5 =	sand.u32 $0x1, s3;
	s3 =	simm.s32 $0x0;
	s6 =	sshll.u32 s1, $0xA  }
0x7: {  	s7 =	sshll.u32 s5, $0x9;
	[smem:$0x7FF] =	sst s3;
	s5 =	ssub.s32 $0x2, s5  }
0x8: {  	s6 =	sor.u32 s7, s6;
	_ =	strace $0x80000047;
	s31 =	sshrl.u32 s5, $0x1  }
0x9: {  	s7 =	sshrl.u32 s6, $0x1;
	s6 =	sadd.s32 s6, s4;
	s8 =	ssub.s32 s5, s31  }
0xa: {  	s7 =	sadd.s32 s7, s4;
	s4 =	sadd.s32 $0x6400, s6;
	s5 =	sadd.s32 $0xA400, s6  }
0xb: {  	s8 =	smax.u32 s8, $0x1;
	s6 =	sadd.s32 $0x2400, s7;
	s7 =	sadd.s32 $0xE400, s7  }
.LBB2_1:
0xc: {  	[tilespmem:s3], [sflag:$0x1] =	stream.linear.gather [hbm4b:s2+s3], $0x10000, $0x38;
	[tilespmem:$0x13000] =	vst v63  }
0xd: {  	_ =	swait.ge [sflag:s9], $0x10000  }
0xe: {  	[sflag:s9] =	ssyncset.done $0x0  }
0xf: {  	[sflag:s9] =	ssyncadd.s32 $0xFFFF0000  }
0x10: {  	[tilespmem:s10], [sflag:$0x1] =	stream.linear.gather [hbm4b:s4+s3], $0x1000, $0x38;
	[tilespmem:$0x13000] =	vst v63  }
0x11: {  	_ =	swait.ge [sflag:s9], $0x1000  }
0x12: {  	[sflag:s9] =	ssyncset.done $0x0  }
0x13: {  	[sflag:s9] =	ssyncadd.s32 $0xFFFFF000  }
0x14: {  	[tilespmem:s11], [sflag:$0x1] =	stream.linear.gather [hbm4b:s5+s3], $0x1000, $0x38;
	[tilespmem:$0x13000] =	vst v63  }
0x15: {  	_ =	swait.ge [sflag:s9], $0x1000  }
0x16: {  	[sflag:s9] =	ssyncset.done $0x0  }
0x17: {  	[sflag:s9] =	ssyncadd.s32 $0xFFFFF000  }
0x18: {  	[tilespmem:s12], [sflag:$0x1] =	stream.linear.gather [hbm4b:s6+s3], $0x800, $0x38;
	[tilespmem:$0x13000] =	vst v63  }
0x19: {  	_ =	swait.ge [sflag:s9], $0x800  }
0x1a: {  	[sflag:s9] =	ssyncset.done $0x0  }
0x1b: {  	s15 =	simm.s32 $0x0;
	s16 =	simm.s32 $0x0;
	[sflag:s9] =	ssyncadd.s32 $0xFFFFF800  }
.LBB2_2:
0x1c: {  	s18 =	sshrl.u32 s16, $0x3  }
0x1d: {  	s17 =	sand.u32 $0x70, s15;
	s20 =	sshll.u32 s18, $0xA  }
0x1e: {  	s19 =	sor.u32 s17, s20  }
0x1f: {  	v0 =	vld [tilespmem:s19+$0x10000]  }
0x20: {  	v11 =	vld [tilespmem:s19+$0x10080]  }
0x21: {  	v24 =	vld [tilespmem:s19+$0x10100];
	_ =	sdelay $0x2  }
0x22: {  	v4 =	vld [tilespmem:s19+$0x11000];
	v0 =	vshll.u32 v0, $0x4  }
0x23: {  	v17 =	vld [tilespmem:s19+$0x11080];
	v11 =	vshll.u32 v11, $0x4  }
0x24: {  	s20 =	sor.u32 s20, s15;
	v30 =	vld [tilespmem:s19+$0x11100];
	v24 =	vshll.u32 v24, $0x4  }
0x25: {  	s20 =	sor.u32 $0x180, s20;
	v60 =	vld [tilespmem:s19+$0x10200];
	v1 =	vor.u32 $0x1, v0  }
0x26: {  	v37 =	vld [tilespmem:s20+$0x10000];
	v2 =	vor.u32 $0x2, v0  }
0x27: {  	v3 =	vor.u32 $0x3, v0;
	v5 =	vld.idx.msk [tilespmem:v0+s3+$0x0], $0xffff  }
0x28: {  	v6 =	vor.u32 $0x4, v0;
	v18 =	vld.idx.msk [tilespmem:v11+s3+$0x0], $0xffff  }
0x29: {  	v7 =	vor.u32 $0x5, v0;
	v31 =	vld.idx.msk [tilespmem:v24+s3+$0x0], $0xffff  }
0x2a: {  	v8 =	vor.u32 $0x6, v0;
	v1 =	vld.idx.msk [tilespmem:v1+s3+$0x0], $0xffff  }
0x2b: {  	v9 =	vor.u32 $0x7, v0;
	v2 =	vld.idx.msk [tilespmem:v2+s3+$0x0], $0xffff  }
0x2c: {  	v10 =	vor.u32 $0x8, v0;
	v3 =	vld.idx.msk [tilespmem:v3+s3+$0x0], $0xffff  }
0x2d: {  	v12 =	vor.u32 $0x9, v0;
	v6 =	vld.idx.msk [tilespmem:v6+s3+$0x0], $0xffff  }
0x2e: {  	v13 =	vor.u32 $0xA, v0;
	v7 =	vld.idx.msk [tilespmem:v7+s3+$0x0], $0xffff  }
0x2f: {  	v14 =	vor.u32 $0x1, v11;
	v8 =	vld.idx.msk [tilespmem:v8+s3+$0x0], $0xffff  }
0x30: {  	v15 =	vor.u32 $0x2, v11;
	v9 =	vld.idx.msk [tilespmem:v9+s3+$0x0], $0xffff  }
0x31: {  	v16 =	vor.u32 $0x3, v11;
	v10 =	vld.idx.msk [tilespmem:v10+s3+$0x0], $0xffff  }
0x32: {  	v19 =	vor.u32 $0x4, v11;
	v12 =	vld.idx.msk [tilespmem:v12+s3+$0x0], $0xffff  }
0x33: {  	v20 =	vor.u32 $0x5, v11;
	v13 =	vld.idx.msk [tilespmem:v13+s3+$0x0], $0xffff  }
0x34: {  	v21 =	vor.u32 $0x6, v11;
	v14 =	vld.idx.msk [tilespmem:v14+s3+$0x0], $0xffff  }
0x35: {  	v22 =	vor.u32 $0x7, v11;
	v15 =	vld.idx.msk [tilespmem:v15+s3+$0x0], $0xffff  }
0x36: {  	v23 =	vor.u32 $0x8, v11;
	v16 =	vld.idx.msk [tilespmem:v16+s3+$0x0], $0xffff  }
0x37: {  	v25 =	vor.u32 $0x9, v11;
	v19 =	vld.idx.msk [tilespmem:v19+s3+$0x0], $0xffff  }
0x38: {  	v26 =	vor.u32 $0xA, v11;
	v20 =	vld.idx.msk [tilespmem:v20+s3+$0x0], $0xffff  }
0x39: {  	v27 =	vor.u32 $0x1, v24;
	v21 =	vld.idx.msk [tilespmem:v21+s3+$0x0], $0xffff  }
0x3a: {  	v28 =	vor.u32 $0x2, v24;
	v22 =	vld.idx.msk [tilespmem:v22+s3+$0x0], $0xffff  }
0x3b: {  	v29 =	vor.u32 $0x3, v24;
	v32 =	vor.u32 $0x4, v24;
	v23 =	vld.idx.msk [tilespmem:v23+s3+$0x0], $0xffff  }
0x3c: {  	v33 =	vor.u32 $0x5, v24;
	v34 =	vor.u32 $0x6, v24;
	v35 =	vor.u32 $0x7, v24;
	v25 =	vld.idx.msk [tilespmem:v25+s3+$0x0], $0xffff  }
0x3d: {  	v36 =	vor.u32 $0x8, v24;
	v38 =	vor.u32 $0x9, v24;
	v42 =	vshll.u32 v37, $0x4;
	v26 =	vld.idx.msk [tilespmem:v26+s3+$0x0], $0xffff  }
0x3e: {  	v62 =	vor.u32 $0xA, v24;
	v45 =	vor.u32 $0x1, v42;
	v27 =	vld.idx.msk [tilespmem:v27+s3+$0x0], $0xffff;
	v5 =	vmul.f32 v5, v4  }
0x3f: {  	v46 =	vor.u32 $0x2, v42;
	v28 =	vld.idx.msk [tilespmem:v28+s3+$0x0], $0xffff;
	v61 =	vmul.f32 v18, v17;
	v53 =	vmul.f32 v31, v30  }
0x40: {  	v47 =	vor.u32 $0x3, v42;
	v29 =	vld.idx.msk [tilespmem:v29+s3+$0x0], $0xffff;
	v1 =	vmul.f32 v1, v4;
	v2 =	vmul.f32 v2, v4  }
0x41: {  	v50 =	vor.u32 $0x4, v42;
	v32 =	vld.idx.msk [tilespmem:v32+s3+$0x0], $0xffff;
	v3 =	vmul.f32 v3, v4;
	v6 =	vmul.f32 v6, v4  }
0x42: {  	v52 =	vor.u32 $0x5, v42;
	v34 =	vld.idx.msk [tilespmem:v34+s3+$0x0], $0xffff;
	v7 =	vmul.f32 v7, v4;
	v8 =	vmul.f32 v8, v4  }
0x43: {  	v55 =	vor.u32 $0x6, v42;
	v40 =	vld.idx.msk [tilespmem:v35+s3+$0x0], $0xffff;
	v9 =	vmul.f32 v9, v4;
	v10 =	vmul.f32 v10, v4  }
0x44: {  	v58 =	vor.u32 $0x7, v42;
	v41 =	vld.idx.msk [tilespmem:v36+s3+$0x0], $0xffff;
	v12 =	vmul.f32 v12, v4;
	v13 =	vmul.f32 v13, v4  }
0x45: {  	v59 =	vor.u32 $0x8, v42;
	v44 =	vld.idx.msk [tilespmem:v38+s3+$0x0], $0xffff;
	v14 =	vmul.f32 v14, v17;
	v15 =	vmul.f32 v15, v17  }
0x46: {  	v0 =	vor.u32 $0xB, v0;
	v49 =	vld.idx.msk [tilespmem:v42+s3+$0x0], $0xffff;
	v63 =	vmul.f32 v16, v17;
	v39 =	vmul.f32 v19, v17  }
0x47: {  	v11 =	vor.u32 $0xB, v11;
	v54 =	vld.idx.msk [tilespmem:v46+s3+$0x0], $0xffff;
	v20 =	vmul.f32 v20, v17;
	v21 =	vmul.f32 v21, v17  }
0x48: {  	v24 =	vor.u32 $0xB, v24;
	v18 =	vld.idx.msk [tilespmem:v33+s3+$0x0], $0xffff;
	v22 =	vmul.f32 v22, v17;
	v23 =	vmul.f32 v23, v17  }
0x49: {  	v33 =	vld.idx.msk [tilespmem:v62+s3+$0x0], $0xffff;
	v62 =	vor.u32 $0x9, v42;
	v48 =	vmul.f32 v25, v17;
	v51 =	vmul.f32 v26, v17  }
0x4a: {  	v57 =	vld.idx.msk [tilespmem:v47+s3+$0x0], $0xffff;
	v56 =	vmul.f32 v27, v30;
	v1 =	vadd.f32 v14, v1;
	v2 =	vadd.f32 v15, v2  }
0x4b: {  	v0 =	vld.idx.msk [tilespmem:v0+s3+$0x0], $0xffff;
	v29 =	vmul.f32 v29, v30;
	v3 =	vadd.f32 v63, v3;
	v43 =	vadd.f32 v39, v6  }
0x4c: {  	v11 =	vld.idx.msk [tilespmem:v11+s3+$0x0], $0xffff;
	v32 =	vmul.f32 v32, v30;
	v7 =	vadd.f32 v20, v7;
	v8 =	vadd.f32 v21, v8  }
0x4d: {  	v24 =	vld.idx.msk [tilespmem:v24+s3+$0x0], $0xffff;
	v37 =	vmul.f32 v34, v30;
	v9 =	vadd.f32 v22, v9;
	v10 =	vadd.f32 v23, v10  }
0x4e: {  	v31 =	vld.idx.msk [tilespmem:v58+s3+$0x0], $0xffff;
	v38 =	vmul.f32 v40, v30;
	v12 =	vadd.f32 v48, v12;
	v13 =	vadd.f32 v51, v13  }
0x4f: {  	v16 =	vld.idx.msk [tilespmem:v45+s3+$0x0], $0xffff;
	v63 =	vor.u32 $0xA, v42;
	v15 =	vor.u32 $0xB, v42;
	v14 =	vmul.f32 v41, v30  }
0x50: {  	v25 =	vld.idx.msk [tilespmem:v52+s3+$0x0], $0xffff;
	v6 =	vmul.f32 v44, v30;
	v0 =	vmul.f32 v0, v4;
	v4 =	vadd.f32 v61, v5  }
0x51: {  	v21 =	vld [tilespmem:s20+$0x11000];
	v11 =	vmul.f32 v11, v17;
	v1 =	vadd.f32 v56, v1;
	v61 =	vmul.f32 v28, v30  }
0x52: {  	v23 =	vld.idx.msk [tilespmem:v50+s3+$0x0], $0xffff;
	v18 =	vmul.f32 v18, v30;
	v3 =	vadd.f32 v29, v3;
	v5 =	vadd.f32 v32, v43  }
0x53: {  	v20 =	vld.idx.msk [tilespmem:v55+s3+$0x0], $0xffff;
	v17 =	vshll.u32 v60, $0x4;
	v8 =	vadd.f32 v37, v8;
	v9 =	vadd.f32 v38, v9  }
0x54: {  	v39 =	vld.idx.msk [tilespmem:v62+s3+$0x0], $0xffff;
	v10 =	vadd.f32 v14, v10;
	v43 =	vmul.f32 v33, v30;
	v6 =	vadd.f32 v6, v12  }
0x55: {  	v45 =	vmul.f32 v24, v30;
	v24 =	vld [tilespmem:s19+$0x11200];
	v40 =	vor.u32 $0x1, v17;
	v42 =	vor.u32 $0x2, v17  }
0x56: {  	v44 =	vor.u32 $0x3, v17;
	v46 =	vor.u32 $0x4, v17;
	v0 =	vadd.f32 v11, v0;
	v11 =	vld.idx.msk [tilespmem:v59+s3+$0x0], $0xffff  }
0x57: {  	v52 =	vor.u32 $0x6, v17;
	v55 =	vor.u32 $0x7, v17;
	v58 =	vor.u32 $0x8, v17;
	v41 =	vld.idx.msk [tilespmem:v63+s3+$0x0], $0xffff  }
0x58: {  	v36 =	vor.u32 $0xA, v17;
	v4 =	vadd.f32 v53, v4;
	v2 =	vadd.f32 v61, v2;
	v15 =	vld.idx.msk [tilespmem:v15+s3+$0x0], $0xffff  }
0x59: {  	v7 =	vadd.f32 v18, v7;
	v13 =	vadd.f32 v43, v13;
	v47 =	vmul.f32 v49, v21;
	v48 =	vld.idx.msk [tilespmem:v17+s3+$0x0], $0xffff  }
0x5a: {  	v61 =	vor.u32 $0x9, v17;
	v50 =	vmul.f32 v16, v21;
	v53 =	vmul.f32 v54, v21;
	v51 =	vld.idx.msk [tilespmem:v40+s3+$0x0], $0xffff  }
0x5b: {  	v49 =	vor.u32 $0x5, v17;
	v56 =	vmul.f32 v57, v21;
	v59 =	vmul.f32 v23, v21;
	v54 =	vld.idx.msk [tilespmem:v42+s3+$0x0], $0xffff  }
0x5c: {  	v62 =	vmul.f32 v25, v21;
	v0 =	vadd.f32 v45, v0;
	v4 =	vadd.f32 v47, v4;
	v57 =	vld.idx.msk [tilespmem:v44+s3+$0x0], $0xffff  }
0x5d: {  	v37 =	vmul.f32 v20, v21;
	v1 =	vadd.f32 v50, v1;
	v2 =	vadd.f32 v53, v2;
	v60 =	vld.idx.msk [tilespmem:v46+s3+$0x0], $0xffff  }
0x5e: {  	v38 =	vmul.f32 v31, v21;
	v3 =	vadd.f32 v56, v3;
	v5 =	vadd.f32 v59, v5;
	v28 =	vld.idx.msk [tilespmem:v52+s3+$0x0], $0xffff  }
0x5f: {  	v7 =	vadd.f32 v62, v7;
	v39 =	vmul.f32 v39, v21;
	v8 =	vadd.f32 v37, v8;
	v40 =	vld.idx.msk [tilespmem:v55+s3+$0x0], $0xffff  }
0x60: {  	v9 =	vadd.f32 v38, v9;
	v47 =	vor.u32 $0xB, v17;
	v42 =	vld.idx.msk [tilespmem:v58+s3+$0x0], $0xffff;
	v11 =	vmul.f32 v11, v21  }
0x61: {  	v45 =	vld.idx.msk [tilespmem:v36+s3+$0x0], $0xffff;
	v6 =	vadd.f32 v39, v6;
	v41 =	vmul.f32 v41, v21;
	v43 =	vmul.f32 v15, v21  }
0x62: {  	s18 =	sshll.u32 s18, $0x9;
	v44 =	vld.idx.msk [tilespmem:v61+s3+$0x0], $0xffff;
	v10 =	vadd.f32 v11, v10;
	v46 =	vmul.f32 v48, v24;
	v16 =	vmul.f32 v51, v24  }
0x63: {  	s17 =	sor.u32 s17, s18;
	v63 =	vld.idx.msk [tilespmem:v49+s3+$0x0], $0xffff;
	v13 =	vadd.f32 v41, v13;
	v48 =	vmul.f32 v54, v24;
	v50 =	vmul.f32 v57, v24  }
0x64: {  	v49 =	vld [tilespmem:s17+$0x12000];
	v0 =	vadd.f32 v43, v0;
	v52 =	vmul.f32 v60, v24;
	v55 =	vmul.f32 v28, v24  }
0x65: {  	v51 =	vld [tilespmem:s17+$0x12080];
	v19 =	vmul.f32 v40, v24;
	v56 =	vmul.f32 v42, v24;
	v4 =	vadd.f32 v46, v4  }
0x66: {  	v14 =	vmul.f32 v45, v24;
	v1 =	vadd.f32 v16, v1;
	v2 =	vadd.f32 v48, v2  }
0x67: {  	v54 =	vld [tilespmem:s17+$0x12100];
	v12 =	vmul.f32 v44, v24;
	v3 =	vadd.f32 v50, v3;
	v5 =	vadd.f32 v52, v5  }
0x68: {  	v11 =	vld.idx.msk [tilespmem:v47+s3+$0x0], $0xffff;
	v53 =	vmul.f32 v63, v24;
	v8 =	vadd.f32 v55, v8;
	v9 =	vadd.f32 v19, v9  }
0x69: {  	v10 =	vadd.f32 v56, v10;
	v4 =	vmul.f32 v49, v4;
	v6 =	vadd.f32 v12, v6  }
0x6a: {  	v7 =	vadd.f32 v53, v7;
	v5 =	vmul.f32 v49, v5;
	v1 =	vmul.f32 v51, v1  }
0x6b: {  	v57 =	vadd.f32 v14, v13;
	v58 =	vmul.f32 v49, v10;
	v6 =	vmul.f32 v51, v6  }
0x6c: {  	v2 =	vmul.f32 v54, v2;
	v7 =	vmul.f32 v51, v7;
	v1 =	vadd.f32 v1, v4  }
0x6d: {  	v59 =	vmul.f32 v11, v24;
	v62 =	vmul.f32 v54, v57;
	v61 =	vadd.f32 v6, v58  }
0x6e: {  	v60 =	vmul.f32 v54, v8;
	v5 =	vadd.f32 v7, v5;
	v1 =	vadd.f32 v2, v1  }
0x6f: {  	p0 =	sne.s32 s16, $0x1F;
	v0 =	vadd.f32 v59, v0;
	v2 =	vadd.f32 v62, v61  }
.Ltmp0:
0x70: {  	v5 =	vadd.f32 v60, v5;
	v1 =	vadd.f32 v1, v3;
	(pc) =	sbr.rel @p0 .LBB2_2-.Ltmp0, $4  }
0x71: {  	v0 =	vadd.f32 v2, v0  }
0x72: {  	v63 =	vadd.f32 v5, v9;
	[tilespmem:s17+$0x12800] =	vst v1  }
0x73: {  	[tilespmem:s17+$0x12900] =	vst v0  }
0x74: {  	s16 =	sadd.s32 $0x1, s16;
	s15 =	sadd.s32 $0x10, s15;
	[tilespmem:s17+$0x12880] =	vst v63  }
0x75: {  	s14 =	sadd.s32 $0x1, s14  }
0x76: {  	p0 =	sne.s32 s14, s8  }
.Ltmp1:
0x77: {  	_ = 	snop;
	(pc) =	sbr.rel @p0 .LBB2_1-.Ltmp1, $4  }
0x78: {  	[hbm4b:s7+s3] =	stream.linear.scatter [tilespmem:s13], [sflag:$0x1], $0x800, $0x38;
	[tilespmem:$0x13000] =	vst v63  }
0x79: {  	_ =	swait.ge [sflag:s9], $0x800  }
0x7a: {  	[sflag:s9] =	ssyncset.done $0x0  }
0x7b: {  	[sflag:s9] =	ssyncadd.s32 $0xFFFFF800  }
0x7c: {  	_ =	sfence.sel $0x180000  }
0x7d: {  	[bflag:$0x0] =	sbarrier.arrive $0xFFFF  }
0x7e: {  	p0 =	sne.s32 s1, $0x0;
	_ =	strace $0x90000047  }
0x7f: {  	s0 =	sadd.s32 @!p0 $0x100000, s0;
	[bflag:$0x2] =	sbarrier.arrive $0xFFFF  }
0x80: {  	[sflag:s0] =	ssyncadd.tile.s32 @!p0 $0x1;
	_ =	shalt  }
.Lfunc_end2:
_tile_overlayer_lowered:
.L_overlay_start_2:
0x81: {  	(tag) =	ssettag $0x2  }
0x82: {  	s0 =	rddreg [dreg:$0x0];
	s2 =	stileid.u32  }
0x83: {  	s1 =	rddreg [dreg:$0x1];
	p0 =	sne.s32 s2, $0x0  }
0x84: {  	s3 =	rddreg [dreg:$0x2];
	[bflag:$0x3] =	sbarrier.arrive $0xFFFF;
	s2 =	simm.s32 @!p0 $0x1C01  }
0x85: {  	[timem:s3], [sflag:s2] =	dma.local @!p0 [hbm:s0], s1  }
0x86: {  	s0 =	simm.s32 @!p0 $0x1  }
0x87: {  	_ =	swait.ge @!p0 [sflag:s0], s1  }
0x88: {  	s1 =	ssub.s32 @!p0 $0x0, s1;
	[sflag:s0] =	ssyncset.done @!p0 $0x0  }
0x89: {  	[sflag:s0] =	ssyncadd.s32 @!p0 s1  }
0x8a: {  	[bflag:$0x3] =	sbarrier.arrive $0xFFFF  }
0x8b: {  	_ =	shalt  }

// kernel: kernel.7.cloned.1.call-start
scs
__scs_entry_jumppad:
0x0: {  	(pc) =	sbr.rel $0x88, $3  }
0x1: {  	(tag) =	ssettag $0x0;
	lr =	simm.s32 $0x1  }
0x2: {  	[smem:$0x3F95] =	sst lr;
	_ =	strace $0xD0000000  }
0x3: {  	_ = 	snop  }
0x4: {  	_ = 	snop  }
0x5: {  	_ = 	snop  }
0x6: {  	_ = 	snop  }
0x7: {  	_ = 	snop  }
__scs_overlays_trampoline_lowered:
0x8: {  	[smem:$0x3FA4] =	sst s0  }
0x9: {  	[smem:$0x3FA5] =	sst s1  }
0xa: {  	[smem:$0x3FA6] =	sst s2  }
0xb: {  	[smem:$0x3FA7] =	sst s3  }
0xc: {  	[smem:$0x3FA8] =	sst s4  }
0xd: {  	[smem:$0x3FA9] =	sst s5  }
0xe: {  	[smem:$0x3FAA] =	sst s6  }
0xf: {  	[smem:$0x3FAB] =	sst s7  }
0x10: {  	[smem:$0x3FAC] =	sst s8  }
0x11: {  	[smem:$0x3FAD] =	sst s9;
	s0 =	simm.s32 @!p0 $0x0  }
0x12: {  	s1 =	sld [smem:$0x3F93];
	s0 =	simm.s32 @p0 $0x1  }
0x13: {  	[smem:$0x3FAE] =	sst s0;
	s0 =	simm.s32 @!p1 $0x0  }
0x14: {  	s2 =	sld [smem:$0x3F92];
	s0 =	simm.s32 @p1 $0x1  }
0x15: {  	[smem:$0x3FAF] =	sst s0;
	s0 =	simm.s32 @!p2 $0x0  }
0x16: {  	s3 =	sld [smem:$0x3FDB];
	s0 =	simm.s32 @p2 $0x1  }
0x17: {  	s4 =	simm.s32 $0x1BF5;
	[smem:$0x3FB1] =	sst s0  }
0x18: {  	s0 =	sld [smem:$0x3F94];
	_ =	swait.ge [sflag:s4], $0x0  }
0x19: {  	s7 =	sld [smem:$0x3F95]  }
0x1a: {  	s8 =	sadd.s32 $0xFFFFE003, lr  }
0x1b: {  	s9 =	sadd.s32 $0xFFFFFEF7, lr;
	s5 =	simm.s32 $0xFFFFFFFF;
	p2 =	slt.u32 s8, $0xFFFFF086  }
0x1c: {  	p1 =	slt.u32 s9, $0xF7A;
	s5 =	simm.s32 @!p2 $0x0  }
0x1d: {  	s5 =	simm.s32 @p1 $0x1;
	p0 =	seq.s32 s7, s2  }
0x1e: {  	s7 =	smul.u32 @!p0 $0xF7A, s2;
	p2 =	seq.s32 @!p0 s5, $0x0  }
0x1f: {  	s9 =	smul.u32 $0xF7A, s1;
	s8 =	simm.s32 @!p0 $0x1BF5;
	p2 =	por !p2, p0  }
0x20: {  	[sflag:s8] =	ssyncset.s32 @!p0 $0xFFFFF086;
	s6 =	sadd.s32 @!p0 s3, s7;
	s7 =	simm.s32 @!p0 $0x108  }
0x21: {  	s3 =	sadd.s32 s3, s9;
	s6 =	sadd.s32 @!p0 $0x88, s6;
	s7 =	simm.s32 @p2 $0x1082  }
0x22: {  	[simem:s7], [sflag:s8] =	dma.local @!p0 [hbm:s6], $0xF7A  }
0x23: {  	s9 =	sor.u32 $0xD0000000, s2;
	s6 =	simm.s32 $0x108;
	_ =	swait.ge @!p0 [sflag:s8], $0x0  }
0x24: {  	s3 =	sadd.s32 $0x88, s3;
	s6 =	simm.s32 @!p1 $0x1082;
	[sflag:s4] =	ssyncset.s32 $0xFFFFF086  }
0x25: {  	[simem:s6], [sflag:s4] =	dma.local [hbm:s3], $0xF7A  }
0x26: {  	[smem:$0x3F95] =	sst s1;
	(tag) =	ssettag s2;
	_ =	strace s9  }
0x27: {  	s1 =	sld [smem:$0x3FA5]  }
0x28: {  	s2 =	sld [smem:$0x3FA6]  }
0x29: {  	s4 =	sld [smem:$0x3FA8]  }
0x2a: {  	p0 =	seq.s32 s5, $0x0;
	s5 =	sld [smem:$0x3FA9]  }
0x2b: {  	s6 =	sld [smem:$0x3FAA]  }
0x2c: {  	s7 =	sld [smem:$0x3FAB]  }
0x2d: {  	s3 =	simm.s32 $0x108;
	s8 =	sld [smem:$0x3FAC]  }
0x2e: {  	s3 =	simm.s32 @!p0 $0x1082;
	s9 =	sld [smem:$0x3FAD]  }
0x2f: {  	lr =	sadd.s32 s0, s3;
	s0 =	sld [smem:$0x3FA4]  }
0x30: {  	s3 =	sld [smem:$0x3FA7]  }
0x31: {  	[smem:$0x3FB0] =	sst s10  }
0x32: {  	s10 =	sld [smem:$0x3FAE];
	_ =	sdelay $0x3  }
0x33: {  	p0 =	seq.s32 s10, $0x1;
	s10 =	sld [smem:$0x3FB0];
	_ =	sdelay $0x3  }
0x34: {  	[smem:$0x3FB0] =	sst s10  }
0x35: {  	s10 =	sld [smem:$0x3FAF];
	_ =	sdelay $0x3  }
0x36: {  	p1 =	seq.s32 s10, $0x1;
	s10 =	sld [smem:$0x3FB0];
	_ =	sdelay $0x3  }
0x37: {  	[smem:$0x3FB0] =	sst s10  }
0x38: {  	s10 =	sld [smem:$0x3FB1]  }
0x39: {  	_ = 	snop;
	(pc) =	sbr.ind lr, $3  }
0x3a: {  	_ = 	snop  }
0x3b: {  	_ = 	snop  }
0x3c: {  	p2 =	seq.s32 s10, $0x1;
	s10 =	sld [smem:$0x3FB0]  }
0x3d: {  	_ =	shalt  }
0x3e: {  	_ =	shalt  }
0x3f: {  	_ =	shalt  }
0x40: {  	_ =	shalt  }
0x41: {  	_ =	shalt  }
0x42: {  	_ =	shalt  }
0x43: {  	_ =	shalt  }
0x44: {  	_ =	shalt  }
0x45: {  	_ =	shalt  }
0x46: {  	_ =	shalt  }
0x47: {  	_ =	shalt  }
0x48: {  	_ =	shalt  }
0x49: {  	_ =	shalt  }
0x4a: {  	_ =	shalt  }
0x4b: {  	_ =	shalt  }
0x4c: {  	_ =	shalt  }
0x4d: {  	_ =	shalt  }
0x4e: {  	_ =	shalt  }
0x4f: {  	_ =	shalt  }
0x50: {  	_ =	shalt  }
0x51: {  	_ =	shalt  }
0x52: {  	_ =	shalt  }
0x53: {  	_ =	shalt  }
0x54: {  	_ =	shalt  }
0x55: {  	_ =	shalt  }
0x56: {  	_ =	shalt  }
0x57: {  	_ =	shalt  }
0x58: {  	_ =	shalt  }
0x59: {  	_ =	shalt  }
0x5a: {  	_ =	shalt  }
0x5b: {  	_ =	shalt  }
0x5c: {  	_ =	shalt  }
0x5d: {  	_ =	shalt  }
0x5e: {  	_ =	shalt  }
0x5f: {  	_ =	shalt  }
0x60: {  	_ =	shalt  }
0x61: {  	_ =	shalt  }
0x62: {  	_ =	shalt  }
0x63: {  	_ =	shalt  }
0x64: {  	_ =	shalt  }
0x65: {  	_ =	shalt  }
0x66: {  	_ =	shalt  }
0x67: {  	_ =	shalt  }
0x68: {  	_ =	shalt  }
0x69: {  	_ =	shalt  }
0x6a: {  	_ =	shalt  }
0x6b: {  	_ =	shalt  }
0x6c: {  	_ =	shalt  }
0x6d: {  	_ =	shalt  }
0x6e: {  	_ =	shalt  }
0x6f: {  	_ =	shalt  }
0x70: {  	_ =	shalt  }
0x71: {  	_ =	shalt  }
0x72: {  	_ =	shalt  }
0x73: {  	_ =	shalt  }
0x74: {  	_ =	shalt  }
0x75: {  	_ =	shalt  }
0x76: {  	_ =	shalt  }
0x77: {  	_ =	shalt  }
0x78: {  	_ =	shalt  }
0x79: {  	_ =	shalt  }
0x7a: {  	_ =	shalt  }
0x7b: {  	_ =	shalt  }
0x7c: {  	_ =	shalt  }
0x7d: {  	_ =	shalt  }
0x7e: {  	_ =	shalt  }
0x7f: {  	_ =	shalt  }
0x80: {  	_ =	shalt  }
0x81: {  	_ =	shalt  }
0x82: {  	_ =	shalt  }
0x83: {  	_ =	shalt  }
0x84: {  	_ =	shalt  }
0x85: {  	_ =	shalt  }
0x86: {  	_ =	shalt  }
0x87: {  	_ =	shalt  }
.Lfunc_end0:
.L_simem_size_0:
called_computation_lowered:
.L_overlay_start_0:
0x88: {  	s2 =	sld [smem:$0x3FD9]  }
0x89: {  	s3 =	sld [smem:$0x3FFE];
	_ =	sdelay $0x1  }
0x8a: {  	s1 =	srdreg.scid  }
0x8b: {  	s0 =	sand.u32 $0x1, s1  }
0x8c: {  	s17 =	sshll.u32 s0, $0xA;
	s2 =	sadd.s32 s3, s2  }
0x8d: {  	s2 =	sadd.s32 s2, s17  }
0x8e: {  	[smem:$0x3FBC] =	sst s2  }
0x8f: {  	_ = 	snop  }
0x90: {  	s18 =	sld [smem:$0x3FD0];
	(tm) =	ssettm $0x1  }
0x91: {  	s19 =	sld [smem:$0x3FFB];
	_ =	sdelay $0x3  }
0x92: {  	_ =	strace s19  }
0x93: {  	s2 =	sld [smem:$0x3FFC];
	_ =	sdelay $0x3  }
0x94: {  	_ =	strace s2  }
0x95: {  	s2 =	sld [smem:$0x3FFD];
	_ =	sdelay $0x3  }
0x96: {  	_ =	strace s2  }
0x97: {  	_ =	strace $0x8FFFFFFF  }
0x98: {  	s20 =	sld [smem:$0x3FDB];
	_ =	sdelay $0x1  }
0x99: {  	s4 =	simm.s32 $_scs_section_size  }
0x9a: {  	s5 =	simm.s32 $_size__tile_overlayer_lowered;
	s6 =	simm.s32 $_tile_overlayer_lowered  }
0x9b: {  	s7 =	simm.s32 $0x1BFF;
	s21 =	sshll.u32 s6, $0x1;
	s4 =	sadd.s32 s4, s20  }
0x9c: {  	s22 =	simm.s32 $0x0;
	s5 =	sshll.u32 s5, $0x1;
	s6 =	sadd.s32 s21, s4  }
0x9d: {  	[timem:s22], [sflag:s7] =	dma.local [hbm:s6], s5  }
0x9e: {  	_ =	swait.ge [sflag:s7], s5  }
0x9f: {  	s5 =	ssub.s32 $0x0, s5;
	[sflag:s7] =	ssyncset.done $0x0  }
0xa0: {  	[sflag:s7] =	ssyncadd.s32 s5;
	_ =	sdelay $0x1  }
0xa1: {  	s23 =	simm.s32 $0x1B8B  }
0xa2: {  	_ =	swait.ge [sflag:s23], $0x1  }
0xa3: {  	[sflag:s23] =	ssyncset.done $0x0  }
0xa4: {  	[sflag:s23] =	ssyncadd.s32 $0xFFFFFFFF  }
0xa5: {  	s5 =	sld [smem:$0x0]  }
0xa6: {  	s6 =	sand.u32 $0xFFFFFFFE, s1  }
0xa7: {  	p0 =	sne.s32 s1, s6  }
0xa8: {  	s6 =	sshll.u32 @p0 s6, $0xE  }
0xa9: {  	s6 =	sadd.s32 @p0 $0x11B8D, s6;
	s7 =	sshll.u32 @p0 s5, $0x11  }
0xaa: {  	s6 =	sor.u32 @p0 s7, s6  }
0xab: {  	[sflag:s6] =	ssyncadd.remote.s32 @p0 $0x1;
	_ =	sdelay $0x1  }
0xac: {  	s6 =	simm.s32 @p0 $0x1B8D  }
0xad: {  	_ =	swait.eq @p0 [sflag:s6], $0x1  }
0xae: {  	[sflag:s6] =	ssyncadd.s32 @p0 $0xFFFFFFFF  }
0xaf: {  	s7 =	sshll.u32 @!p0 s1, $0xE  }
0xb0: {  	s7 =	sor.u32 @!p0 $0x4000, s7;
	s6 =	simm.s32 @!p0 $0x1B8D  }
0xb1: {  	s5 =	sshll.u32 @!p0 s5, $0x11;
	s7 =	sadd.s32 @!p0 $0x11B8D, s7;
	_ =	swait.eq @!p0 [sflag:s6], $0x1  }
0xb2: {  	s5 =	sor.u32 @!p0 s5, s7;
	[sflag:s6] =	ssyncadd.s32 @!p0 $0xFFFFFFFF  }
0xb3: {  	s25 =	simm.s32 $0x1B8E;
	s24 =	sld [smem:$0x3FFE];
	[sflag:s5] =	ssyncadd.remote.s32 @!p0 $0x1  }
0xb4: {  	s26 =	simm.s32 $execute0_lowered;
	[smem:$0x3FD2] =	sst s25  }
0xb5: {  	s6 =	sshll.u32 s26, $0x1;
	_ =	strace $0x80000049;
	[dreg:$0x1] =	wrdreg $0xFFFFFFFF  }
0xb6: {  	s28 =	simm.s32 $_size_execute0_lowered;
	s4 =	sadd.s32 s4, s6;
	[dreg:$0x0] =	wrdreg $0x0  }
0xb7: {  	s6 =	sshll.u32 s28, $0x1;
	[dreg:$0x2] =	wrdreg s4  }
0xb8: {  	[dreg:$0x3] =	wrdreg s6  }
0xb9: {  	[dreg:$0x4] =	wrdreg $0xC0  }
0xba: {  	_ =	task [dreg:s22], $0x5FFFF  }
0xbb: {  	[dreg:$0x1] =	wrdreg $0xFFFFFFFF  }
0xbc: {  	[dreg:$0x0] =	wrdreg $0x60  }
0xbd: {  	[dreg:$0x2] =	wrdreg s18  }
0xbe: {  	[dreg:$0x3] =	wrdreg s24  }
0xbf: {  	[dreg:$0x4] =	wrdreg $0x9  }
0xc0: {  	_ =	task.clear_ibuf [dreg:s22], $0x5FFFF;
	_ =	strace $0x90000049  }
0xc1: {  	s29 =	simm.s32 $0x9;
	_ =	strace $0x8000004B  }
0xc2: {  	_ =	swait.ge [sflag:s29], $0x1  }
0xc3: {  	[sflag:s29] =	ssyncadd.s32 $0xFFFFFFFF  }
0xc4: {  	_ =	strace $0x9000004B  }
0xc5: {  	_ =	sfence  }
0xc6: {  	s30 =	sld [smem:$0x0];
	_ =	sdelay $0x2  }
0xc7: {  	s31 =	sshll.u32 s1, $0xD;
	s1 =	sshrl.u32 s1, $0x2  }
0xc8: {  	s4 =	sand.u32 $0x4000, s31;
	s1 =	sadd.s32 s1, s30  }
0xc9: {  	s0 =	sor.u32 s4, s0;
	s1 =	sshll.u32 s1, $0x11  }
0xca: {  	s0 =	sor.u32 s1, s0  }
0xcb: {  	s0 =	sadd.s32 $0x8F2B, s0  }
0xcc: {  	[sflag:s0] =	ssyncadd.remote.s32 $0x1  }
0xcd: {  	_ =	sfence.sel $0xFFFF  }
0xce: {  	[dreg:$0x0] =	wrdreg $0xFFFFFFFF;
	(pc) =	sbr.abs _section_cstart, $3  }
0xcf: {  	[dreg:$0x1] =	wrdreg $0xFFFFFFFF  }
0xd0: {  	_ =	task.clear_ibuf [dreg:s22], $0x2FFFF;
	_ =	strace $0x9FFFFFFF  }
0xd1: {  	(tm) =	ssettm $0x7FFFFFFF  }
tec
execute0_lowered:
.L_overlay_start_1:
0x0: {  	(tag) =	ssettag $0x1  }
0x1: {  	s2 =	rddreg [dreg:$0x0]  }
0x2: {  	s4 =	rddreg [dreg:$0x1];
	s3 =	srdreg.scid  }
0x3: {  	s0 =	rddreg [dreg:$0x2];
	s1 =	stileid.u32  }
0x4: {  	s9 =	simm.s32 $0x1;
	s10 =	simm.s32 $0x10000;
	s11 =	simm.s32 $0x11000  }
0x5: {  	s12 =	simm.s32 $0x12000;
	s13 =	simm.s32 $0x12800;
	s14 =	simm.s32 $0x0  }
0x6: {  	s5 =	sand.u32 $0x1, s3;
	s3 =	simm.s32 $0x0;
	s6 =	sshll.u32 s1, $0xA  }
0x7: {  	s7 =	sshll.u32 s5, $0x9;
	[smem:$0x7FF] =	sst s3;
	s5 =	ssub.s32 $0x2, s5  }
0x8: {  	s6 =	sor.u32 s7, s6;
	_ =	strace $0x8000004A;
	s31 =	sshrl.u32 s5, $0x1  }
0x9: {  	s7 =	sshrl.u32 s6, $0x1;
	s6 =	sadd.s32 s6, s4;
	s8 =	ssub.s32 s5, s31  }
0xa: {  	s7 =	sadd.s32 s7, s4;
	s4 =	sadd.s32 $0x10400, s6;
	s5 =	sadd.s32 $0x14400, s6  }
0xb: {  	s8 =	smax.u32 s8, $0x1;
	s6 =	sadd.s32 $0x4400, s7;
	s7 =	sadd.s32 $0x18400, s7  }
.LBB2_1:
0xc: {  	[tilespmem:s3], [sflag:$0x1] =	stream.linear.gather [hbm4b:s2+s3], $0x10000, $0x38;
	[tilespmem:$0x13000] =	vst v63  }
0xd: {  	_ =	swait.ge [sflag:s9], $0x10000  }
0xe: {  	[sflag:s9] =	ssyncset.done $0x0  }
0xf: {  	[sflag:s9] =	ssyncadd.s32 $0xFFFF0000  }
0x10: {  	[tilespmem:s10], [sflag:$0x1] =	stream.linear.gather [hbm4b:s4+s3], $0x1000, $0x38;
	[tilespmem:$0x13000] =	vst v63  }
0x11: {  	_ =	swait.ge [sflag:s9], $0x1000  }
0x12: {  	[sflag:s9] =	ssyncset.done $0x0  }
0x13: {  	[sflag:s9] =	ssyncadd.s32 $0xFFFFF000  }
0x14: {  	[tilespmem:s11], [sflag:$0x1] =	stream.linear.gather [hbm4b:s5+s3], $0x1000, $0x38;
	[tilespmem:$0x13000] =	vst v63  }
0x15: {  	_ =	swait.ge [sflag:s9], $0x1000  }
0x16: {  	[sflag:s9] =	ssyncset.done $0x0  }
0x17: {  	[sflag:s9] =	ssyncadd.s32 $0xFFFFF000  }
0x18: {  	[tilespmem:s12], [sflag:$0x1] =	stream.linear.gather [hbm4b:s6+s3], $0x800, $0x38;
	[tilespmem:$0x13000] =	vst v63  }
0x19: {  	_ =	swait.ge [sflag:s9], $0x800  }
0x1a: {  	[sflag:s9] =	ssyncset.done $0x0  }
0x1b: {  	s15 =	simm.s32 $0x0;
	s16 =	simm.s32 $0x0;
	[sflag:s9] =	ssyncadd.s32 $0xFFFFF800  }
.LBB2_2:
0x1c: {  	s18 =	sshrl.u32 s16, $0x3  }
0x1d: {  	s17 =	sand.u32 $0x70, s15;
	s20 =	sshll.u32 s18, $0xA  }
0x1e: {  	s19 =	sor.u32 s17, s20  }
0x1f: {  	v0 =	vld [tilespmem:s19+$0x10000]  }
0x20: {  	v11 =	vld [tilespmem:s19+$0x10080]  }
0x21: {  	v24 =	vld [tilespmem:s19+$0x10100];
	_ =	sdelay $0x2  }
0x22: {  	v4 =	vld [tilespmem:s19+$0x11000];
	v0 =	vshll.u32 v0, $0x4  }
0x23: {  	v17 =	vld [tilespmem:s19+$0x11080];
	v11 =	vshll.u32 v11, $0x4  }
0x24: {  	s20 =	sor.u32 s20, s15;
	v30 =	vld [tilespmem:s19+$0x11100];
	v24 =	vshll.u32 v24, $0x4  }
0x25: {  	s20 =	sor.u32 $0x180, s20;
	v60 =	vld [tilespmem:s19+$0x10200];
	v1 =	vor.u32 $0x1, v0  }
0x26: {  	v37 =	vld [tilespmem:s20+$0x10000];
	v2 =	vor.u32 $0x2, v0  }
0x27: {  	v3 =	vor.u32 $0x3, v0;
	v5 =	vld.idx.msk [tilespmem:v0+s3+$0x0], $0xffff  }
0x28: {  	v6 =	vor.u32 $0x4, v0;
	v18 =	vld.idx.msk [tilespmem:v11+s3+$0x0], $0xffff  }
0x29: {  	v7 =	vor.u32 $0x5, v0;
	v31 =	vld.idx.msk [tilespmem:v24+s3+$0x0], $0xffff  }
0x2a: {  	v8 =	vor.u32 $0x6, v0;
	v1 =	vld.idx.msk [tilespmem:v1+s3+$0x0], $0xffff  }
0x2b: {  	v9 =	vor.u32 $0x7, v0;
	v2 =	vld.idx.msk [tilespmem:v2+s3+$0x0], $0xffff  }
0x2c: {  	v10 =	vor.u32 $0x8, v0;
	v3 =	vld.idx.msk [tilespmem:v3+s3+$0x0], $0xffff  }
0x2d: {  	v12 =	vor.u32 $0x9, v0;
	v6 =	vld.idx.msk [tilespmem:v6+s3+$0x0], $0xffff  }
0x2e: {  	v13 =	vor.u32 $0xA, v0;
	v7 =	vld.idx.msk [tilespmem:v7+s3+$0x0], $0xffff  }
0x2f: {  	v14 =	vor.u32 $0x1, v11;
	v8 =	vld.idx.msk [tilespmem:v8+s3+$0x0], $0xffff  }
0x30: {  	v15 =	vor.u32 $0x2, v11;
	v9 =	vld.idx.msk [tilespmem:v9+s3+$0x0], $0xffff  }
0x31: {  	v16 =	vor.u32 $0x3, v11;
	v10 =	vld.idx.msk [tilespmem:v10+s3+$0x0], $0xffff  }
0x32: {  	v19 =	vor.u32 $0x4, v11;
	v12 =	vld.idx.msk [tilespmem:v12+s3+$0x0], $0xffff  }
0x33: {  	v20 =	vor.u32 $0x5, v11;
	v13 =	vld.idx.msk [tilespmem:v13+s3+$0x0], $0xffff  }
0x34: {  	v21 =	vor.u32 $0x6, v11;
	v14 =	vld.idx.msk [tilespmem:v14+s3+$0x0], $0xffff  }
0x35: {  	v22 =	vor.u32 $0x7, v11;
	v15 =	vld.idx.msk [tilespmem:v15+s3+$0x0], $0xffff  }
0x36: {  	v23 =	vor.u32 $0x8, v11;
	v16 =	vld.idx.msk [tilespmem:v16+s3+$0x0], $0xffff  }
0x37: {  	v25 =	vor.u32 $0x9, v11;
	v19 =	vld.idx.msk [tilespmem:v19+s3+$0x0], $0xffff  }
0x38: {  	v26 =	vor.u32 $0xA, v11;
	v20 =	vld.idx.msk [tilespmem:v20+s3+$0x0], $0xffff  }
0x39: {  	v27 =	vor.u32 $0x1, v24;
	v21 =	vld.idx.msk [tilespmem:v21+s3+$0x0], $0xffff  }
0x3a: {  	v28 =	vor.u32 $0x2, v24;
	v22 =	vld.idx.msk [tilespmem:v22+s3+$0x0], $0xffff  }
0x3b: {  	v29 =	vor.u32 $0x3, v24;
	v32 =	vor.u32 $0x4, v24;
	v23 =	vld.idx.msk [tilespmem:v23+s3+$0x0], $0xffff  }
0x3c: {  	v33 =	vor.u32 $0x5, v24;
	v34 =	vor.u32 $0x6, v24;
	v35 =	vor.u32 $0x7, v24;
	v25 =	vld.idx.msk [tilespmem:v25+s3+$0x0], $0xffff  }
0x3d: {  	v36 =	vor.u32 $0x8, v24;
	v38 =	vor.u32 $0x9, v24;
	v42 =	vshll.u32 v37, $0x4;
	v26 =	vld.idx.msk [tilespmem:v26+s3+$0x0], $0xffff  }
0x3e: {  	v62 =	vor.u32 $0xA, v24;
	v45 =	vor.u32 $0x1, v42;
	v27 =	vld.idx.msk [tilespmem:v27+s3+$0x0], $0xffff;
	v5 =	vmul.f32 v5, v4  }
0x3f: {  	v46 =	vor.u32 $0x2, v42;
	v28 =	vld.idx.msk [tilespmem:v28+s3+$0x0], $0xffff;
	v61 =	vmul.f32 v18, v17;
	v53 =	vmul.f32 v31, v30  }
0x40: {  	v47 =	vor.u32 $0x3, v42;
	v29 =	vld.idx.msk [tilespmem:v29+s3+$0x0], $0xffff;
	v1 =	vmul.f32 v1, v4;
	v2 =	vmul.f32 v2, v4  }
0x41: {  	v50 =	vor.u32 $0x4, v42;
	v32 =	vld.idx.msk [tilespmem:v32+s3+$0x0], $0xffff;
	v3 =	vmul.f32 v3, v4;
	v6 =	vmul.f32 v6, v4  }
0x42: {  	v52 =	vor.u32 $0x5, v42;
	v34 =	vld.idx.msk [tilespmem:v34+s3+$0x0], $0xffff;
	v7 =	vmul.f32 v7, v4;
	v8 =	vmul.f32 v8, v4  }
0x43: {  	v55 =	vor.u32 $0x6, v42;
	v40 =	vld.idx.msk [tilespmem:v35+s3+$0x0], $0xffff;
	v9 =	vmul.f32 v9, v4;
	v10 =	vmul.f32 v10, v4  }
0x44: {  	v58 =	vor.u32 $0x7, v42;
	v41 =	vld.idx.msk [tilespmem:v36+s3+$0x0], $0xffff;
	v12 =	vmul.f32 v12, v4;
	v13 =	vmul.f32 v13, v4  }
0x45: {  	v59 =	vor.u32 $0x8, v42;
	v44 =	vld.idx.msk [tilespmem:v38+s3+$0x0], $0xffff;
	v14 =	vmul.f32 v14, v17;
	v15 =	vmul.f32 v15, v17  }
0x46: {  	v0 =	vor.u32 $0xB, v0;
	v49 =	vld.idx.msk [tilespmem:v42+s3+$0x0], $0xffff;
	v63 =	vmul.f32 v16, v17;
	v39 =	vmul.f32 v19, v17  }
0x47: {  	v11 =	vor.u32 $0xB, v11;
	v54 =	vld.idx.msk [tilespmem:v46+s3+$0x0], $0xffff;
	v20 =	vmul.f32 v20, v17;
	v21 =	vmul.f32 v21, v17  }
0x48: {  	v24 =	vor.u32 $0xB, v24;
	v18 =	vld.idx.msk [tilespmem:v33+s3+$0x0], $0xffff;
	v22 =	vmul.f32 v22, v17;
	v23 =	vmul.f32 v23, v17  }
0x49: {  	v33 =	vld.idx.msk [tilespmem:v62+s3+$0x0], $0xffff;
	v62 =	vor.u32 $0x9, v42;
	v48 =	vmul.f32 v25, v17;
	v51 =	vmul.f32 v26, v17  }
0x4a: {  	v57 =	vld.idx.msk [tilespmem:v47+s3+$0x0], $0xffff;
	v56 =	vmul.f32 v27, v30;
	v1 =	vadd.f32 v14, v1;
	v2 =	vadd.f32 v15, v2  }
0x4b: {  	v0 =	vld.idx.msk [tilespmem:v0+s3+$0x0], $0xffff;
	v29 =	vmul.f32 v29, v30;
	v3 =	vadd.f32 v63, v3;
	v43 =	vadd.f32 v39, v6  }
0x4c: {  	v11 =	vld.idx.msk [tilespmem:v11+s3+$0x0], $0xffff;
	v32 =	vmul.f32 v32, v30;
	v7 =	vadd.f32 v20, v7;
	v8 =	vadd.f32 v21, v8  }
0x4d: {  	v24 =	vld.idx.msk [tilespmem:v24+s3+$0x0], $0xffff;
	v37 =	vmul.f32 v34, v30;
	v9 =	vadd.f32 v22, v9;
	v10 =	vadd.f32 v23, v10  }
0x4e: {  	v31 =	vld.idx.msk [tilespmem:v58+s3+$0x0], $0xffff;
	v38 =	vmul.f32 v40, v30;
	v12 =	vadd.f32 v48, v12;
	v13 =	vadd.f32 v51, v13  }
0x4f: {  	v16 =	vld.idx.msk [tilespmem:v45+s3+$0x0], $0xffff;
	v63 =	vor.u32 $0xA, v42;
	v15 =	vor.u32 $0xB, v42;
	v14 =	vmul.f32 v41, v30  }
0x50: {  	v25 =	vld.idx.msk [tilespmem:v52+s3+$0x0], $0xffff;
	v6 =	vmul.f32 v44, v30;
	v0 =	vmul.f32 v0, v4;
	v4 =	vadd.f32 v61, v5  }
0x51: {  	v21 =	vld [tilespmem:s20+$0x11000];
	v11 =	vmul.f32 v11, v17;
	v1 =	vadd.f32 v56, v1;
	v61 =	vmul.f32 v28, v30  }
0x52: {  	v23 =	vld.idx.msk [tilespmem:v50+s3+$0x0], $0xffff;
	v18 =	vmul.f32 v18, v30;
	v3 =	vadd.f32 v29, v3;
	v5 =	vadd.f32 v32, v43  }
0x53: {  	v20 =	vld.idx.msk [tilespmem:v55+s3+$0x0], $0xffff;
	v17 =	vshll.u32 v60, $0x4;
	v8 =	vadd.f32 v37, v8;
	v9 =	vadd.f32 v38, v9  }
0x54: {  	v39 =	vld.idx.msk [tilespmem:v62+s3+$0x0], $0xffff;
	v10 =	vadd.f32 v14, v10;
	v43 =	vmul.f32 v33, v30;
	v6 =	vadd.f32 v6, v12  }
0x55: {  	v45 =	vmul.f32 v24, v30;
	v24 =	vld [tilespmem:s19+$0x11200];
	v40 =	vor.u32 $0x1, v17;
	v42 =	vor.u32 $0x2, v17  }
0x56: {  	v44 =	vor.u32 $0x3, v17;
	v46 =	vor.u32 $0x4, v17;
	v0 =	vadd.f32 v11, v0;
	v11 =	vld.idx.msk [tilespmem:v59+s3+$0x0], $0xffff  }
0x57: {  	v52 =	vor.u32 $0x6, v17;
	v55 =	vor.u32 $0x7, v17;
	v58 =	vor.u32 $0x8, v17;
	v41 =	vld.idx.msk [tilespmem:v63+s3+$0x0], $0xffff  }
0x58: {  	v36 =	vor.u32 $0xA, v17;
	v4 =	vadd.f32 v53, v4;
	v2 =	vadd.f32 v61, v2;
	v15 =	vld.idx.msk [tilespmem:v15+s3+$0x0], $0xffff  }
0x59: {  	v7 =	vadd.f32 v18, v7;
	v13 =	vadd.f32 v43, v13;
	v47 =	vmul.f32 v49, v21;
	v48 =	vld.idx.msk [tilespmem:v17+s3+$0x0], $0xffff  }
0x5a: {  	v61 =	vor.u32 $0x9, v17;
	v50 =	vmul.f32 v16, v21;
	v53 =	vmul.f32 v54, v21;
	v51 =	vld.idx.msk [tilespmem:v40+s3+$0x0], $0xffff  }
0x5b: {  	v49 =	vor.u32 $0x5, v17;
	v56 =	vmul.f32 v57, v21;
	v59 =	vmul.f32 v23, v21;
	v54 =	vld.idx.msk [tilespmem:v42+s3+$0x0], $0xffff  }
0x5c: {  	v62 =	vmul.f32 v25, v21;
	v0 =	vadd.f32 v45, v0;
	v4 =	vadd.f32 v47, v4;
	v57 =	vld.idx.msk [tilespmem:v44+s3+$0x0], $0xffff  }
0x5d: {  	v37 =	vmul.f32 v20, v21;
	v1 =	vadd.f32 v50, v1;
	v2 =	vadd.f32 v53, v2;
	v60 =	vld.idx.msk [tilespmem:v46+s3+$0x0], $0xffff  }
0x5e: {  	v38 =	vmul.f32 v31, v21;
	v3 =	vadd.f32 v56, v3;
	v5 =	vadd.f32 v59, v5;
	v28 =	vld.idx.msk [tilespmem:v52+s3+$0x0], $0xffff  }
0x5f: {  	v7 =	vadd.f32 v62, v7;
	v39 =	vmul.f32 v39, v21;
	v8 =	vadd.f32 v37, v8;
	v40 =	vld.idx.msk [tilespmem:v55+s3+$0x0], $0xffff  }
0x60: {  	v9 =	vadd.f32 v38, v9;
	v47 =	vor.u32 $0xB, v17;
	v42 =	vld.idx.msk [tilespmem:v58+s3+$0x0], $0xffff;
	v11 =	vmul.f32 v11, v21  }
0x61: {  	v45 =	vld.idx.msk [tilespmem:v36+s3+$0x0], $0xffff;
	v6 =	vadd.f32 v39, v6;
	v41 =	vmul.f32 v41, v21;
	v43 =	vmul.f32 v15, v21  }
0x62: {  	s18 =	sshll.u32 s18, $0x9;
	v44 =	vld.idx.msk [tilespmem:v61+s3+$0x0], $0xffff;
	v10 =	vadd.f32 v11, v10;
	v46 =	vmul.f32 v48, v24;
	v16 =	vmul.f32 v51, v24  }
0x63: {  	s17 =	sor.u32 s17, s18;
	v63 =	vld.idx.msk [tilespmem:v49+s3+$0x0], $0xffff;
	v13 =	vadd.f32 v41, v13;
	v48 =	vmul.f32 v54, v24;
	v50 =	vmul.f32 v57, v24  }
0x64: {  	v49 =	vld [tilespmem:s17+$0x12000];
	v0 =	vadd.f32 v43, v0;
	v52 =	vmul.f32 v60, v24;
	v55 =	vmul.f32 v28, v24  }
0x65: {  	v51 =	vld [tilespmem:s17+$0x12080];
	v19 =	vmul.f32 v40, v24;
	v56 =	vmul.f32 v42, v24;
	v4 =	vadd.f32 v46, v4  }
0x66: {  	v14 =	vmul.f32 v45, v24;
	v1 =	vadd.f32 v16, v1;
	v2 =	vadd.f32 v48, v2  }
0x67: {  	v54 =	vld [tilespmem:s17+$0x12100];
	v12 =	vmul.f32 v44, v24;
	v3 =	vadd.f32 v50, v3;
	v5 =	vadd.f32 v52, v5  }
0x68: {  	v11 =	vld.idx.msk [tilespmem:v47+s3+$0x0], $0xffff;
	v53 =	vmul.f32 v63, v24;
	v8 =	vadd.f32 v55, v8;
	v9 =	vadd.f32 v19, v9  }
0x69: {  	v10 =	vadd.f32 v56, v10;
	v4 =	vmul.f32 v49, v4;
	v6 =	vadd.f32 v12, v6  }
0x6a: {  	v7 =	vadd.f32 v53, v7;
	v5 =	vmul.f32 v49, v5;
	v1 =	vmul.f32 v51, v1  }
0x6b: {  	v57 =	vadd.f32 v14, v13;
	v58 =	vmul.f32 v49, v10;
	v6 =	vmul.f32 v51, v6  }
0x6c: {  	v2 =	vmul.f32 v54, v2;
	v7 =	vmul.f32 v51, v7;
	v1 =	vadd.f32 v1, v4  }
0x6d: {  	v59 =	vmul.f32 v11, v24;
	v62 =	vmul.f32 v54, v57;
	v61 =	vadd.f32 v6, v58  }
0x6e: {  	v60 =	vmul.f32 v54, v8;
	v5 =	vadd.f32 v7, v5;
	v1 =	vadd.f32 v2, v1  }
0x6f: {  	p0 =	sne.s32 s16, $0x1F;
	v0 =	vadd.f32 v59, v0;
	v2 =	vadd.f32 v62, v61  }
.Ltmp0:
0x70: {  	v5 =	vadd.f32 v60, v5;
	v1 =	vadd.f32 v1, v3;
	(pc) =	sbr.rel @p0 .LBB2_2-.Ltmp0, $4  }
0x71: {  	v0 =	vadd.f32 v2, v0  }
0x72: {  	v63 =	vadd.f32 v5, v9;
	[tilespmem:s17+$0x12800] =	vst v1  }
0x73: {  	[tilespmem:s17+$0x12900] =	vst v0  }
0x74: {  	s16 =	sadd.s32 $0x1, s16;
	s15 =	sadd.s32 $0x10, s15;
	[tilespmem:s17+$0x12880] =	vst v63  }
0x75: {  	s14 =	sadd.s32 $0x1, s14  }
0x76: {  	p0 =	sne.s32 s14, s8  }
.Ltmp1:
0x77: {  	_ = 	snop;
	(pc) =	sbr.rel @p0 .LBB2_1-.Ltmp1, $4  }
0x78: {  	[hbm4b:s7+s3] =	stream.linear.scatter [tilespmem:s13], [sflag:$0x1], $0x800, $0x38;
	[tilespmem:$0x13000] =	vst v63  }
0x79: {  	_ =	swait.ge [sflag:s9], $0x800  }
0x7a: {  	[sflag:s9] =	ssyncset.done $0x0  }
0x7b: {  	[sflag:s9] =	ssyncadd.s32 $0xFFFFF800  }
0x7c: {  	_ =	sfence.sel $0x180000  }
0x7d: {  	[bflag:$0x0] =	sbarrier.arrive $0xFFFF  }
0x7e: {  	p0 =	sne.s32 s1, $0x0;
	_ =	strace $0x9000004A  }
0x7f: {  	s0 =	sadd.s32 @!p0 $0x100000, s0;
	[bflag:$0x2] =	sbarrier.arrive $0xFFFF  }
0x80: {  	[sflag:s0] =	ssyncadd.tile.s32 @!p0 $0x1;
	_ =	shalt  }
.Lfunc_end2:
_tile_overlayer_lowered:
.L_overlay_start_2:
0x81: {  	(tag) =	ssettag $0x2  }
0x82: {  	s0 =	rddreg [dreg:$0x0];
	s2 =	stileid.u32  }
0x83: {  	s1 =	rddreg [dreg:$0x1];
	p0 =	sne.s32 s2, $0x0  }
0x84: {  	s3 =	rddreg [dreg:$0x2];
	[bflag:$0x3] =	sbarrier.arrive $0xFFFF;
	s2 =	simm.s32 @!p0 $0x1C01  }
0x85: {  	[timem:s3], [sflag:s2] =	dma.local @!p0 [hbm:s0], s1  }
0x86: {  	s0 =	simm.s32 @!p0 $0x1  }
0x87: {  	_ =	swait.ge @!p0 [sflag:s0], s1  }
0x88: {  	s1 =	ssub.s32 @!p0 $0x0, s1;
	[sflag:s0] =	ssyncset.done @!p0 $0x0  }
0x89: {  	[sflag:s0] =	ssyncadd.s32 @!p0 s1  }
0x8a: {  	[bflag:$0x3] =	sbarrier.arrive $0xFFFF  }
0x8b: {  	_ =	shalt  }

</sc_bundles>
